<compile_context>
chip_gen: v7x
topology: tpu7x:2x2x1
jax: 0.10.2.dev20260603
libtpu: 0.0.44.dev20260713+nightly
codegen_flags: <defaults>
</compile_context>

<pallas_src>
import functools

import jax
import jax.numpy as jnp
from jax.experimental import pallas as pl
from jax.experimental.pallas import tpu as pltpu
from jax.experimental.pallas import tpu_sc as plsc

_B, _P = 4, 2048
_KN = 64
_NC, _NS = 2, 16
_NW = _NC * _NS


def _fps_kernel(n_samples, S, bn, pos_ref, psm_ref, cps_ref):
    iota = (jax.lax.broadcasted_iota(jnp.int32, (S, 128), 0) * 128
            + jax.lax.broadcasted_iota(jnp.int32, (S, 128), 1))
    big = jnp.int32(2 ** 30)
    planes = [(pos_ref[b, 0], pos_ref[b, 1], pos_ref[b, 2]) for b in range(bn)]

    def body(i, carry):
        new = []
        for b in range(bn):
            min_d, cur = carry[2 * b], carry[2 * b + 1]
            px, py, pz = planes[b]
            base = (b * S * 128 + cur) * 3
            sx = psm_ref[base]
            sy = psm_ref[base + 1]
            sz = psm_ref[base + 2]
            cps_ref[b, i * 3] = sx
            cps_ref[b, i * 3 + 1] = sy
            cps_ref[b, i * 3 + 2] = sz
            dx = px - sx
            dy = py - sy
            dz = pz - sz
            d = dx * dx + dy * dy + dz * dz
            min_d = jnp.minimum(min_d, d)
            m = jnp.max(min_d)
            nxt = jnp.min(jnp.where(min_d == m, iota, big))
            new += [min_d, nxt]
        return tuple(new)

    inf = jnp.full((S, 128), jnp.inf, dtype=jnp.float32)
    init = tuple(v for _ in range(bn) for v in (inf, jnp.int32(0)))
    jax.lax.fori_loop(0, n_samples, body, init, unroll=4)


def _fps_pallas(pos_b, n_samples):
    bn, p, _ = pos_b.shape
    s = p // 128
    pt = pos_b.transpose(0, 2, 1).reshape(bn, 3, s, 128)
    cps = pl.pallas_call(
        functools.partial(_fps_kernel, n_samples, s, bn),
        in_specs=[
            pl.BlockSpec(memory_space=pltpu.VMEM),
            pl.BlockSpec(memory_space=pltpu.SMEM),
        ],
        out_specs=pl.BlockSpec(memory_space=pltpu.SMEM),
        out_shape=jax.ShapeDtypeStruct((bn, n_samples * 3), jnp.float32),
    )(pt, pos_b.reshape(-1))
    return cps.reshape(bn, n_samples, 3)


def _sc_gather(table, idx, n_chunks):
    n, = idx.shape
    d = table.shape[1]
    b_per_w = n // _NW
    chunk = b_per_w // n_chunks
    mesh = plsc.VectorSubcoreMesh(core_axis_name="c", subcore_axis_name="s")

    def body(table_hbm, idx_hbm, out_hbm, idx_v, rows_v, sem):
        wid = jax.lax.axis_index("s") * _NC + jax.lax.axis_index("c")
        base = wid * b_per_w

        @pl.loop(0, n_chunks)
        def _chunk_loop(i):
            off = base + i * chunk
            pltpu.sync_copy(idx_hbm.at[pl.ds(off, chunk)], idx_v)
            pltpu.async_copy(table_hbm.at[idx_v], rows_v, sem).wait()
            pltpu.sync_copy(rows_v, out_hbm.at[pl.ds(off, chunk)])

    return pl.kernel(
        body,
        out_type=jax.ShapeDtypeStruct((n, d), jnp.float32),
        mesh=mesh,
        scratch_types=[
            pltpu.VMEM((chunk,), jnp.int32),
            pltpu.VMEM((chunk, d), jnp.float32),
            pltpu.SemaphoreType.DMA,
        ],
    )(table, idx)


def _proj_kernel(dx, x_ref, p_ref, w_ref, u_ref):
    u_ref[...] = (jnp.dot(x_ref[...], w_ref[:dx],
                          preferred_element_type=jnp.float32)
                  + jnp.dot(p_ref[...], w_ref[dx:],
                            preferred_element_type=jnp.float32))


def _proj_pallas(x2d, pos2d, wpad):
    r, dx = x2d.shape
    dpad = wpad.shape[1]
    return pl.pallas_call(
        functools.partial(_proj_kernel, dx),
        out_shape=jax.ShapeDtypeStruct((r, dpad), jnp.float32),
    )(x2d, pos2d, wpad)


def _sa_tail_kernel(d1, g_ref, c_ref, v_ref, w1p_ref, b1_ref, w2_ref, b2_ref,
                    w3_ref, b3_ref, o_ref):
    m, kk, dpad = g_ref.shape
    g = g_ref[..., :d1]
    corr = b1_ref[...] - jnp.dot(c_ref[...], w1p_ref[...],
                                 preferred_element_type=jnp.float32)
    h = jax.nn.relu(g + corr[:, None, :])
    h = h.reshape(m * kk, d1)
    h = jax.nn.relu(jnp.dot(h, w2_ref[...],
                            preferred_element_type=jnp.float32) + b2_ref[...])
    h = jnp.dot(h, w3_ref[...],
                preferred_element_type=jnp.float32) + b3_ref[...]
    dout = h.shape[-1]
    h = h.reshape(m, kk, dout)
    h = jnp.where(v_ref[...][..., None] > 0, h, -jnp.inf)
    out = jnp.max(h, axis=1)
    o_ref[...] = jnp.where(jnp.isfinite(out), out, 0.0)


def _sa_tail_pallas(g, cpos2d, valid2d, d1, w1p, b1, w2, b2, w3, b3, blk):
    nc, kk, dpad = g.shape
    dout = w3.shape[1]
    grid = nc // blk
    return pl.pallas_call(
        functools.partial(_sa_tail_kernel, d1),
        grid=(grid,),
        in_specs=[
            pl.BlockSpec((blk, kk, dpad), lambda i: (i, 0, 0)),
            pl.BlockSpec((blk, 3), lambda i: (i, 0)),
            pl.BlockSpec((blk, kk), lambda i: (i, 0)),
            pl.BlockSpec((3, d1), lambda i: (0, 0)),
            pl.BlockSpec((d1,), lambda i: (0,)),
            pl.BlockSpec(w2.shape, lambda i: (0, 0)),
            pl.BlockSpec(b2.shape, lambda i: (0,)),
            pl.BlockSpec(w3.shape, lambda i: (0, 0)),
            pl.BlockSpec(b3.shape, lambda i: (0,)),
        ],
        out_specs=pl.BlockSpec((blk, dout), lambda i: (i, 0)),
        out_shape=jax.ShapeDtypeStruct((nc, dout), jnp.float32),
    )(g, cpos2d, valid2d, w1p, b1, w2, b2, w3, b3)


def _head_kernel(bn, npts, x_ref, p_ref, w7_ref, b7_ref, w8_ref, b8_ref,
                 w9_ref, b9_ref, w10_ref, b10_ref, w11_ref, b11_ref, o_ref):
    feat = jnp.concatenate([x_ref[...], p_ref[...]], axis=-1)
    h = jax.nn.relu(jnp.dot(feat, w7_ref[...],
                            preferred_element_type=jnp.float32) + b7_ref[...])
    h = jax.nn.relu(jnp.dot(h, w8_ref[...],
                            preferred_element_type=jnp.float32) + b8_ref[...])
    h = jnp.dot(h, w9_ref[...],
                preferred_element_type=jnp.float32) + b9_ref[...]
    g = jnp.max(h.reshape(bn, npts, -1), axis=1)
    g = jax.nn.relu(jnp.dot(g, w10_ref[...],
                            preferred_element_type=jnp.float32) + b10_ref[...])
    o_ref[...] = jnp.dot(g, w11_ref[...],
                         preferred_element_type=jnp.float32) + b11_ref[...]


def _head_pallas(x2, pos2, w7, b7, w8, b8, w9, b9, w10, b10, w11, b11):
    bn, npts, dx = x2.shape
    return pl.pallas_call(
        functools.partial(_head_kernel, bn, npts),
        out_shape=jax.ShapeDtypeStruct((bn, w11.shape[1]), jnp.float32),
    )(x2.reshape(bn * npts, dx), pos2.reshape(bn * npts, 3),
      w7, b7, w8, b8, w9, b9, w10, b10, w11, b11)


def _sa_stage(x_b, pos_b, n_samples, r, params, n_chunks, blk):
    bn, p, dx = x_b.shape
    cpos = _fps_pallas(pos_b, n_samples)
    kk = min(_KN, p)
    d2 = jnp.sum((cpos[:, :, None, :] - pos_b[:, None, :, :]) ** 2, axis=-1)
    negd, nbr = jax.lax.approx_max_k(-d2, kk, recall_target=1.0)
    valid = ((-negd) <= (r * r)).astype(jnp.float32)
    (w1, b1) = params[0]
    d1 = w1.shape[1]
    dpad = -(-d1 // 128) * 128
    wpad = w1
    if dpad != d1:
        wpad = jnp.concatenate(
            [w1, jnp.zeros((w1.shape[0], dpad - d1), jnp.float32)], axis=1)
    u = _proj_pallas(x_b.reshape(bn * p, dx), pos_b.reshape(bn * p, 3), wpad)
    flat = (nbr + (jnp.arange(bn, dtype=jnp.int32) * p)[:, None, None]).reshape(-1)
    g = _sc_gather(u, flat, n_chunks)
    (w2, b2), (w3, b3) = params[1], params[2]
    out = _sa_tail_pallas(
        g.reshape(bn * n_samples, kk, dpad),
        cpos.reshape(bn * n_samples, 3),
        valid.reshape(bn * n_samples, kk),
        d1, w1[dx:], b1, w2, b2, w3, b3, blk)
    return out.reshape(bn, n_samples, -1), cpos


def kernel(pos, color, batch, w1, b1, w2, b2, w3, b3, w4, b4, w5, b5,
           w6, b6, w7, b7, w8, b8, w9, b9, w10, b10, w11, b11):
    pos_b = pos.reshape(_B, _P, 3)
    x_b = color.reshape(_B, _P, 3)
    x1, pos1 = _sa_stage(x_b, pos_b, _P // 2, 0.2,
                         [(w1, b1), (w2, b2), (w3, b3)],
                         n_chunks=16, blk=128)
    x2, pos2 = _sa_stage(x1, pos1, _P // 8, 0.4,
                         [(w4, b4), (w5, b5), (w6, b6)],
                         n_chunks=4, blk=64)
    return _head_pallas(x2, pos2, w7, b7, w8, b8, w9, b9, w10, b10, w11, b11)

# --- scband reference (transcript-rebuilt; emitter-appended) ---
"""Pipeline reference for scband-point-net-pp-19576460936001 (READ-ONLY COPY).

The authoritative reference and input builder live on the scoring server;
editing this copy changes nothing except your own understanding.
"""

import jax, jax.numpy as jnp
import numpy as np

B, P = 4, 2048
KNBR = 64


def _mlp(h, params):
    n = len(params)
    for i, (W, b) in enumerate(params):
        h = h @ W + b
        if i < n - 1:
            h = jax.nn.relu(h)
    return h


def _fps(pos_b, n_samples):
    Pn = pos_b.shape[0]
    def body(carry, _):
        min_d, far = carry
        d = jnp.sum((pos_b - pos_b[far]) ** 2, axis=-1)
        min_d = jnp.minimum(min_d, d)
        nxt = jnp.argmax(min_d).astype(jnp.int32)
        return (min_d, nxt), far
    init = (jnp.full((Pn,), jnp.inf, dtype=pos_b.dtype), jnp.array(0, jnp.int32))
    _, sel = jax.lax.scan(body, init, None, length=n_samples)
    return sel


def _sa(x_b, pos_b, n_samples, r, params):
    # farthest point sampling per cloud (deterministic start at index 0)
    sel = jax.vmap(lambda p: _fps(p, n_samples))(pos_b)            # [B, n]
    cpos = jnp.take_along_axis(pos_b, sel[..., None], axis=1)      # [B, n, 3]
    # radius neighborhood: nearest KNBR within r (PyG radius w/ max_num_neighbors)
    d2 = jnp.sum((cpos[:, :, None, :] - pos_b[:, None, :, :]) ** 2, axis=-1)  # [B, n, P]
    kk = min(KNBR, pos_b.shape[1])
    negd, nbr = jax.lax.top_k(-d2, kk)                             # [B, n, kk]
    valid = (-negd) <= (r * r)
    posj = jax.vmap(lambda pb, nb: pb[nb])(pos_b, nbr)             # [B, n, kk, 3]
    rel = posj - cpos[:, :, None, :]
    xj = jax.vmap(lambda xb, nb: xb[nb])(x_b, nbr)                 # [B, n, kk, dx]
    feat = jnp.concatenate([xj, rel], axis=-1)
    h = _mlp(feat, params)                                         # PointNetConv message nn
    h = jnp.where(valid[..., None], h, -jnp.inf)
    out = jnp.max(h, axis=2)                                       # max aggregation
    out = jnp.where(jnp.isfinite(out), out, 0.0)
    return out, cpos


def _glorot(key, fan_in, fan_out):
    return jax.random.normal(key, (fan_in, fan_out), dtype=jnp.float32) * (1.0 / np.sqrt(fan_in))


def setup_inputs(seed: int = 0):
    key = jax.random.key(seed)
    ks = jax.random.split(key, 32)
    pos = jax.random.uniform(ks[0], (B * P, 3), dtype=jnp.float32)
    color = jax.random.uniform(ks[1], (B * P, 3), dtype=jnp.float32)
    batch = jnp.repeat(jnp.arange(B, dtype=jnp.int32), P)
    dims = [(6, 64), (64, 64), (64, 128),
            (131, 128), (128, 128), (128, 256),
            (259, 256), (256, 512), (512, 1024),
            (1024, 512), (512, 512)]
    inp = {"pos": pos, "color": color, "batch": batch}
    for i, (fi, fo) in enumerate(dims):
        inp["w%d" % (i + 1)] = _glorot(ks[2 + i], fi, fo)
        inp["b%d" % (i + 1)] = jnp.zeros((fo,), dtype=jnp.float32)
    return inp


def reference(pos, color, batch, w1, b1, w2, b2, w3, b3, w4, b4, w5, b5,
              w6, b6, w7, b7, w8, b8, w9, b9, w10, b10, w11, b11):
    pos_b = pos.reshape(B, P, 3)
    x_b = color.reshape(B, P, 3)
    # SAModule(0.5, 0.2, MLP([6, 64, 64, 128]))
    x1, pos1 = _sa(x_b, pos_b, P // 2, 0.2, [(w1, b1), (w2, b2), (w3, b3)])
    # SAModule(0.25, 0.4, MLP([131, 128, 128, 256]))
    x2, pos2 = _sa(x1, pos1, P // 8, 0.4, [(w4, b4), (w5, b5), (w6, b6)])
    # GlobalSAModule(MLP([259, 256, 512, 1024]))
    g = _mlp(jnp.concatenate([x2, pos2], axis=-1), [(w7, b7), (w8, b8), (w9, b9)])
    g = jnp.max(g, axis=1)                                         # global_max_pool
    # final MLP([1024, 512, 512], norm=None), dropout=0.0
    h = jax.nn.relu(g @ w10 + b10)
    out = h @ w11 + b11
    return out

if __name__ == "__main__":
    import jax
    _d = setup_inputs()
    print(jax.jit(kernel)(*tuple(_d.values())))

</pallas_src>

<mosaic_0001>
#map = affine_map<(d0, d1) -> (0, 0)>
#map1 = affine_map<(d0, d1) -> (0)>
module attributes {stable_mosaic.version = 14 : i64} {
  func.func @body(%arg0: i32, %arg1: i32, %arg2: memref<8192x128xf32, #tpu.memory_space<hbm>>, %arg3: memref<262144xi32, #tpu.memory_space<hbm>>, %arg4: memref<262144x128xf32, #tpu.memory_space<hbm>>, %arg5: memref<512xi32, #tpu.memory_space<vmem>>, %arg6: memref<512x128xf32, #tpu.memory_space<vmem>>, %arg7: memref<!tpu.dma_semaphore, #tpu.memory_space<semaphore_mem>>) attributes {dimension_semantics = [#tpu.dimension_semantics<core_parallel>, #tpu.dimension_semantics<subcore_parallel>], iteration_bounds = array<i64: 2, 16>, scalar_prefetch = 0 : i64, scratch_operands = 3 : i64, tpu.core_type = #tpu.core_type<sc_vector_subcore>, window_params = [{transform_indices = #map}, {transform_indices = #map1}, {transform_indices = #map}]} {
    %mul3A = arith.constant 2 : i32
    %mul3A_0 = arith.muli %arg1, %mul3A : i32
    %add3A = arith.addi %mul3A_0, %arg0 : i32
    %mul3A_1 = arith.constant 8192 : i32
    %mul3A_2 = arith.muli %add3A, %mul3A_1 : i32
    %scan3A = arith.constant 0 : i32
    %scan3A_3 = arith.constant 16 : i32
    %scan3A_4 = arith.addi %scan3A, %scan3A_3 : i32
    %scan3A_5 = arith.constant 1 : i32
    scf.for %scan3A_7 = %scan3A to %scan3A_4 step %scan3A_5  : i32 {
      %mul3A_8 = arith.constant 1 : i32
      %mul3A_9 = arith.muli %scan3A_7, %mul3A_8 : i32
      %add3A_10 = arith.constant 0 : i32
      %add3A_11 = arith.addi %add3A_10, %mul3A_9 : i32
      %mul3A_12 = arith.constant 512 : i32
      %mul3A_13 = arith.muli %add3A_11, %mul3A_12 : i32
      %add3A_14 = arith.addi %mul3A_2, %mul3A_13 : i32
      "tpu.region"() ({
        %run_scoped3A = tpu.sem_alloc : memref<!tpu.dma_semaphore, #tpu.memory_space<semaphore_mem>>
        %dma_start3A_19 = tpu.memref_slice %arg3[%add3A_14] : memref<262144xi32, #tpu.memory_space<hbm>> -> memref<512xi32, #tpu.memory_space<hbm>>
        %dma_start3A_20 = tpu.memref_slice %arg3[%add3A_14] : memref<262144xi32, #tpu.memory_space<hbm>> -> memref<512xi32, #tpu.memory_space<hbm>>
        tpu.enqueue_dma source(%dma_start3A_20 : memref<512xi32, #tpu.memory_space<hbm>>) target(%arg5 : memref<512xi32, #tpu.memory_space<vmem>>) target_semaphore(%run_scoped3A : memref<!tpu.dma_semaphore, #tpu.memory_space<semaphore_mem>>)
        %dma_wait3A_21 = tpu.memref_slice %arg3[%add3A_14] : memref<262144xi32, #tpu.memory_space<hbm>> -> memref<512xi32, #tpu.memory_space<hbm>>
        %dma_wait3A_22 = tpu.memref_slice %arg3[%add3A_14] : memref<262144xi32, #tpu.memory_space<hbm>> -> memref<512xi32, #tpu.memory_space<hbm>>
        tpu.wait_dma2 semaphore(%run_scoped3A : memref<!tpu.dma_semaphore, #tpu.memory_space<semaphore_mem>>) src(%dma_wait3A_22 : memref<512xi32, #tpu.memory_space<hbm>>) dst(%arg5 : memref<512xi32, #tpu.memory_space<vmem>>)
        tpu.yield
      }) : () -> ()
      %dma_start3A = arith.constant 0 : i32
      %dma_start3A_15 = arith.constant 0 : i32
      %dma_start3A_16 = tpu.memref_slice %arg2[%dma_start3A, %dma_start3A_15] : memref<8192x128xf32, #tpu.memory_space<hbm>> -> memref<8192x128xf32, #tpu.memory_space<hbm>>
      tpu.enqueue_indirect_dma source(%dma_start3A_16 : memref<8192x128xf32, #tpu.memory_space<hbm>>) target(%arg6 : memref<512x128xf32, #tpu.memory_space<vmem>>) offsets(%arg5 : memref<512xi32, #tpu.memory_space<vmem>>) semaphore(%arg7 : memref<!tpu.dma_semaphore, #tpu.memory_space<semaphore_mem>>)
      %dma_wait3A = arith.constant 0 : i32
      %dma_wait3A_17 = arith.constant 0 : i32
      %dma_wait3A_18 = tpu.memref_slice %arg2[%dma_wait3A, %dma_wait3A_17] : memref<8192x128xf32, #tpu.memory_space<hbm>> -> memref<8192x128xf32, #tpu.memory_space<hbm>>
      tpu.wait_indirect_dma semaphore(%arg7 : memref<!tpu.dma_semaphore, #tpu.memory_space<semaphore_mem>>) src(%dma_wait3A_18 : memref<8192x128xf32, #tpu.memory_space<hbm>>) dst(%arg6 : memref<512x128xf32, #tpu.memory_space<vmem>>)
      "tpu.region"() ({
        %run_scoped3A = tpu.sem_alloc : memref<!tpu.dma_semaphore, #tpu.memory_space<semaphore_mem>>
        %dma_start3A_19 = arith.constant 0 : i32
        %dma_start3A_20 = tpu.memref_slice %arg4[%add3A_14, %dma_start3A_19] : memref<262144x128xf32, #tpu.memory_space<hbm>> -> memref<512x128xf32, #tpu.memory_space<hbm>>
        %dma_start3A_21 = arith.constant 0 : i32
        %dma_start3A_22 = tpu.memref_slice %arg4[%add3A_14, %dma_start3A_21] : memref<262144x128xf32, #tpu.memory_space<hbm>> -> memref<512x128xf32, #tpu.memory_space<hbm>>
        tpu.enqueue_dma source(%arg6 : memref<512x128xf32, #tpu.memory_space<vmem>>) target(%dma_start3A_22 : memref<512x128xf32, #tpu.memory_space<hbm>>) target_semaphore(%run_scoped3A : memref<!tpu.dma_semaphore, #tpu.memory_space<semaphore_mem>>)
        %dma_wait3A_23 = arith.constant 0 : i32
        %dma_wait3A_24 = tpu.memref_slice %arg4[%add3A_14, %dma_wait3A_23] : memref<262144x128xf32, #tpu.memory_space<hbm>> -> memref<512x128xf32, #tpu.memory_space<hbm>>
        %dma_wait3A_25 = arith.constant 0 : i32
        %dma_wait3A_26 = tpu.memref_slice %arg4[%add3A_14, %dma_wait3A_25] : memref<262144x128xf32, #tpu.memory_space<hbm>> -> memref<512x128xf32, #tpu.memory_space<hbm>>
        tpu.wait_dma2 semaphore(%run_scoped3A : memref<!tpu.dma_semaphore, #tpu.memory_space<semaphore_mem>>) src(%arg6 : memref<512x128xf32, #tpu.memory_space<vmem>>) dst(%dma_wait3A_26 : memref<512x128xf32, #tpu.memory_space<hbm>>)
        tpu.yield
      }) : () -> ()
    }
    %scan3A_6 = arith.constant 16 : i32
    return
  }
}

#map = affine_map<(d0, d1) -> (0, 0)>
#map1 = affine_map<(d0, d1) -> (0)>
module attributes {stable_mosaic.version = 14 : i64} {
  func.func @body(%arg0: i32, %arg1: i32, %arg2: memref<4096x128xf32, #tpu.memory_space<hbm>>, %arg3: memref<65536xi32, #tpu.memory_space<hbm>>, %arg4: memref<65536x128xf32, #tpu.memory_space<hbm>>, %arg5: memref<512xi32, #tpu.memory_space<vmem>>, %arg6: memref<512x128xf32, #tpu.memory_space<vmem>>, %arg7: memref<!tpu.dma_semaphore, #tpu.memory_space<semaphore_mem>>) attributes {dimension_semantics = [#tpu.dimension_semantics<core_parallel>, #tpu.dimension_semantics<subcore_parallel>], iteration_bounds = array<i64: 2, 16>, scalar_prefetch = 0 : i64, scratch_operands = 3 : i64, tpu.core_type = #tpu.core_type<sc_vector_subcore>, window_params = [{transform_indices = #map}, {transform_indices = #map1}, {transform_indices = #map}]} {
    %mul3A = arith.constant 2 : i32
    %mul3A_0 = arith.muli %arg1, %mul3A : i32
    %add3A = arith.addi %mul3A_0, %arg0 : i32
    %mul3A_1 = arith.constant 2048 : i32
    %mul3A_2 = arith.muli %add3A, %mul3A_1 : i32
    %scan3A = arith.constant 0 : i32
    %scan3A_3 = arith.constant 4 : i32
    %scan3A_4 = arith.addi %scan3A, %scan3A_3 : i32
    %scan3A_5 = arith.constant 1 : i32
    scf.for %scan3A_7 = %scan3A to %scan3A_4 step %scan3A_5  : i32 {
      %mul3A_8 = arith.constant 1 : i32
      %mul3A_9 = arith.muli %scan3A_7, %mul3A_8 : i32
      %add3A_10 = arith.constant 0 : i32
      %add3A_11 = arith.addi %add3A_10, %mul3A_9 : i32
      %mul3A_12 = arith.constant 512 : i32
      %mul3A_13 = arith.muli %add3A_11, %mul3A_12 : i32
      %add3A_14 = arith.addi %mul3A_2, %mul3A_13 : i32
      "tpu.region"() ({
        %run_scoped3A = tpu.sem_alloc : memref<!tpu.dma_semaphore, #tpu.memory_space<semaphore_mem>>
        %dma_start3A_19 = tpu.memref_slice %arg3[%add3A_14] : memref<65536xi32, #tpu.memory_space<hbm>> -> memref<512xi32, #tpu.memory_space<hbm>>
        %dma_start3A_20 = tpu.memref_slice %arg3[%add3A_14] : memref<65536xi32, #tpu.memory_space<hbm>> -> memref<512xi32, #tpu.memory_space<hbm>>
        tpu.enqueue_dma source(%dma_start3A_20 : memref<512xi32, #tpu.memory_space<hbm>>) target(%arg5 : memref<512xi32, #tpu.memory_space<vmem>>) target_semaphore(%run_scoped3A : memref<!tpu.dma_semaphore, #tpu.memory_space<semaphore_mem>>)
        %dma_wait3A_21 = tpu.memref_slice %arg3[%add3A_14] : memref<65536xi32, #tpu.memory_space<hbm>> -> memref<512xi32, #tpu.memory_space<hbm>>
        %dma_wait3A_22 = tpu.memref_slice %arg3[%add3A_14] : memref<65536xi32, #tpu.memory_space<hbm>> -> memref<512xi32, #tpu.memory_space<hbm>>
        tpu.wait_dma2 semaphore(%run_scoped3A : memref<!tpu.dma_semaphore, #tpu.memory_space<semaphore_mem>>) src(%dma_wait3A_22 : memref<512xi32, #tpu.memory_space<hbm>>) dst(%arg5 : memref<512xi32, #tpu.memory_space<vmem>>)
        tpu.yield
      }) : () -> ()
      %dma_start3A = arith.constant 0 : i32
      %dma_start3A_15 = arith.constant 0 : i32
      %dma_start3A_16 = tpu.memref_slice %arg2[%dma_start3A, %dma_start3A_15] : memref<4096x128xf32, #tpu.memory_space<hbm>> -> memref<4096x128xf32, #tpu.memory_space<hbm>>
      tpu.enqueue_indirect_dma source(%dma_start3A_16 : memref<4096x128xf32, #tpu.memory_space<hbm>>) target(%arg6 : memref<512x128xf32, #tpu.memory_space<vmem>>) offsets(%arg5 : memref<512xi32, #tpu.memory_space<vmem>>) semaphore(%arg7 : memref<!tpu.dma_semaphore, #tpu.memory_space<semaphore_mem>>)
      %dma_wait3A = arith.constant 0 : i32
      %dma_wait3A_17 = arith.constant 0 : i32
      %dma_wait3A_18 = tpu.memref_slice %arg2[%dma_wait3A, %dma_wait3A_17] : memref<4096x128xf32, #tpu.memory_space<hbm>> -> memref<4096x128xf32, #tpu.memory_space<hbm>>
      tpu.wait_indirect_dma semaphore(%arg7 : memref<!tpu.dma_semaphore, #tpu.memory_space<semaphore_mem>>) src(%dma_wait3A_18 : memref<4096x128xf32, #tpu.memory_space<hbm>>) dst(%arg6 : memref<512x128xf32, #tpu.memory_space<vmem>>)
      "tpu.region"() ({
        %run_scoped3A = tpu.sem_alloc : memref<!tpu.dma_semaphore, #tpu.memory_space<semaphore_mem>>
        %dma_start3A_19 = arith.constant 0 : i32
        %dma_start3A_20 = tpu.memref_slice %arg4[%add3A_14, %dma_start3A_19] : memref<65536x128xf32, #tpu.memory_space<hbm>> -> memref<512x128xf32, #tpu.memory_space<hbm>>
        %dma_start3A_21 = arith.constant 0 : i32
        %dma_start3A_22 = tpu.memref_slice %arg4[%add3A_14, %dma_start3A_21] : memref<65536x128xf32, #tpu.memory_space<hbm>> -> memref<512x128xf32, #tpu.memory_space<hbm>>
        tpu.enqueue_dma source(%arg6 : memref<512x128xf32, #tpu.memory_space<vmem>>) target(%dma_start3A_22 : memref<512x128xf32, #tpu.memory_space<hbm>>) target_semaphore(%run_scoped3A : memref<!tpu.dma_semaphore, #tpu.memory_space<semaphore_mem>>)
        %dma_wait3A_23 = arith.constant 0 : i32
        %dma_wait3A_24 = tpu.memref_slice %arg4[%add3A_14, %dma_wait3A_23] : memref<65536x128xf32, #tpu.memory_space<hbm>> -> memref<512x128xf32, #tpu.memory_space<hbm>>
        %dma_wait3A_25 = arith.constant 0 : i32
        %dma_wait3A_26 = tpu.memref_slice %arg4[%add3A_14, %dma_wait3A_25] : memref<65536x128xf32, #tpu.memory_space<hbm>> -> memref<512x128xf32, #tpu.memory_space<hbm>>
        tpu.wait_dma2 semaphore(%run_scoped3A : memref<!tpu.dma_semaphore, #tpu.memory_space<semaphore_mem>>) src(%arg6 : memref<512x128xf32, #tpu.memory_space<vmem>>) dst(%dma_wait3A_26 : memref<512x128xf32, #tpu.memory_space<hbm>>)
        tpu.yield
      }) : () -> ()
    }
    %scan3A_6 = arith.constant 4 : i32
    return
  }
}

module attributes {stable_mosaic.version = 14 : i64} {
  func.func @_fps_kernel(%arg0: memref<4x3x16x128xf32, #tpu.memory_space<vmem>>, %arg1: memref<24576xf32, #tpu.memory_space<smem>>, %arg2: memref<4x3072xf32, #tpu.memory_space<smem>>) attributes {dimension_semantics = [], scalar_prefetch = 0 : i64, scratch_operands = 0 : i64, tpu.core_type = #tpu.core_type<tc>} {
    %iota3A = tpu.iota {dimensions = array<i32: 0>} : vector<16x128xi32>
    %mul3A = arith.constant 128 : i32
    %mul3A_0 = vector.broadcast %mul3A : i32 to vector<16x128xi32>
    %mul3A_1 = arith.muli %iota3A, %mul3A_0 : vector<16x128xi32>
    %iota3A_2 = tpu.iota {dimensions = array<i32: 1>} : vector<16x128xi32>
    %add3A = arith.addi %mul3A_1, %iota3A_2 : vector<16x128xi32>
    %get3A = arith.constant 0 : index
    %get3A_3 = arith.constant 0 : index
    %get3A_4 = arith.constant 0 : index
    %get3A_5 = arith.constant 0 : index
    %get3A_6 = vector.load %arg0[%get3A, %get3A_3, %get3A_4, %get3A_5] : memref<4x3x16x128xf32, #tpu.memory_space<vmem>>, vector<1x1x16x128xf32>
    %get3A_7 = vector.shape_cast %get3A_6 : vector<1x1x16x128xf32> to vector<16x128xf32>
    %get3A_8 = arith.constant 0 : index
    %get3A_9 = arith.constant 1 : index
    %get3A_10 = arith.constant 0 : index
    %get3A_11 = arith.constant 0 : index
    %get3A_12 = vector.load %arg0[%get3A_8, %get3A_9, %get3A_10, %get3A_11] : memref<4x3x16x128xf32, #tpu.memory_space<vmem>>, vector<1x1x16x128xf32>
    %get3A_13 = vector.shape_cast %get3A_12 : vector<1x1x16x128xf32> to vector<16x128xf32>
    %get3A_14 = arith.constant 0 : index
    %get3A_15 = arith.constant 2 : index
    %get3A_16 = arith.constant 0 : index
    %get3A_17 = arith.constant 0 : index
    %get3A_18 = vector.load %arg0[%get3A_14, %get3A_15, %get3A_16, %get3A_17] : memref<4x3x16x128xf32, #tpu.memory_space<vmem>>, vector<1x1x16x128xf32>
    %get3A_19 = vector.shape_cast %get3A_18 : vector<1x1x16x128xf32> to vector<16x128xf32>
    %get3A_20 = arith.constant 1 : index
    %get3A_21 = arith.constant 0 : index
    %get3A_22 = arith.constant 0 : index
    %get3A_23 = arith.constant 0 : index
    %get3A_24 = vector.load %arg0[%get3A_20, %get3A_21, %get3A_22, %get3A_23] : memref<4x3x16x128xf32, #tpu.memory_space<vmem>>, vector<1x1x16x128xf32>
    %get3A_25 = vector.shape_cast %get3A_24 : vector<1x1x16x128xf32> to vector<16x128xf32>
    %get3A_26 = arith.constant 1 : index
    %get3A_27 = arith.constant 1 : index
    %get3A_28 = arith.constant 0 : index
    %get3A_29 = arith.constant 0 : index
    %get3A_30 = vector.load %arg0[%get3A_26, %get3A_27, %get3A_28, %get3A_29] : memref<4x3x16x128xf32, #tpu.memory_space<vmem>>, vector<1x1x16x128xf32>
    %get3A_31 = vector.shape_cast %get3A_30 : vector<1x1x16x128xf32> to vector<16x128xf32>
    %get3A_32 = arith.constant 1 : index
    %get3A_33 = arith.constant 2 : index
    %get3A_34 = arith.constant 0 : index
    %get3A_35 = arith.constant 0 : index
    %get3A_36 = vector.load %arg0[%get3A_32, %get3A_33, %get3A_34, %get3A_35] : memref<4x3x16x128xf32, #tpu.memory_space<vmem>>, vector<1x1x16x128xf32>
    %get3A_37 = vector.shape_cast %get3A_36 : vector<1x1x16x128xf32> to vector<16x128xf32>
    %get3A_38 = arith.constant 2 : index
    %get3A_39 = arith.constant 0 : index
    %get3A_40 = arith.constant 0 : index
    %get3A_41 = arith.constant 0 : index
    %get3A_42 = vector.load %arg0[%get3A_38, %get3A_39, %get3A_40, %get3A_41] : memref<4x3x16x128xf32, #tpu.memory_space<vmem>>, vector<1x1x16x128xf32>
    %get3A_43 = vector.shape_cast %get3A_42 : vector<1x1x16x128xf32> to vector<16x128xf32>
    %get3A_44 = arith.constant 2 : index
    %get3A_45 = arith.constant 1 : index
    %get3A_46 = arith.constant 0 : index
    %get3A_47 = arith.constant 0 : index
    %get3A_48 = vector.load %arg0[%get3A_44, %get3A_45, %get3A_46, %get3A_47] : memref<4x3x16x128xf32, #tpu.memory_space<vmem>>, vector<1x1x16x128xf32>
    %get3A_49 = vector.shape_cast %get3A_48 : vector<1x1x16x128xf32> to vector<16x128xf32>
    %get3A_50 = arith.constant 2 : index
    %get3A_51 = arith.constant 2 : index
    %get3A_52 = arith.constant 0 : index
    %get3A_53 = arith.constant 0 : index
    %get3A_54 = vector.load %arg0[%get3A_50, %get3A_51, %get3A_52, %get3A_53] : memref<4x3x16x128xf32, #tpu.memory_space<vmem>>, vector<1x1x16x128xf32>
    %get3A_55 = vector.shape_cast %get3A_54 : vector<1x1x16x128xf32> to vector<16x128xf32>
    %get3A_56 = arith.constant 3 : index
    %get3A_57 = arith.constant 0 : index
    %get3A_58 = arith.constant 0 : index
    %get3A_59 = arith.constant 0 : index
    %get3A_60 = vector.load %arg0[%get3A_56, %get3A_57, %get3A_58, %get3A_59] : memref<4x3x16x128xf32, #tpu.memory_space<vmem>>, vector<1x1x16x128xf32>
    %get3A_61 = vector.shape_cast %get3A_60 : vector<1x1x16x128xf32> to vector<16x128xf32>
    %get3A_62 = arith.constant 3 : index
    %get3A_63 = arith.constant 1 : index
    %get3A_64 = arith.constant 0 : index
    %get3A_65 = arith.constant 0 : index
    %get3A_66 = vector.load %arg0[%get3A_62, %get3A_63, %get3A_64, %get3A_65] : memref<4x3x16x128xf32, #tpu.memory_space<vmem>>, vector<1x1x16x128xf32>
    %get3A_67 = vector.shape_cast %get3A_66 : vector<1x1x16x128xf32> to vector<16x128xf32>
    %get3A_68 = arith.constant 3 : index
    %get3A_69 = arith.constant 2 : index
    %get3A_70 = arith.constant 0 : index
    %get3A_71 = arith.constant 0 : index
    %get3A_72 = vector.load %arg0[%get3A_68, %get3A_69, %get3A_70, %get3A_71] : memref<4x3x16x128xf32, #tpu.memory_space<vmem>>, vector<1x1x16x128xf32>
    %get3A_73 = vector.shape_cast %get3A_72 : vector<1x1x16x128xf32> to vector<16x128xf32>
    %broadcast_in_dim3A = arith.constant 0x7F800000 : f32
    %broadcast_in_dim3A_74 = vector.broadcast %broadcast_in_dim3A : f32 to vector<16x128xf32>
    %scan3A = arith.constant 1073741824 : i32
    %scan3A_75 = arith.constant 0 : i32
    %scan3A_76 = arith.constant 0 : i32
    %scan3A_77 = arith.constant 0 : i32
    %scan3A_78 = arith.constant 0 : i32
    %scan3A_79 = arith.constant 0 : i32
    %scan3A_80 = arith.constant 1024 : i32
    %scan3A_81 = arith.addi %scan3A_79, %scan3A_80 : i32
    %scan3A_82 = arith.constant 4 : i32
    %scan3A_83:8 = scf.for %scan3A_85 = %scan3A_79 to %scan3A_81 step %scan3A_82 iter_args(%scan3A_86 = %broadcast_in_dim3A_74, %scan3A_87 = %scan3A_75, %scan3A_88 = %broadcast_in_dim3A_74, %scan3A_89 = %scan3A_76, %scan3A_90 = %broadcast_in_dim3A_74, %scan3A_91 = %scan3A_77, %scan3A_92 = %broadcast_in_dim3A_74, %scan3A_93 = %scan3A_78) -> (vector<16x128xf32>, i32, vector<16x128xf32>, i32, vector<16x128xf32>, i32, vector<16x128xf32>, i32)  : i32 {
      %add3A_94 = arith.constant 0 : i32
      %add3A_95 = arith.addi %add3A_94, %scan3A_87 : i32
      %mul3A_96 = arith.constant 3 : i32
      %mul3A_97 = arith.muli %add3A_95, %mul3A_96 : i32
      %get3A_98 = arith.index_cast %mul3A_97 : i32 to index
      %get3A_99 = memref.load %arg1[%get3A_98] : memref<24576xf32, #tpu.memory_space<smem>>
      %add3A_100 = arith.constant 1 : i32
      %add3A_101 = arith.addi %mul3A_97, %add3A_100 : i32
      %get3A_102 = arith.index_cast %add3A_101 : i32 to index
      %get3A_103 = memref.load %arg1[%get3A_102] : memref<24576xf32, #tpu.memory_space<smem>>
      %add3A_104 = arith.constant 2 : i32
      %add3A_105 = arith.addi %mul3A_97, %add3A_104 : i32
      %get3A_106 = arith.index_cast %add3A_105 : i32 to index
      %get3A_107 = memref.load %arg1[%get3A_106] : memref<24576xf32, #tpu.memory_space<smem>>
      %mul3A_108 = arith.constant 3 : i32
      %mul3A_109 = arith.muli %scan3A_85, %mul3A_108 : i32
      %swap3A = arith.constant 0 : index
      %swap3A_110 = arith.index_cast %mul3A_109 : i32 to index
      %swap3A_111 = memref.load %arg2[%swap3A, %swap3A_110] : memref<4x3072xf32, #tpu.memory_space<smem>>
      memref.store %get3A_99, %arg2[%swap3A, %swap3A_110] : memref<4x3072xf32, #tpu.memory_space<smem>>
      %mul3A_112 = arith.constant 3 : i32
      %mul3A_113 = arith.muli %scan3A_85, %mul3A_112 : i32
      %add3A_114 = arith.constant 1 : i32
      %add3A_115 = arith.addi %mul3A_113, %add3A_114 : i32
      %swap3A_116 = arith.constant 0 : index
      %swap3A_117 = arith.index_cast %add3A_115 : i32 to index
      %swap3A_118 = memref.load %arg2[%swap3A_116, %swap3A_117] : memref<4x3072xf32, #tpu.memory_space<smem>>
      memref.store %get3A_103, %arg2[%swap3A_116, %swap3A_117] : memref<4x3072xf32, #tpu.memory_space<smem>>
      %mul3A_119 = arith.constant 3 : i32
      %mul3A_120 = arith.muli %scan3A_85, %mul3A_119 : i32
      %add3A_121 = arith.constant 2 : i32
      %add3A_122 = arith.addi %mul3A_120, %add3A_121 : i32
      %swap3A_123 = arith.constant 0 : index
      %swap3A_124 = arith.index_cast %add3A_122 : i32 to index
      %swap3A_125 = memref.load %arg2[%swap3A_123, %swap3A_124] : memref<4x3072xf32, #tpu.memory_space<smem>>
      memref.store %get3A_107, %arg2[%swap3A_123, %swap3A_124] : memref<4x3072xf32, #tpu.memory_space<smem>>
      %sub3A = vector.broadcast %get3A_99 : f32 to vector<16x128xf32>
      %sub3A_126 = arith.subf %get3A_7, %sub3A : vector<16x128xf32>
      %sub3A_127 = vector.broadcast %get3A_103 : f32 to vector<16x128xf32>
      %sub3A_128 = arith.subf %get3A_13, %sub3A_127 : vector<16x128xf32>
      %sub3A_129 = vector.broadcast %get3A_107 : f32 to vector<16x128xf32>
      %sub3A_130 = arith.subf %get3A_19, %sub3A_129 : vector<16x128xf32>
      %mul3A_131 = arith.mulf %sub3A_126, %sub3A_126 : vector<16x128xf32>
      %mul3A_132 = arith.mulf %sub3A_128, %sub3A_128 : vector<16x128xf32>
      %add3A_133 = arith.addf %mul3A_131, %mul3A_132 : vector<16x128xf32>
      %mul3A_134 = arith.mulf %sub3A_130, %sub3A_130 : vector<16x128xf32>
      %add3A_135 = arith.addf %add3A_133, %mul3A_134 : vector<16x128xf32>
      %min3A = arith.minimumf %scan3A_86, %add3A_135 : vector<16x128xf32>
      %reduce_max3A = vector.shape_cast %min3A : vector<16x128xf32> to vector<1x16x128xf32>
      %reduce_max3A_136 = arith.constant dense<0xFF800000> : vector<1xf32>
      %reduce_max3A_137 = vector.multi_reduction <maximumf>, %reduce_max3A, %reduce_max3A_136 [1, 2] : vector<1x16x128xf32> to vector<1xf32>
      %reduce_max3A_138 = vector.shape_cast %reduce_max3A_137 : vector<1xf32> to vector<1x1x1xf32>
      %reduce_max3A_139 = vector.extract %reduce_max3A_138[0, 0, 0] : f32 from vector<1x1x1xf32>
      %eq3A = vector.broadcast %reduce_max3A_139 : f32 to vector<16x128xf32>
      %eq3A_140 = arith.cmpf oeq, %min3A, %eq3A : vector<16x128xf32>
      %broadcast_in_dim3A_141 = vector.broadcast %scan3A : i32 to vector<16x128xi32>
      %select_n3A = arith.select %eq3A_140, %add3A, %broadcast_in_dim3A_141 : vector<16x128xi1>, vector<16x128xi32>
      %reduce_min3A = vector.shape_cast %select_n3A : vector<16x128xi32> to vector<1x16x128xi32>
      %reduce_min3A_142 = arith.constant dense<2147483647> : vector<1xi32>
      %reduce_min3A_143 = vector.multi_reduction <minsi>, %reduce_min3A, %reduce_min3A_142 [1, 2] : vector<1x16x128xi32> to vector<1xi32>
      %reduce_min3A_144 = vector.shape_cast %reduce_min3A_143 : vector<1xi32> to vector<1x1x1xi32>
      %reduce_min3A_145 = vector.extract %reduce_min3A_144[0, 0, 0] : i32 from vector<1x1x1xi32>
      %add3A_146 = arith.constant 2048 : i32
      %add3A_147 = arith.addi %add3A_146, %scan3A_89 : i32
      %mul3A_148 = arith.constant 3 : i32
      %mul3A_149 = arith.muli %add3A_147, %mul3A_148 : i32
      %get3A_150 = arith.index_cast %mul3A_149 : i32 to index
      %get3A_151 = memref.load %arg1[%get3A_150] : memref<24576xf32, #tpu.memory_space<smem>>
      %add3A_152 = arith.constant 1 : i32
      %add3A_153 = arith.addi %mul3A_149, %add3A_152 : i32
      %get3A_154 = arith.index_cast %add3A_153 : i32 to index
      %get3A_155 = memref.load %arg1[%get3A_154] : memref<24576xf32, #tpu.memory_space<smem>>
      %add3A_156 = arith.constant 2 : i32
      %add3A_157 = arith.addi %mul3A_149, %add3A_156 : i32
      %get3A_158 = arith.index_cast %add3A_157 : i32 to index
      %get3A_159 = memref.load %arg1[%get3A_158] : memref<24576xf32, #tpu.memory_space<smem>>
      %mul3A_160 = arith.constant 3 : i32
      %mul3A_161 = arith.muli %scan3A_85, %mul3A_160 : i32
      %swap3A_162 = arith.constant 1 : index
      %swap3A_163 = arith.index_cast %mul3A_161 : i32 to index
      %swap3A_164 = memref.load %arg2[%swap3A_162, %swap3A_163] : memref<4x3072xf32, #tpu.memory_space<smem>>
      memref.store %get3A_151, %arg2[%swap3A_162, %swap3A_163] : memref<4x3072xf32, #tpu.memory_space<smem>>
      %mul3A_165 = arith.constant 3 : i32
      %mul3A_166 = arith.muli %scan3A_85, %mul3A_165 : i32
      %add3A_167 = arith.constant 1 : i32
      %add3A_168 = arith.addi %mul3A_166, %add3A_167 : i32
      %swap3A_169 = arith.constant 1 : index
      %swap3A_170 = arith.index_cast %add3A_168 : i32 to index
      %swap3A_171 = memref.load %arg2[%swap3A_169, %swap3A_170] : memref<4x3072xf32, #tpu.memory_space<smem>>
      memref.store %get3A_155, %arg2[%swap3A_169, %swap3A_170] : memref<4x3072xf32, #tpu.memory_space<smem>>
      %mul3A_172 = arith.constant 3 : i32
      %mul3A_173 = arith.muli %scan3A_85, %mul3A_172 : i32
      %add3A_174 = arith.constant 2 : i32
      %add3A_175 = arith.addi %mul3A_173, %add3A_174 : i32
      %swap3A_176 = arith.constant 1 : index
      %swap3A_177 = arith.index_cast %add3A_175 : i32 to index
      %swap3A_178 = memref.load %arg2[%swap3A_176, %swap3A_177] : memref<4x3072xf32, #tpu.memory_space<smem>>
      memref.store %get3A_159, %arg2[%swap3A_176, %swap3A_177] : memref<4x3072xf32, #tpu.memory_space<smem>>
      %sub3A_179 = vector.broadcast %get3A_151 : f32 to vector<16x128xf32>
      %sub3A_180 = arith.subf %get3A_25, %sub3A_179 : vector<16x128xf32>
      %sub3A_181 = vector.broadcast %get3A_155 : f32 to vector<16x128xf32>
      %sub3A_182 = arith.subf %get3A_31, %sub3A_181 : vector<16x128xf32>
      %sub3A_183 = vector.broadcast %get3A_159 : f32 to vector<16x128xf32>
      %sub3A_184 = arith.subf %get3A_37, %sub3A_183 : vector<16x128xf32>
      %mul3A_185 = arith.mulf %sub3A_180, %sub3A_180 : vector<16x128xf32>
      %mul3A_186 = arith.mulf %sub3A_182, %sub3A_182 : vector<16x128xf32>
      %add3A_187 = arith.addf %mul3A_185, %mul3A_186 : vector<16x128xf32>
      %mul3A_188 = arith.mulf %sub3A_184, %sub3A_184 : vector<16x128xf32>
      %add3A_189 = arith.addf %add3A_187, %mul3A_188 : vector<16x128xf32>
      %min3A_190 = arith.minimumf %scan3A_88, %add3A_189 : vector<16x128xf32>
      %reduce_max3A_191 = vector.shape_cast %min3A_190 : vector<16x128xf32> to vector<1x16x128xf32>
      %reduce_max3A_192 = arith.constant dense<0xFF800000> : vector<1xf32>
      %reduce_max3A_193 = vector.multi_reduction <maximumf>, %reduce_max3A_191, %reduce_max3A_192 [1, 2] : vector<1x16x128xf32> to vector<1xf32>
      %reduce_max3A_194 = vector.shape_cast %reduce_max3A_193 : vector<1xf32> to vector<1x1x1xf32>
      %reduce_max3A_195 = vector.extract %reduce_max3A_194[0, 0, 0] : f32 from vector<1x1x1xf32>
      %eq3A_196 = vector.broadcast %reduce_max3A_195 : f32 to vector<16x128xf32>
      %eq3A_197 = arith.cmpf oeq, %min3A_190, %eq3A_196 : vector<16x128xf32>
      %broadcast_in_dim3A_198 = vector.broadcast %scan3A : i32 to vector<16x128xi32>
      %select_n3A_199 = arith.select %eq3A_197, %add3A, %broadcast_in_dim3A_198 : vector<16x128xi1>, vector<16x128xi32>
      %reduce_min3A_200 = vector.shape_cast %select_n3A_199 : vector<16x128xi32> to vector<1x16x128xi32>
      %reduce_min3A_201 = arith.constant dense<2147483647> : vector<1xi32>
      %reduce_min3A_202 = vector.multi_reduction <minsi>, %reduce_min3A_200, %reduce_min3A_201 [1, 2] : vector<1x16x128xi32> to vector<1xi32>
      %reduce_min3A_203 = vector.shape_cast %reduce_min3A_202 : vector<1xi32> to vector<1x1x1xi32>
      %reduce_min3A_204 = vector.extract %reduce_min3A_203[0, 0, 0] : i32 from vector<1x1x1xi32>
      %add3A_205 = arith.constant 4096 : i32
      %add3A_206 = arith.addi %add3A_205, %scan3A_91 : i32
      %mul3A_207 = arith.constant 3 : i32
      %mul3A_208 = arith.muli %add3A_206, %mul3A_207 : i32
      %get3A_209 = arith.index_cast %mul3A_208 : i32 to index
      %get3A_210 = memref.load %arg1[%get3A_209] : memref<24576xf32, #tpu.memory_space<smem>>
      %add3A_211 = arith.constant 1 : i32
      %add3A_212 = arith.addi %mul3A_208, %add3A_211 : i32
      %get3A_213 = arith.index_cast %add3A_212 : i32 to index
      %get3A_214 = memref.load %arg1[%get3A_213] : memref<24576xf32, #tpu.memory_space<smem>>
      %add3A_215 = arith.constant 2 : i32
      %add3A_216 = arith.addi %mul3A_208, %add3A_215 : i32
      %get3A_217 = arith.index_cast %add3A_216 : i32 to index
      %get3A_218 = memref.load %arg1[%get3A_217] : memref<24576xf32, #tpu.memory_space<smem>>
      %mul3A_219 = arith.constant 3 : i32
      %mul3A_220 = arith.muli %scan3A_85, %mul3A_219 : i32
      %swap3A_221 = arith.constant 2 : index
      %swap3A_222 = arith.index_cast %mul3A_220 : i32 to index
      %swap3A_223 = memref.load %arg2[%swap3A_221, %swap3A_222] : memref<4x3072xf32, #tpu.memory_space<smem>>
      memref.store %get3A_210, %arg2[%swap3A_221, %swap3A_222] : memref<4x3072xf32, #tpu.memory_space<smem>>
      %mul3A_224 = arith.constant 3 : i32
      %mul3A_225 = arith.muli %scan3A_85, %mul3A_224 : i32
      %add3A_226 = arith.constant 1 : i32
      %add3A_227 = arith.addi %mul3A_225, %add3A_226 : i32
      %swap3A_228 = arith.constant 2 : index
      %swap3A_229 = arith.index_cast %add3A_227 : i32 to index
      %swap3A_230 = memref.load %arg2[%swap3A_228, %swap3A_229] : memref<4x3072xf32, #tpu.memory_space<smem>>
      memref.store %get3A_214, %arg2[%swap3A_228, %swap3A_229] : memref<4x3072xf32, #tpu.memory_space<smem>>
      %mul3A_231 = arith.constant 3 : i32
      %mul3A_232 = arith.muli %scan3A_85, %mul3A_231 : i32
      %add3A_233 = arith.constant 2 : i32
      %add3A_234 = arith.addi %mul3A_232, %add3A_233 : i32
      %swap3A_235 = arith.constant 2 : index
      %swap3A_236 = arith.index_cast %add3A_234 : i32 to index
      %swap3A_237 = memref.load %arg2[%swap3A_235, %swap3A_236] : memref<4x3072xf32, #tpu.memory_space<smem>>
      memref.store %get3A_218, %arg2[%swap3A_235, %swap3A_236] : memref<4x3072xf32, #tpu.memory_space<smem>>
      %sub3A_238 = vector.broadcast %get3A_210 : f32 to vector<16x128xf32>
      %sub3A_239 = arith.subf %get3A_43, %sub3A_238 : vector<16x128xf32>
      %sub3A_240 = vector.broadcast %get3A_214 : f32 to vector<16x128xf32>
      %sub3A_241 = arith.subf %get3A_49, %sub3A_240 : vector<16x128xf32>
      %sub3A_242 = vector.broadcast %get3A_218 : f32 to vector<16x128xf32>
      %sub3A_243 = arith.subf %get3A_55, %sub3A_242 : vector<16x128xf32>
      %mul3A_244 = arith.mulf %sub3A_239, %sub3A_239 : vector<16x128xf32>
      %mul3A_245 = arith.mulf %sub3A_241, %sub3A_241 : vector<16x128xf32>
      %add3A_246 = arith.addf %mul3A_244, %mul3A_245 : vector<16x128xf32>
      %mul3A_247 = arith.mulf %sub3A_243, %sub3A_243 : vector<16x128xf32>
      %add3A_248 = arith.addf %add3A_246, %mul3A_247 : vector<16x128xf32>
      %min3A_249 = arith.minimumf %scan3A_90, %add3A_248 : vector<16x128xf32>
      %reduce_max3A_250 = vector.shape_cast %min3A_249 : vector<16x128xf32> to vector<1x16x128xf32>
      %reduce_max3A_251 = arith.constant dense<0xFF800000> : vector<1xf32>
      %reduce_max3A_252 = vector.multi_reduction <maximumf>, %reduce_max3A_250, %reduce_max3A_251 [1, 2] : vector<1x16x128xf32> to vector<1xf32>
      %reduce_max3A_253 = vector.shape_cast %reduce_max3A_252 : vector<1xf32> to vector<1x1x1xf32>
      %reduce_max3A_254 = vector.extract %reduce_max3A_253[0, 0, 0] : f32 from vector<1x1x1xf32>
      %eq3A_255 = vector.broadcast %reduce_max3A_254 : f32 to vector<16x128xf32>
      %eq3A_256 = arith.cmpf oeq, %min3A_249, %eq3A_255 : vector<16x128xf32>
      %broadcast_in_dim3A_257 = vector.broadcast %scan3A : i32 to vector<16x128xi32>
      %select_n3A_258 = arith.select %eq3A_256, %add3A, %broadcast_in_dim3A_257 : vector<16x128xi1>, vector<16x128xi32>
      %reduce_min3A_259 = vector.shape_cast %select_n3A_258 : vector<16x128xi32> to vector<1x16x128xi32>
      %reduce_min3A_260 = arith.constant dense<2147483647> : vector<1xi32>
      %reduce_min3A_261 = vector.multi_reduction <minsi>, %reduce_min3A_259, %reduce_min3A_260 [1, 2] : vector<1x16x128xi32> to vector<1xi32>
      %reduce_min3A_262 = vector.shape_cast %reduce_min3A_261 : vector<1xi32> to vector<1x1x1xi32>
      %reduce_min3A_263 = vector.extract %reduce_min3A_262[0, 0, 0] : i32 from vector<1x1x1xi32>
      %add3A_264 = arith.constant 6144 : i32
      %add3A_265 = arith.addi %add3A_264, %scan3A_93 : i32
      %mul3A_266 = arith.constant 3 : i32
      %mul3A_267 = arith.muli %add3A_265, %mul3A_266 : i32
      %get3A_268 = arith.index_cast %mul3A_267 : i32 to index
      %get3A_269 = memref.load %arg1[%get3A_268] : memref<24576xf32, #tpu.memory_space<smem>>
      %add3A_270 = arith.constant 1 : i32
      %add3A_271 = arith.addi %mul3A_267, %add3A_270 : i32
      %get3A_272 = arith.index_cast %add3A_271 : i32 to index
      %get3A_273 = memref.load %arg1[%get3A_272] : memref<24576xf32, #tpu.memory_space<smem>>
      %add3A_274 = arith.constant 2 : i32
      %add3A_275 = arith.addi %mul3A_267, %add3A_274 : i32
      %get3A_276 = arith.index_cast %add3A_275 : i32 to index
      %get3A_277 = memref.load %arg1[%get3A_276] : memref<24576xf32, #tpu.memory_space<smem>>
      %mul3A_278 = arith.constant 3 : i32
      %mul3A_279 = arith.muli %scan3A_85, %mul3A_278 : i32
      %swap3A_280 = arith.constant 3 : index
      %swap3A_281 = arith.index_cast %mul3A_279 : i32 to index
      %swap3A_282 = memref.load %arg2[%swap3A_280, %swap3A_281] : memref<4x3072xf32, #tpu.memory_space<smem>>
      memref.store %get3A_269, %arg2[%swap3A_280, %swap3A_281] : memref<4x3072xf32, #tpu.memory_space<smem>>
      %mul3A_283 = arith.constant 3 : i32
      %mul3A_284 = arith.muli %scan3A_85, %mul3A_283 : i32
      %add3A_285 = arith.constant 1 : i32
      %add3A_286 = arith.addi %mul3A_284, %add3A_285 : i32
      %swap3A_287 = arith.constant 3 : index
      %swap3A_288 = arith.index_cast %add3A_286 : i32 to index
      %swap3A_289 = memref.load %arg2[%swap3A_287, %swap3A_288] : memref<4x3072xf32, #tpu.memory_space<smem>>
      memref.store %get3A_273, %arg2[%swap3A_287, %swap3A_288] : memref<4x3072xf32, #tpu.memory_space<smem>>
      %mul3A_290 = arith.constant 3 : i32
      %mul3A_291 = arith.muli %scan3A_85, %mul3A_290 : i32
      %add3A_292 = arith.constant 2 : i32
      %add3A_293 = arith.addi %mul3A_291, %add3A_292 : i32
      %swap3A_294 = arith.constant 3 : index
      %swap3A_295 = arith.index_cast %add3A_293 : i32 to index
      %swap3A_296 = memref.load %arg2[%swap3A_294, %swap3A_295] : memref<4x3072xf32, #tpu.memory_space<smem>>
      memref.store %get3A_277, %arg2[%swap3A_294, %swap3A_295] : memref<4x3072xf32, #tpu.memory_space<smem>>
      %sub3A_297 = vector.broadcast %get3A_269 : f32 to vector<16x128xf32>
      %sub3A_298 = arith.subf %get3A_61, %sub3A_297 : vector<16x128xf32>
      %sub3A_299 = vector.broadcast %get3A_273 : f32 to vector<16x128xf32>
      %sub3A_300 = arith.subf %get3A_67, %sub3A_299 : vector<16x128xf32>
      %sub3A_301 = vector.broadcast %get3A_277 : f32 to vector<16x128xf32>
      %sub3A_302 = arith.subf %get3A_73, %sub3A_301 : vector<16x128xf32>
      %mul3A_303 = arith.mulf %sub3A_298, %sub3A_298 : vector<16x128xf32>
      %mul3A_304 = arith.mulf %sub3A_300, %sub3A_300 : vector<16x128xf32>
      %add3A_305 = arith.addf %mul3A_303, %mul3A_304 : vector<16x128xf32>
      %mul3A_306 = arith.mulf %sub3A_302, %sub3A_302 : vector<16x128xf32>
      %add3A_307 = arith.addf %add3A_305, %mul3A_306 : vector<16x128xf32>
      %min3A_308 = arith.minimumf %scan3A_92, %add3A_307 : vector<16x128xf32>
      %reduce_max3A_309 = vector.shape_cast %min3A_308 : vector<16x128xf32> to vector<1x16x128xf32>
      %reduce_max3A_310 = arith.constant dense<0xFF800000> : vector<1xf32>
      %reduce_max3A_311 = vector.multi_reduction <maximumf>, %reduce_max3A_309, %reduce_max3A_310 [1, 2] : vector<1x16x128xf32> to vector<1xf32>
      %reduce_max3A_312 = vector.shape_cast %reduce_max3A_311 : vector<1xf32> to vector<1x1x1xf32>
      %reduce_max3A_313 = vector.extract %reduce_max3A_312[0, 0, 0] : f32 from vector<1x1x1xf32>
      %eq3A_314 = vector.broadcast %reduce_max3A_313 : f32 to vector<16x128xf32>
      %eq3A_315 = arith.cmpf oeq, %min3A_308, %eq3A_314 : vector<16x128xf32>
      %broadcast_in_dim3A_316 = vector.broadcast %scan3A : i32 to vector<16x128xi32>
      %select_n3A_317 = arith.select %eq3A_315, %add3A, %broadcast_in_dim3A_316 : vector<16x128xi1>, vector<16x128xi32>
      %reduce_min3A_318 = vector.shape_cast %select_n3A_317 : vector<16x128xi32> to vector<1x16x128xi32>
      %reduce_min3A_319 = arith.constant dense<2147483647> : vector<1xi32>
      %reduce_min3A_320 = vector.multi_reduction <minsi>, %reduce_min3A_318, %reduce_min3A_319 [1, 2] : vector<1x16x128xi32> to vector<1xi32>
      %reduce_min3A_321 = vector.shape_cast %reduce_min3A_320 : vector<1xi32> to vector<1x1x1xi32>
      %reduce_min3A_322 = vector.extract %reduce_min3A_321[0, 0, 0] : i32 from vector<1x1x1xi32>
      %scan3A_323 = arith.constant 1 : i32
      %scan3A_324 = arith.addi %scan3A_85, %scan3A_323 : i32
      %add3A_325 = arith.constant 0 : i32
      %add3A_326 = arith.addi %add3A_325, %reduce_min3A_145 : i32
      %mul3A_327 = arith.constant 3 : i32
      %mul3A_328 = arith.muli %add3A_326, %mul3A_327 : i32
      %get3A_329 = arith.index_cast %mul3A_328 : i32 to index
      %get3A_330 = memref.load %arg1[%get3A_329] : memref<24576xf32, #tpu.memory_space<smem>>
      %add3A_331 = arith.constant 1 : i32
      %add3A_332 = arith.addi %mul3A_328, %add3A_331 : i32
      %get3A_333 = arith.index_cast %add3A_332 : i32 to index
      %get3A_334 = memref.load %arg1[%get3A_333] : memref<24576xf32, #tpu.memory_space<smem>>
      %add3A_335 = arith.constant 2 : i32
      %add3A_336 = arith.addi %mul3A_328, %add3A_335 : i32
      %get3A_337 = arith.index_cast %add3A_336 : i32 to index
      %get3A_338 = memref.load %arg1[%get3A_337] : memref<24576xf32, #tpu.memory_space<smem>>
      %mul3A_339 = arith.constant 3 : i32
      %mul3A_340 = arith.muli %scan3A_324, %mul3A_339 : i32
      %swap3A_341 = arith.constant 0 : index
      %swap3A_342 = arith.index_cast %mul3A_340 : i32 to index
      %swap3A_343 = memref.load %arg2[%swap3A_341, %swap3A_342] : memref<4x3072xf32, #tpu.memory_space<smem>>
      memref.store %get3A_330, %arg2[%swap3A_341, %swap3A_342] : memref<4x3072xf32, #tpu.memory_space<smem>>
      %mul3A_344 = arith.constant 3 : i32
      %mul3A_345 = arith.muli %scan3A_324, %mul3A_344 : i32
      %add3A_346 = arith.constant 1 : i32
      %add3A_347 = arith.addi %mul3A_345, %add3A_346 : i32
      %swap3A_348 = arith.constant 0 : index
      %swap3A_349 = arith.index_cast %add3A_347 : i32 to index
      %swap3A_350 = memref.load %arg2[%swap3A_348, %swap3A_349] : memref<4x3072xf32, #tpu.memory_space<smem>>
      memref.store %get3A_334, %arg2[%swap3A_348, %swap3A_349] : memref<4x3072xf32, #tpu.memory_space<smem>>
      %mul3A_351 = arith.constant 3 : i32
      %mul3A_352 = arith.muli %scan3A_324, %mul3A_351 : i32
      %add3A_353 = arith.constant 2 : i32
      %add3A_354 = arith.addi %mul3A_352, %add3A_353 : i32
      %swap3A_355 = arith.constant 0 : index
      %swap3A_356 = arith.index_cast %add3A_354 : i32 to index
      %swap3A_357 = memref.load %arg2[%swap3A_355, %swap3A_356] : memref<4x3072xf32, #tpu.memory_space<smem>>
      memref.store %get3A_338, %arg2[%swap3A_355, %swap3A_356] : memref<4x3072xf32, #tpu.memory_space<smem>>
      %sub3A_358 = vector.broadcast %get3A_330 : f32 to vector<16x128xf32>
      %sub3A_359 = arith.subf %get3A_7, %sub3A_358 : vector<16x128xf32>
      %sub3A_360 = vector.broadcast %get3A_334 : f32 to vector<16x128xf32>
      %sub3A_361 = arith.subf %get3A_13, %sub3A_360 : vector<16x128xf32>
      %sub3A_362 = vector.broadcast %get3A_338 : f32 to vector<16x128xf32>
      %sub3A_363 = arith.subf %get3A_19, %sub3A_362 : vector<16x128xf32>
      %mul3A_364 = arith.mulf %sub3A_359, %sub3A_359 : vector<16x128xf32>
      %mul3A_365 = arith.mulf %sub3A_361, %sub3A_361 : vector<16x128xf32>
      %add3A_366 = arith.addf %mul3A_364, %mul3A_365 : vector<16x128xf32>
      %mul3A_367 = arith.mulf %sub3A_363, %sub3A_363 : vector<16x128xf32>
      %add3A_368 = arith.addf %add3A_366, %mul3A_367 : vector<16x128xf32>
      %min3A_369 = arith.minimumf %min3A, %add3A_368 : vector<16x128xf32>
      %reduce_max3A_370 = vector.shape_cast %min3A_369 : vector<16x128xf32> to vector<1x16x128xf32>
      %reduce_max3A_371 = arith.constant dense<0xFF800000> : vector<1xf32>
      %reduce_max3A_372 = vector.multi_reduction <maximumf>, %reduce_max3A_370, %reduce_max3A_371 [1, 2] : vector<1x16x128xf32> to vector<1xf32>
      %reduce_max3A_373 = vector.shape_cast %reduce_max3A_372 : vector<1xf32> to vector<1x1x1xf32>
      %reduce_max3A_374 = vector.extract %reduce_max3A_373[0, 0, 0] : f32 from vector<1x1x1xf32>
      %eq3A_375 = vector.broadcast %reduce_max3A_374 : f32 to vector<16x128xf32>
      %eq3A_376 = arith.cmpf oeq, %min3A_369, %eq3A_375 : vector<16x128xf32>
      %broadcast_in_dim3A_377 = vector.broadcast %scan3A : i32 to vector<16x128xi32>
      %select_n3A_378 = arith.select %eq3A_376, %add3A, %broadcast_in_dim3A_377 : vector<16x128xi1>, vector<16x128xi32>
      %reduce_min3A_379 = vector.shape_cast %select_n3A_378 : vector<16x128xi32> to vector<1x16x128xi32>
      %reduce_min3A_380 = arith.constant dense<2147483647> : vector<1xi32>
      %reduce_min3A_381 = vector.multi_reduction <minsi>, %reduce_min3A_379, %reduce_min3A_380 [1, 2] : vector<1x16x128xi32> to vector<1xi32>
      %reduce_min3A_382 = vector.shape_cast %reduce_min3A_381 : vector<1xi32> to vector<1x1x1xi32>
      %reduce_min3A_383 = vector.extract %reduce_min3A_382[0, 0, 0] : i32 from vector<1x1x1xi32>
      %add3A_384 = arith.constant 2048 : i32
      %add3A_385 = arith.addi %add3A_384, %reduce_min3A_204 : i32
      %mul3A_386 = arith.constant 3 : i32
      %mul3A_387 = arith.muli %add3A_385, %mul3A_386 : i32
      %get3A_388 = arith.index_cast %mul3A_387 : i32 to index
      %get3A_389 = memref.load %arg1[%get3A_388] : memref<24576xf32, #tpu.memory_space<smem>>
      %add3A_390 = arith.constant 1 : i32
      %add3A_391 = arith.addi %mul3A_387, %add3A_390 : i32
      %get3A_392 = arith.index_cast %add3A_391 : i32 to index
      %get3A_393 = memref.load %arg1[%get3A_392] : memref<24576xf32, #tpu.memory_space<smem>>
      %add3A_394 = arith.constant 2 : i32
      %add3A_395 = arith.addi %mul3A_387, %add3A_394 : i32
      %get3A_396 = arith.index_cast %add3A_395 : i32 to index
      %get3A_397 = memref.load %arg1[%get3A_396] : memref<24576xf32, #tpu.memory_space<smem>>
      %mul3A_398 = arith.constant 3 : i32
      %mul3A_399 = arith.muli %scan3A_324, %mul3A_398 : i32
      %swap3A_400 = arith.constant 1 : index
      %swap3A_401 = arith.index_cast %mul3A_399 : i32 to index
      %swap3A_402 = memref.load %arg2[%swap3A_400, %swap3A_401] : memref<4x3072xf32, #tpu.memory_space<smem>>
      memref.store %get3A_389, %arg2[%swap3A_400, %swap3A_401] : memref<4x3072xf32, #tpu.memory_space<smem>>
      %mul3A_403 = arith.constant 3 : i32
      %mul3A_404 = arith.muli %scan3A_324, %mul3A_403 : i32
      %add3A_405 = arith.constant 1 : i32
      %add3A_406 = arith.addi %mul3A_404, %add3A_405 : i32
      %swap3A_407 = arith.constant 1 : index
      %swap3A_408 = arith.index_cast %add3A_406 : i32 to index
      %swap3A_409 = memref.load %arg2[%swap3A_407, %swap3A_408] : memref<4x3072xf32, #tpu.memory_space<smem>>
      memref.store %get3A_393, %arg2[%swap3A_407, %swap3A_408] : memref<4x3072xf32, #tpu.memory_space<smem>>
      %mul3A_410 = arith.constant 3 : i32
      %mul3A_411 = arith.muli %scan3A_324, %mul3A_410 : i32
      %add3A_412 = arith.constant 2 : i32
      %add3A_413 = arith.addi %mul3A_411, %add3A_412 : i32
      %swap3A_414 = arith.constant 1 : index
      %swap3A_415 = arith.index_cast %add3A_413 : i32 to index
      %swap3A_416 = memref.load %arg2[%swap3A_414, %swap3A_415] : memref<4x3072xf32, #tpu.memory_space<smem>>
      memref.store %get3A_397, %arg2[%swap3A_414, %swap3A_415] : memref<4x3072xf32, #tpu.memory_space<smem>>
      %sub3A_417 = vector.broadcast %get3A_389 : f32 to vector<16x128xf32>
      %sub3A_418 = arith.subf %get3A_25, %sub3A_417 : vector<16x128xf32>
      %sub3A_419 = vector.broadcast %get3A_393 : f32 to vector<16x128xf32>
      %sub3A_420 = arith.subf %get3A_31, %sub3A_419 : vector<16x128xf32>
      %sub3A_421 = vector.broadcast %get3A_397 : f32 to vector<16x128xf32>
      %sub3A_422 = arith.subf %get3A_37, %sub3A_421 : vector<16x128xf32>
      %mul3A_423 = arith.mulf %sub3A_418, %sub3A_418 : vector<16x128xf32>
      %mul3A_424 = arith.mulf %sub3A_420, %sub3A_420 : vector<16x128xf32>
      %add3A_425 = arith.addf %mul3A_423, %mul3A_424 : vector<16x128xf32>
      %mul3A_426 = arith.mulf %sub3A_422, %sub3A_422 : vector<16x128xf32>
      %add3A_427 = arith.addf %add3A_425, %mul3A_426 : vector<16x128xf32>
      %min3A_428 = arith.minimumf %min3A_190, %add3A_427 : vector<16x128xf32>
      %reduce_max3A_429 = vector.shape_cast %min3A_428 : vector<16x128xf32> to vector<1x16x128xf32>
      %reduce_max3A_430 = arith.constant dense<0xFF800000> : vector<1xf32>
      %reduce_max3A_431 = vector.multi_reduction <maximumf>, %reduce_max3A_429, %reduce_max3A_430 [1, 2] : vector<1x16x128xf32> to vector<1xf32>
      %reduce_max3A_432 = vector.shape_cast %reduce_max3A_431 : vector<1xf32> to vector<1x1x1xf32>
      %reduce_max3A_433 = vector.extract %reduce_max3A_432[0, 0, 0] : f32 from vector<1x1x1xf32>
      %eq3A_434 = vector.broadcast %reduce_max3A_433 : f32 to vector<16x128xf32>
      %eq3A_435 = arith.cmpf oeq, %min3A_428, %eq3A_434 : vector<16x128xf32>
      %broadcast_in_dim3A_436 = vector.broadcast %scan3A : i32 to vector<16x128xi32>
      %select_n3A_437 = arith.select %eq3A_435, %add3A, %broadcast_in_dim3A_436 : vector<16x128xi1>, vector<16x128xi32>
      %reduce_min3A_438 = vector.shape_cast %select_n3A_437 : vector<16x128xi32> to vector<1x16x128xi32>
      %reduce_min3A_439 = arith.constant dense<2147483647> : vector<1xi32>
      %reduce_min3A_440 = vector.multi_reduction <minsi>, %reduce_min3A_438, %reduce_min3A_439 [1, 2] : vector<1x16x128xi32> to vector<1xi32>
      %reduce_min3A_441 = vector.shape_cast %reduce_min3A_440 : vector<1xi32> to vector<1x1x1xi32>
      %reduce_min3A_442 = vector.extract %reduce_min3A_441[0, 0, 0] : i32 from vector<1x1x1xi32>
      %add3A_443 = arith.constant 4096 : i32
      %add3A_444 = arith.addi %add3A_443, %reduce_min3A_263 : i32
      %mul3A_445 = arith.constant 3 : i32
      %mul3A_446 = arith.muli %add3A_444, %mul3A_445 : i32
      %get3A_447 = arith.index_cast %mul3A_446 : i32 to index
      %get3A_448 = memref.load %arg1[%get3A_447] : memref<24576xf32, #tpu.memory_space<smem>>
      %add3A_449 = arith.constant 1 : i32
      %add3A_450 = arith.addi %mul3A_446, %add3A_449 : i32
      %get3A_451 = arith.index_cast %add3A_450 : i32 to index
      %get3A_452 = memref.load %arg1[%get3A_451] : memref<24576xf32, #tpu.memory_space<smem>>
      %add3A_453 = arith.constant 2 : i32
      %add3A_454 = arith.addi %mul3A_446, %add3A_453 : i32
      %get3A_455 = arith.index_cast %add3A_454 : i32 to index
      %get3A_456 = memref.load %arg1[%get3A_455] : memref<24576xf32, #tpu.memory_space<smem>>
      %mul3A_457 = arith.constant 3 : i32
      %mul3A_458 = arith.muli %scan3A_324, %mul3A_457 : i32
      %swap3A_459 = arith.constant 2 : index
      %swap3A_460 = arith.index_cast %mul3A_458 : i32 to index
      %swap3A_461 = memref.load %arg2[%swap3A_459, %swap3A_460] : memref<4x3072xf32, #tpu.memory_space<smem>>
      memref.store %get3A_448, %arg2[%swap3A_459, %swap3A_460] : memref<4x3072xf32, #tpu.memory_space<smem>>
      %mul3A_462 = arith.constant 3 : i32
      %mul3A_463 = arith.muli %scan3A_324, %mul3A_462 : i32
      %add3A_464 = arith.constant 1 : i32
      %add3A_465 = arith.addi %mul3A_463, %add3A_464 : i32
      %swap3A_466 = arith.constant 2 : index
      %swap3A_467 = arith.index_cast %add3A_465 : i32 to index
      %swap3A_468 = memref.load %arg2[%swap3A_466, %swap3A_467] : memref<4x3072xf32, #tpu.memory_space<smem>>
      memref.store %get3A_452, %arg2[%swap3A_466, %swap3A_467] : memref<4x3072xf32, #tpu.memory_space<smem>>
      %mul3A_469 = arith.constant 3 : i32
      %mul3A_470 = arith.muli %scan3A_324, %mul3A_469 : i32
      %add3A_471 = arith.constant 2 : i32
      %add3A_472 = arith.addi %mul3A_470, %add3A_471 : i32
      %swap3A_473 = arith.constant 2 : index
      %swap3A_474 = arith.index_cast %add3A_472 : i32 to index
      %swap3A_475 = memref.load %arg2[%swap3A_473, %swap3A_474] : memref<4x3072xf32, #tpu.memory_space<smem>>
      memref.store %get3A_456, %arg2[%swap3A_473, %swap3A_474] : memref<4x3072xf32, #tpu.memory_space<smem>>
      %sub3A_476 = vector.broadcast %get3A_448 : f32 to vector<16x128xf32>
      %sub3A_477 = arith.subf %get3A_43, %sub3A_476 : vector<16x128xf32>
      %sub3A_478 = vector.broadcast %get3A_452 : f32 to vector<16x128xf32>
      %sub3A_479 = arith.subf %get3A_49, %sub3A_478 : vector<16x128xf32>
      %sub3A_480 = vector.broadcast %get3A_456 : f32 to vector<16x128xf32>
      %sub3A_481 = arith.subf %get3A_55, %sub3A_480 : vector<16x128xf32>
      %mul3A_482 = arith.mulf %sub3A_477, %sub3A_477 : vector<16x128xf32>
      %mul3A_483 = arith.mulf %sub3A_479, %sub3A_479 : vector<16x128xf32>
      %add3A_484 = arith.addf %mul3A_482, %mul3A_483 : vector<16x128xf32>
      %mul3A_485 = arith.mulf %sub3A_481, %sub3A_481 : vector<16x128xf32>
      %add3A_486 = arith.addf %add3A_484, %mul3A_485 : vector<16x128xf32>
      %min3A_487 = arith.minimumf %min3A_249, %add3A_486 : vector<16x128xf32>
      %reduce_max3A_488 = vector.shape_cast %min3A_487 : vector<16x128xf32> to vector<1x16x128xf32>
      %reduce_max3A_489 = arith.constant dense<0xFF800000> : vector<1xf32>
      %reduce_max3A_490 = vector.multi_reduction <maximumf>, %reduce_max3A_488, %reduce_max3A_489 [1, 2] : vector<1x16x128xf32> to vector<1xf32>
      %reduce_max3A_491 = vector.shape_cast %reduce_max3A_490 : vector<1xf32> to vector<1x1x1xf32>
      %reduce_max3A_492 = vector.extract %reduce_max3A_491[0, 0, 0] : f32 from vector<1x1x1xf32>
      %eq3A_493 = vector.broadcast %reduce_max3A_492 : f32 to vector<16x128xf32>
      %eq3A_494 = arith.cmpf oeq, %min3A_487, %eq3A_493 : vector<16x128xf32>
      %broadcast_in_dim3A_495 = vector.broadcast %scan3A : i32 to vector<16x128xi32>
      %select_n3A_496 = arith.select %eq3A_494, %add3A, %broadcast_in_dim3A_495 : vector<16x128xi1>, vector<16x128xi32>
      %reduce_min3A_497 = vector.shape_cast %select_n3A_496 : vector<16x128xi32> to vector<1x16x128xi32>
      %reduce_min3A_498 = arith.constant dense<2147483647> : vector<1xi32>
      %reduce_min3A_499 = vector.multi_reduction <minsi>, %reduce_min3A_497, %reduce_min3A_498 [1, 2] : vector<1x16x128xi32> to vector<1xi32>
      %reduce_min3A_500 = vector.shape_cast %reduce_min3A_499 : vector<1xi32> to vector<1x1x1xi32>
      %reduce_min3A_501 = vector.extract %reduce_min3A_500[0, 0, 0] : i32 from vector<1x1x1xi32>
      %add3A_502 = arith.constant 6144 : i32
      %add3A_503 = arith.addi %add3A_502, %reduce_min3A_322 : i32
      %mul3A_504 = arith.constant 3 : i32
      %mul3A_505 = arith.muli %add3A_503, %mul3A_504 : i32
      %get3A_506 = arith.index_cast %mul3A_505 : i32 to index
      %get3A_507 = memref.load %arg1[%get3A_506] : memref<24576xf32, #tpu.memory_space<smem>>
      %add3A_508 = arith.constant 1 : i32
      %add3A_509 = arith.addi %mul3A_505, %add3A_508 : i32
      %get3A_510 = arith.index_cast %add3A_509 : i32 to index
      %get3A_511 = memref.load %arg1[%get3A_510] : memref<24576xf32, #tpu.memory_space<smem>>
      %add3A_512 = arith.constant 2 : i32
      %add3A_513 = arith.addi %mul3A_505, %add3A_512 : i32
      %get3A_514 = arith.index_cast %add3A_513 : i32 to index
      %get3A_515 = memref.load %arg1[%get3A_514] : memref<24576xf32, #tpu.memory_space<smem>>
      %mul3A_516 = arith.constant 3 : i32
      %mul3A_517 = arith.muli %scan3A_324, %mul3A_516 : i32
      %swap3A_518 = arith.constant 3 : index
      %swap3A_519 = arith.index_cast %mul3A_517 : i32 to index
      %swap3A_520 = memref.load %arg2[%swap3A_518, %swap3A_519] : memref<4x3072xf32, #tpu.memory_space<smem>>
      memref.store %get3A_507, %arg2[%swap3A_518, %swap3A_519] : memref<4x3072xf32, #tpu.memory_space<smem>>
      %mul3A_521 = arith.constant 3 : i32
      %mul3A_522 = arith.muli %scan3A_324, %mul3A_521 : i32
      %add3A_523 = arith.constant 1 : i32
      %add3A_524 = arith.addi %mul3A_522, %add3A_523 : i32
      %swap3A_525 = arith.constant 3 : index
      %swap3A_526 = arith.index_cast %add3A_524 : i32 to index
      %swap3A_527 = memref.load %arg2[%swap3A_525, %swap3A_526] : memref<4x3072xf32, #tpu.memory_space<smem>>
      memref.store %get3A_511, %arg2[%swap3A_525, %swap3A_526] : memref<4x3072xf32, #tpu.memory_space<smem>>
      %mul3A_528 = arith.constant 3 : i32
      %mul3A_529 = arith.muli %scan3A_324, %mul3A_528 : i32
      %add3A_530 = arith.constant 2 : i32
      %add3A_531 = arith.addi %mul3A_529, %add3A_530 : i32
      %swap3A_532 = arith.constant 3 : index
      %swap3A_533 = arith.index_cast %add3A_531 : i32 to index
      %swap3A_534 = memref.load %arg2[%swap3A_532, %swap3A_533] : memref<4x3072xf32, #tpu.memory_space<smem>>
      memref.store %get3A_515, %arg2[%swap3A_532, %swap3A_533] : memref<4x3072xf32, #tpu.memory_space<smem>>
      %sub3A_535 = vector.broadcast %get3A_507 : f32 to vector<16x128xf32>
      %sub3A_536 = arith.subf %get3A_61, %sub3A_535 : vector<16x128xf32>
      %sub3A_537 = vector.broadcast %get3A_511 : f32 to vector<16x128xf32>
      %sub3A_538 = arith.subf %get3A_67, %sub3A_537 : vector<16x128xf32>
      %sub3A_539 = vector.broadcast %get3A_515 : f32 to vector<16x128xf32>
      %sub3A_540 = arith.subf %get3A_73, %sub3A_539 : vector<16x128xf32>
      %mul3A_541 = arith.mulf %sub3A_536, %sub3A_536 : vector<16x128xf32>
      %mul3A_542 = arith.mulf %sub3A_538, %sub3A_538 : vector<16x128xf32>
      %add3A_543 = arith.addf %mul3A_541, %mul3A_542 : vector<16x128xf32>
      %mul3A_544 = arith.mulf %sub3A_540, %sub3A_540 : vector<16x128xf32>
      %add3A_545 = arith.addf %add3A_543, %mul3A_544 : vector<16x128xf32>
      %min3A_546 = arith.minimumf %min3A_308, %add3A_545 : vector<16x128xf32>
      %reduce_max3A_547 = vector.shape_cast %min3A_546 : vector<16x128xf32> to vector<1x16x128xf32>
      %reduce_max3A_548 = arith.constant dense<0xFF800000> : vector<1xf32>
      %reduce_max3A_549 = vector.multi_reduction <maximumf>, %reduce_max3A_547, %reduce_max3A_548 [1, 2] : vector<1x16x128xf32> to vector<1xf32>
      %reduce_max3A_550 = vector.shape_cast %reduce_max3A_549 : vector<1xf32> to vector<1x1x1xf32>
      %reduce_max3A_551 = vector.extract %reduce_max3A_550[0, 0, 0] : f32 from vector<1x1x1xf32>
      %eq3A_552 = vector.broadcast %reduce_max3A_551 : f32 to vector<16x128xf32>
      %eq3A_553 = arith.cmpf oeq, %min3A_546, %eq3A_552 : vector<16x128xf32>
      %broadcast_in_dim3A_554 = vector.broadcast %scan3A : i32 to vector<16x128xi32>
      %select_n3A_555 = arith.select %eq3A_553, %add3A, %broadcast_in_dim3A_554 : vector<16x128xi1>, vector<16x128xi32>
      %reduce_min3A_556 = vector.shape_cast %select_n3A_555 : vector<16x128xi32> to vector<1x16x128xi32>
      %reduce_min3A_557 = arith.constant dense<2147483647> : vector<1xi32>
      %reduce_min3A_558 = vector.multi_reduction <minsi>, %reduce_min3A_556, %reduce_min3A_557 [1, 2] : vector<1x16x128xi32> to vector<1xi32>
      %reduce_min3A_559 = vector.shape_cast %reduce_min3A_558 : vector<1xi32> to vector<1x1x1xi32>
      %reduce_min3A_560 = vector.extract %reduce_min3A_559[0, 0, 0] : i32 from vector<1x1x1xi32>
      %scan3A_561 = arith.constant 2 : i32
      %scan3A_562 = arith.addi %scan3A_85, %scan3A_561 : i32
      %add3A_563 = arith.constant 0 : i32
      %add3A_564 = arith.addi %add3A_563, %reduce_min3A_383 : i32
      %mul3A_565 = arith.constant 3 : i32
      %mul3A_566 = arith.muli %add3A_564, %mul3A_565 : i32
      %get3A_567 = arith.index_cast %mul3A_566 : i32 to index
      %get3A_568 = memref.load %arg1[%get3A_567] : memref<24576xf32, #tpu.memory_space<smem>>
      %add3A_569 = arith.constant 1 : i32
      %add3A_570 = arith.addi %mul3A_566, %add3A_569 : i32
      %get3A_571 = arith.index_cast %add3A_570 : i32 to index
      %get3A_572 = memref.load %arg1[%get3A_571] : memref<24576xf32, #tpu.memory_space<smem>>
      %add3A_573 = arith.constant 2 : i32
      %add3A_574 = arith.addi %mul3A_566, %add3A_573 : i32
      %get3A_575 = arith.index_cast %add3A_574 : i32 to index
      %get3A_576 = memref.load %arg1[%get3A_575] : memref<24576xf32, #tpu.memory_space<smem>>
      %mul3A_577 = arith.constant 3 : i32
      %mul3A_578 = arith.muli %scan3A_562, %mul3A_577 : i32
      %swap3A_579 = arith.constant 0 : index
      %swap3A_580 = arith.index_cast %mul3A_578 : i32 to index
      %swap3A_581 = memref.load %arg2[%swap3A_579, %swap3A_580] : memref<4x3072xf32, #tpu.memory_space<smem>>
      memref.store %get3A_568, %arg2[%swap3A_579, %swap3A_580] : memref<4x3072xf32, #tpu.memory_space<smem>>
      %mul3A_582 = arith.constant 3 : i32
      %mul3A_583 = arith.muli %scan3A_562, %mul3A_582 : i32
      %add3A_584 = arith.constant 1 : i32
      %add3A_585 = arith.addi %mul3A_583, %add3A_584 : i32
      %swap3A_586 = arith.constant 0 : index
      %swap3A_587 = arith.index_cast %add3A_585 : i32 to index
      %swap3A_588 = memref.load %arg2[%swap3A_586, %swap3A_587] : memref<4x3072xf32, #tpu.memory_space<smem>>
      memref.store %get3A_572, %arg2[%swap3A_586, %swap3A_587] : memref<4x3072xf32, #tpu.memory_space<smem>>
      %mul3A_589 = arith.constant 3 : i32
      %mul3A_590 = arith.muli %scan3A_562, %mul3A_589 : i32
      %add3A_591 = arith.constant 2 : i32
      %add3A_592 = arith.addi %mul3A_590, %add3A_591 : i32
      %swap3A_593 = arith.constant 0 : index
      %swap3A_594 = arith.index_cast %add3A_592 : i32 to index
      %swap3A_595 = memref.load %arg2[%swap3A_593, %swap3A_594] : memref<4x3072xf32, #tpu.memory_space<smem>>
      memref.store %get3A_576, %arg2[%swap3A_593, %swap3A_594] : memref<4x3072xf32, #tpu.memory_space<smem>>
      %sub3A_596 = vector.broadcast %get3A_568 : f32 to vector<16x128xf32>
      %sub3A_597 = arith.subf %get3A_7, %sub3A_596 : vector<16x128xf32>
      %sub3A_598 = vector.broadcast %get3A_572 : f32 to vector<16x128xf32>
      %sub3A_599 = arith.subf %get3A_13, %sub3A_598 : vector<16x128xf32>
      %sub3A_600 = vector.broadcast %get3A_576 : f32 to vector<16x128xf32>
      %sub3A_601 = arith.subf %get3A_19, %sub3A_600 : vector<16x128xf32>
      %mul3A_602 = arith.mulf %sub3A_597, %sub3A_597 : vector<16x128xf32>
      %mul3A_603 = arith.mulf %sub3A_599, %sub3A_599 : vector<16x128xf32>
      %add3A_604 = arith.addf %mul3A_602, %mul3A_603 : vector<16x128xf32>
      %mul3A_605 = arith.mulf %sub3A_601, %sub3A_601 : vector<16x128xf32>
      %add3A_606 = arith.addf %add3A_604, %mul3A_605 : vector<16x128xf32>
      %min3A_607 = arith.minimumf %min3A_369, %add3A_606 : vector<16x128xf32>
      %reduce_max3A_608 = vector.shape_cast %min3A_607 : vector<16x128xf32> to vector<1x16x128xf32>
      %reduce_max3A_609 = arith.constant dense<0xFF800000> : vector<1xf32>
      %reduce_max3A_610 = vector.multi_reduction <maximumf>, %reduce_max3A_608, %reduce_max3A_609 [1, 2] : vector<1x16x128xf32> to vector<1xf32>
      %reduce_max3A_611 = vector.shape_cast %reduce_max3A_610 : vector<1xf32> to vector<1x1x1xf32>
      %reduce_max3A_612 = vector.extract %reduce_max3A_611[0, 0, 0] : f32 from vector<1x1x1xf32>
      %eq3A_613 = vector.broadcast %reduce_max3A_612 : f32 to vector<16x128xf32>
      %eq3A_614 = arith.cmpf oeq, %min3A_607, %eq3A_613 : vector<16x128xf32>
      %broadcast_in_dim3A_615 = vector.broadcast %scan3A : i32 to vector<16x128xi32>
      %select_n3A_616 = arith.select %eq3A_614, %add3A, %broadcast_in_dim3A_615 : vector<16x128xi1>, vector<16x128xi32>
      %reduce_min3A_617 = vector.shape_cast %select_n3A_616 : vector<16x128xi32> to vector<1x16x128xi32>
      %reduce_min3A_618 = arith.constant dense<2147483647> : vector<1xi32>
      %reduce_min3A_619 = vector.multi_reduction <minsi>, %reduce_min3A_617, %reduce_min3A_618 [1, 2] : vector<1x16x128xi32> to vector<1xi32>
      %reduce_min3A_620 = vector.shape_cast %reduce_min3A_619 : vector<1xi32> to vector<1x1x1xi32>
      %reduce_min3A_621 = vector.extract %reduce_min3A_620[0, 0, 0] : i32 from vector<1x1x1xi32>
      %add3A_622 = arith.constant 2048 : i32
      %add3A_623 = arith.addi %add3A_622, %reduce_min3A_442 : i32
      %mul3A_624 = arith.constant 3 : i32
      %mul3A_625 = arith.muli %add3A_623, %mul3A_624 : i32
      %get3A_626 = arith.index_cast %mul3A_625 : i32 to index
      %get3A_627 = memref.load %arg1[%get3A_626] : memref<24576xf32, #tpu.memory_space<smem>>
      %add3A_628 = arith.constant 1 : i32
      %add3A_629 = arith.addi %mul3A_625, %add3A_628 : i32
      %get3A_630 = arith.index_cast %add3A_629 : i32 to index
      %get3A_631 = memref.load %arg1[%get3A_630] : memref<24576xf32, #tpu.memory_space<smem>>
      %add3A_632 = arith.constant 2 : i32
      %add3A_633 = arith.addi %mul3A_625, %add3A_632 : i32
      %get3A_634 = arith.index_cast %add3A_633 : i32 to index
      %get3A_635 = memref.load %arg1[%get3A_634] : memref<24576xf32, #tpu.memory_space<smem>>
      %mul3A_636 = arith.constant 3 : i32
      %mul3A_637 = arith.muli %scan3A_562, %mul3A_636 : i32
      %swap3A_638 = arith.constant 1 : index
      %swap3A_639 = arith.index_cast %mul3A_637 : i32 to index
      %swap3A_640 = memref.load %arg2[%swap3A_638, %swap3A_639] : memref<4x3072xf32, #tpu.memory_space<smem>>
      memref.store %get3A_627, %arg2[%swap3A_638, %swap3A_639] : memref<4x3072xf32, #tpu.memory_space<smem>>
      %mul3A_641 = arith.constant 3 : i32
      %mul3A_642 = arith.muli %scan3A_562, %mul3A_641 : i32
      %add3A_643 = arith.constant 1 : i32
      %add3A_644 = arith.addi %mul3A_642, %add3A_643 : i32
      %swap3A_645 = arith.constant 1 : index
      %swap3A_646 = arith.index_cast %add3A_644 : i32 to index
      %swap3A_647 = memref.load %arg2[%swap3A_645, %swap3A_646] : memref<4x3072xf32, #tpu.memory_space<smem>>
      memref.store %get3A_631, %arg2[%swap3A_645, %swap3A_646] : memref<4x3072xf32, #tpu.memory_space<smem>>
      %mul3A_648 = arith.constant 3 : i32
      %mul3A_649 = arith.muli %scan3A_562, %mul3A_648 : i32
      %add3A_650 = arith.constant 2 : i32
      %add3A_651 = arith.addi %mul3A_649, %add3A_650 : i32
      %swap3A_652 = arith.constant 1 : index
      %swap3A_653 = arith.index_cast %add3A_651 : i32 to index
      %swap3A_654 = memref.load %arg2[%swap3A_652, %swap3A_653] : memref<4x3072xf32, #tpu.memory_space<smem>>
      memref.store %get3A_635, %arg2[%swap3A_652, %swap3A_653] : memref<4x3072xf32, #tpu.memory_space<smem>>
      %sub3A_655 = vector.broadcast %get3A_627 : f32 to vector<16x128xf32>
      %sub3A_656 = arith.subf %get3A_25, %sub3A_655 : vector<16x128xf32>
      %sub3A_657 = vector.broadcast %get3A_631 : f32 to vector<16x128xf32>
      %sub3A_658 = arith.subf %get3A_31, %sub3A_657 : vector<16x128xf32>
      %sub3A_659 = vector.broadcast %get3A_635 : f32 to vector<16x128xf32>
      %sub3A_660 = arith.subf %get3A_37, %sub3A_659 : vector<16x128xf32>
      %mul3A_661 = arith.mulf %sub3A_656, %sub3A_656 : vector<16x128xf32>
      %mul3A_662 = arith.mulf %sub3A_658, %sub3A_658 : vector<16x128xf32>
      %add3A_663 = arith.addf %mul3A_661, %mul3A_662 : vector<16x128xf32>
      %mul3A_664 = arith.mulf %sub3A_660, %sub3A_660 : vector<16x128xf32>
      %add3A_665 = arith.addf %add3A_663, %mul3A_664 : vector<16x128xf32>
      %min3A_666 = arith.minimumf %min3A_428, %add3A_665 : vector<16x128xf32>
      %reduce_max3A_667 = vector.shape_cast %min3A_666 : vector<16x128xf32> to vector<1x16x128xf32>
      %reduce_max3A_668 = arith.constant dense<0xFF800000> : vector<1xf32>
      %reduce_max3A_669 = vector.multi_reduction <maximumf>, %reduce_max3A_667, %reduce_max3A_668 [1, 2] : vector<1x16x128xf32> to vector<1xf32>
      %reduce_max3A_670 = vector.shape_cast %reduce_max3A_669 : vector<1xf32> to vector<1x1x1xf32>
      %reduce_max3A_671 = vector.extract %reduce_max3A_670[0, 0, 0] : f32 from vector<1x1x1xf32>
      %eq3A_672 = vector.broadcast %reduce_max3A_671 : f32 to vector<16x128xf32>
      %eq3A_673 = arith.cmpf oeq, %min3A_666, %eq3A_672 : vector<16x128xf32>
      %broadcast_in_dim3A_674 = vector.broadcast %scan3A : i32 to vector<16x128xi32>
      %select_n3A_675 = arith.select %eq3A_673, %add3A, %broadcast_in_dim3A_674 : vector<16x128xi1>, vector<16x128xi32>
      %reduce_min3A_676 = vector.shape_cast %select_n3A_675 : vector<16x128xi32> to vector<1x16x128xi32>
      %reduce_min3A_677 = arith.constant dense<2147483647> : vector<1xi32>
      %reduce_min3A_678 = vector.multi_reduction <minsi>, %reduce_min3A_676, %reduce_min3A_677 [1, 2] : vector<1x16x128xi32> to vector<1xi32>
      %reduce_min3A_679 = vector.shape_cast %reduce_min3A_678 : vector<1xi32> to vector<1x1x1xi32>
      %reduce_min3A_680 = vector.extract %reduce_min3A_679[0, 0, 0] : i32 from vector<1x1x1xi32>
      %add3A_681 = arith.constant 4096 : i32
      %add3A_682 = arith.addi %add3A_681, %reduce_min3A_501 : i32
      %mul3A_683 = arith.constant 3 : i32
      %mul3A_684 = arith.muli %add3A_682, %mul3A_683 : i32
      %get3A_685 = arith.index_cast %mul3A_684 : i32 to index
      %get3A_686 = memref.load %arg1[%get3A_685] : memref<24576xf32, #tpu.memory_space<smem>>
      %add3A_687 = arith.constant 1 : i32
      %add3A_688 = arith.addi %mul3A_684, %add3A_687 : i32
      %get3A_689 = arith.index_cast %add3A_688 : i32 to index
      %get3A_690 = memref.load %arg1[%get3A_689] : memref<24576xf32, #tpu.memory_space<smem>>
      %add3A_691 = arith.constant 2 : i32
      %add3A_692 = arith.addi %mul3A_684, %add3A_691 : i32
      %get3A_693 = arith.index_cast %add3A_692 : i32 to index
      %get3A_694 = memref.load %arg1[%get3A_693] : memref<24576xf32, #tpu.memory_space<smem>>
      %mul3A_695 = arith.constant 3 : i32
      %mul3A_696 = arith.muli %scan3A_562, %mul3A_695 : i32
      %swap3A_697 = arith.constant 2 : index
      %swap3A_698 = arith.index_cast %mul3A_696 : i32 to index
      %swap3A_699 = memref.load %arg2[%swap3A_697, %swap3A_698] : memref<4x3072xf32, #tpu.memory_space<smem>>
      memref.store %get3A_686, %arg2[%swap3A_697, %swap3A_698] : memref<4x3072xf32, #tpu.memory_space<smem>>
      %mul3A_700 = arith.constant 3 : i32
      %mul3A_701 = arith.muli %scan3A_562, %mul3A_700 : i32
      %add3A_702 = arith.constant 1 : i32
      %add3A_703 = arith.addi %mul3A_701, %add3A_702 : i32
      %swap3A_704 = arith.constant 2 : index
      %swap3A_705 = arith.index_cast %add3A_703 : i32 to index
      %swap3A_706 = memref.load %arg2[%swap3A_704, %swap3A_705] : memref<4x3072xf32, #tpu.memory_space<smem>>
      memref.store %get3A_690, %arg2[%swap3A_704, %swap3A_705] : memref<4x3072xf32, #tpu.memory_space<smem>>
      %mul3A_707 = arith.constant 3 : i32
      %mul3A_708 = arith.muli %scan3A_562, %mul3A_707 : i32
      %add3A_709 = arith.constant 2 : i32
      %add3A_710 = arith.addi %mul3A_708, %add3A_709 : i32
      %swap3A_711 = arith.constant 2 : index
      %swap3A_712 = arith.index_cast %add3A_710 : i32 to index
      %swap3A_713 = memref.load %arg2[%swap3A_711, %swap3A_712] : memref<4x3072xf32, #tpu.memory_space<smem>>
      memref.store %get3A_694, %arg2[%swap3A_711, %swap3A_712] : memref<4x3072xf32, #tpu.memory_space<smem>>
      %sub3A_714 = vector.broadcast %get3A_686 : f32 to vector<16x128xf32>
      %sub3A_715 = arith.subf %get3A_43, %sub3A_714 : vector<16x128xf32>
      %sub3A_716 = vector.broadcast %get3A_690 : f32 to vector<16x128xf32>
      %sub3A_717 = arith.subf %get3A_49, %sub3A_716 : vector<16x128xf32>
      %sub3A_718 = vector.broadcast %get3A_694 : f32 to vector<16x128xf32>
      %sub3A_719 = arith.subf %get3A_55, %sub3A_718 : vector<16x128xf32>
      %mul3A_720 = arith.mulf %sub3A_715, %sub3A_715 : vector<16x128xf32>
      %mul3A_721 = arith.mulf %sub3A_717, %sub3A_717 : vector<16x128xf32>
      %add3A_722 = arith.addf %mul3A_720, %mul3A_721 : vector<16x128xf32>
      %mul3A_723 = arith.mulf %sub3A_719, %sub3A_719 : vector<16x128xf32>
      %add3A_724 = arith.addf %add3A_722, %mul3A_723 : vector<16x128xf32>
      %min3A_725 = arith.minimumf %min3A_487, %add3A_724 : vector<16x128xf32>
      %reduce_max3A_726 = vector.shape_cast %min3A_725 : vector<16x128xf32> to vector<1x16x128xf32>
      %reduce_max3A_727 = arith.constant dense<0xFF800000> : vector<1xf32>
      %reduce_max3A_728 = vector.multi_reduction <maximumf>, %reduce_max3A_726, %reduce_max3A_727 [1, 2] : vector<1x16x128xf32> to vector<1xf32>
      %reduce_max3A_729 = vector.shape_cast %reduce_max3A_728 : vector<1xf32> to vector<1x1x1xf32>
      %reduce_max3A_730 = vector.extract %reduce_max3A_729[0, 0, 0] : f32 from vector<1x1x1xf32>
      %eq3A_731 = vector.broadcast %reduce_max3A_730 : f32 to vector<16x128xf32>
      %eq3A_732 = arith.cmpf oeq, %min3A_725, %eq3A_731 : vector<16x128xf32>
      %broadcast_in_dim3A_733 = vector.broadcast %scan3A : i32 to vector<16x128xi32>
      %select_n3A_734 = arith.select %eq3A_732, %add3A, %broadcast_in_dim3A_733 : vector<16x128xi1>, vector<16x128xi32>
      %reduce_min3A_735 = vector.shape_cast %select_n3A_734 : vector<16x128xi32> to vector<1x16x128xi32>
      %reduce_min3A_736 = arith.constant dense<2147483647> : vector<1xi32>
      %reduce_min3A_737 = vector.multi_reduction <minsi>, %reduce_min3A_735, %reduce_min3A_736 [1, 2] : vector<1x16x128xi32> to vector<1xi32>
      %reduce_min3A_738 = vector.shape_cast %reduce_min3A_737 : vector<1xi32> to vector<1x1x1xi32>
      %reduce_min3A_739 = vector.extract %reduce_min3A_738[0, 0, 0] : i32 from vector<1x1x1xi32>
      %add3A_740 = arith.constant 6144 : i32
      %add3A_741 = arith.addi %add3A_740, %reduce_min3A_560 : i32
      %mul3A_742 = arith.constant 3 : i32
      %mul3A_743 = arith.muli %add3A_741, %mul3A_742 : i32
      %get3A_744 = arith.index_cast %mul3A_743 : i32 to index
      %get3A_745 = memref.load %arg1[%get3A_744] : memref<24576xf32, #tpu.memory_space<smem>>
      %add3A_746 = arith.constant 1 : i32
      %add3A_747 = arith.addi %mul3A_743, %add3A_746 : i32
      %get3A_748 = arith.index_cast %add3A_747 : i32 to index
      %get3A_749 = memref.load %arg1[%get3A_748] : memref<24576xf32, #tpu.memory_space<smem>>
      %add3A_750 = arith.constant 2 : i32
      %add3A_751 = arith.addi %mul3A_743, %add3A_750 : i32
      %get3A_752 = arith.index_cast %add3A_751 : i32 to index
      %get3A_753 = memref.load %arg1[%get3A_752] : memref<24576xf32, #tpu.memory_space<smem>>
      %mul3A_754 = arith.constant 3 : i32
      %mul3A_755 = arith.muli %scan3A_562, %mul3A_754 : i32
      %swap3A_756 = arith.constant 3 : index
      %swap3A_757 = arith.index_cast %mul3A_755 : i32 to index
      %swap3A_758 = memref.load %arg2[%swap3A_756, %swap3A_757] : memref<4x3072xf32, #tpu.memory_space<smem>>
      memref.store %get3A_745, %arg2[%swap3A_756, %swap3A_757] : memref<4x3072xf32, #tpu.memory_space<smem>>
      %mul3A_759 = arith.constant 3 : i32
      %mul3A_760 = arith.muli %scan3A_562, %mul3A_759 : i32
      %add3A_761 = arith.constant 1 : i32
      %add3A_762 = arith.addi %mul3A_760, %add3A_761 : i32
      %swap3A_763 = arith.constant 3 : index
      %swap3A_764 = arith.index_cast %add3A_762 : i32 to index
      %swap3A_765 = memref.load %arg2[%swap3A_763, %swap3A_764] : memref<4x3072xf32, #tpu.memory_space<smem>>
      memref.store %get3A_749, %arg2[%swap3A_763, %swap3A_764] : memref<4x3072xf32, #tpu.memory_space<smem>>
      %mul3A_766 = arith.constant 3 : i32
      %mul3A_767 = arith.muli %scan3A_562, %mul3A_766 : i32
      %add3A_768 = arith.constant 2 : i32
      %add3A_769 = arith.addi %mul3A_767, %add3A_768 : i32
      %swap3A_770 = arith.constant 3 : index
      %swap3A_771 = arith.index_cast %add3A_769 : i32 to index
      %swap3A_772 = memref.load %arg2[%swap3A_770, %swap3A_771] : memref<4x3072xf32, #tpu.memory_space<smem>>
      memref.store %get3A_753, %arg2[%swap3A_770, %swap3A_771] : memref<4x3072xf32, #tpu.memory_space<smem>>
      %sub3A_773 = vector.broadcast %get3A_745 : f32 to vector<16x128xf32>
      %sub3A_774 = arith.subf %get3A_61, %sub3A_773 : vector<16x128xf32>
      %sub3A_775 = vector.broadcast %get3A_749 : f32 to vector<16x128xf32>
      %sub3A_776 = arith.subf %get3A_67, %sub3A_775 : vector<16x128xf32>
      %sub3A_777 = vector.broadcast %get3A_753 : f32 to vector<16x128xf32>
      %sub3A_778 = arith.subf %get3A_73, %sub3A_777 : vector<16x128xf32>
      %mul3A_779 = arith.mulf %sub3A_774, %sub3A_774 : vector<16x128xf32>
      %mul3A_780 = arith.mulf %sub3A_776, %sub3A_776 : vector<16x128xf32>
      %add3A_781 = arith.addf %mul3A_779, %mul3A_780 : vector<16x128xf32>
      %mul3A_782 = arith.mulf %sub3A_778, %sub3A_778 : vector<16x128xf32>
      %add3A_783 = arith.addf %add3A_781, %mul3A_782 : vector<16x128xf32>
      %min3A_784 = arith.minimumf %min3A_546, %add3A_783 : vector<16x128xf32>
      %reduce_max3A_785 = vector.shape_cast %min3A_784 : vector<16x128xf32> to vector<1x16x128xf32>
      %reduce_max3A_786 = arith.constant dense<0xFF800000> : vector<1xf32>
      %reduce_max3A_787 = vector.multi_reduction <maximumf>, %reduce_max3A_785, %reduce_max3A_786 [1, 2] : vector<1x16x128xf32> to vector<1xf32>
      %reduce_max3A_788 = vector.shape_cast %reduce_max3A_787 : vector<1xf32> to vector<1x1x1xf32>
      %reduce_max3A_789 = vector.extract %reduce_max3A_788[0, 0, 0] : f32 from vector<1x1x1xf32>
      %eq3A_790 = vector.broadcast %reduce_max3A_789 : f32 to vector<16x128xf32>
      %eq3A_791 = arith.cmpf oeq, %min3A_784, %eq3A_790 : vector<16x128xf32>
      %broadcast_in_dim3A_792 = vector.broadcast %scan3A : i32 to vector<16x128xi32>
      %select_n3A_793 = arith.select %eq3A_791, %add3A, %broadcast_in_dim3A_792 : vector<16x128xi1>, vector<16x128xi32>
      %reduce_min3A_794 = vector.shape_cast %select_n3A_793 : vector<16x128xi32> to vector<1x16x128xi32>
      %reduce_min3A_795 = arith.constant dense<2147483647> : vector<1xi32>
      %reduce_min3A_796 = vector.multi_reduction <minsi>, %reduce_min3A_794, %reduce_min3A_795 [1, 2] : vector<1x16x128xi32> to vector<1xi32>
      %reduce_min3A_797 = vector.shape_cast %reduce_min3A_796 : vector<1xi32> to vector<1x1x1xi32>
      %reduce_min3A_798 = vector.extract %reduce_min3A_797[0, 0, 0] : i32 from vector<1x1x1xi32>
      %scan3A_799 = arith.constant 3 : i32
      %scan3A_800 = arith.addi %scan3A_85, %scan3A_799 : i32
      %add3A_801 = arith.constant 0 : i32
      %add3A_802 = arith.addi %add3A_801, %reduce_min3A_621 : i32
      %mul3A_803 = arith.constant 3 : i32
      %mul3A_804 = arith.muli %add3A_802, %mul3A_803 : i32
      %get3A_805 = arith.index_cast %mul3A_804 : i32 to index
      %get3A_806 = memref.load %arg1[%get3A_805] : memref<24576xf32, #tpu.memory_space<smem>>
      %add3A_807 = arith.constant 1 : i32
      %add3A_808 = arith.addi %mul3A_804, %add3A_807 : i32
      %get3A_809 = arith.index_cast %add3A_808 : i32 to index
      %get3A_810 = memref.load %arg1[%get3A_809] : memref<24576xf32, #tpu.memory_space<smem>>
      %add3A_811 = arith.constant 2 : i32
      %add3A_812 = arith.addi %mul3A_804, %add3A_811 : i32
      %get3A_813 = arith.index_cast %add3A_812 : i32 to index
      %get3A_814 = memref.load %arg1[%get3A_813] : memref<24576xf32, #tpu.memory_space<smem>>
      %mul3A_815 = arith.constant 3 : i32
      %mul3A_816 = arith.muli %scan3A_800, %mul3A_815 : i32
      %swap3A_817 = arith.constant 0 : index
      %swap3A_818 = arith.index_cast %mul3A_816 : i32 to index
      %swap3A_819 = memref.load %arg2[%swap3A_817, %swap3A_818] : memref<4x3072xf32, #tpu.memory_space<smem>>
      memref.store %get3A_806, %arg2[%swap3A_817, %swap3A_818] : memref<4x3072xf32, #tpu.memory_space<smem>>
      %mul3A_820 = arith.constant 3 : i32
      %mul3A_821 = arith.muli %scan3A_800, %mul3A_820 : i32
      %add3A_822 = arith.constant 1 : i32
      %add3A_823 = arith.addi %mul3A_821, %add3A_822 : i32
      %swap3A_824 = arith.constant 0 : index
      %swap3A_825 = arith.index_cast %add3A_823 : i32 to index
      %swap3A_826 = memref.load %arg2[%swap3A_824, %swap3A_825] : memref<4x3072xf32, #tpu.memory_space<smem>>
      memref.store %get3A_810, %arg2[%swap3A_824, %swap3A_825] : memref<4x3072xf32, #tpu.memory_space<smem>>
      %mul3A_827 = arith.constant 3 : i32
      %mul3A_828 = arith.muli %scan3A_800, %mul3A_827 : i32
      %add3A_829 = arith.constant 2 : i32
      %add3A_830 = arith.addi %mul3A_828, %add3A_829 : i32
      %swap3A_831 = arith.constant 0 : index
      %swap3A_832 = arith.index_cast %add3A_830 : i32 to index
      %swap3A_833 = memref.load %arg2[%swap3A_831, %swap3A_832] : memref<4x3072xf32, #tpu.memory_space<smem>>
      memref.store %get3A_814, %arg2[%swap3A_831, %swap3A_832] : memref<4x3072xf32, #tpu.memory_space<smem>>
      %sub3A_834 = vector.broadcast %get3A_806 : f32 to vector<16x128xf32>
      %sub3A_835 = arith.subf %get3A_7, %sub3A_834 : vector<16x128xf32>
      %sub3A_836 = vector.broadcast %get3A_810 : f32 to vector<16x128xf32>
      %sub3A_837 = arith.subf %get3A_13, %sub3A_836 : vector<16x128xf32>
      %sub3A_838 = vector.broadcast %get3A_814 : f32 to vector<16x128xf32>
      %sub3A_839 = arith.subf %get3A_19, %sub3A_838 : vector<16x128xf32>
      %mul3A_840 = arith.mulf %sub3A_835, %sub3A_835 : vector<16x128xf32>
      %mul3A_841 = arith.mulf %sub3A_837, %sub3A_837 : vector<16x128xf32>
      %add3A_842 = arith.addf %mul3A_840, %mul3A_841 : vector<16x128xf32>
      %mul3A_843 = arith.mulf %sub3A_839, %sub3A_839 : vector<16x128xf32>
      %add3A_844 = arith.addf %add3A_842, %mul3A_843 : vector<16x128xf32>
      %min3A_845 = arith.minimumf %min3A_607, %add3A_844 : vector<16x128xf32>
      %reduce_max3A_846 = vector.shape_cast %min3A_845 : vector<16x128xf32> to vector<1x16x128xf32>
      %reduce_max3A_847 = arith.constant dense<0xFF800000> : vector<1xf32>
      %reduce_max3A_848 = vector.multi_reduction <maximumf>, %reduce_max3A_846, %reduce_max3A_847 [1, 2] : vector<1x16x128xf32> to vector<1xf32>
      %reduce_max3A_849 = vector.shape_cast %reduce_max3A_848 : vector<1xf32> to vector<1x1x1xf32>
      %reduce_max3A_850 = vector.extract %reduce_max3A_849[0, 0, 0] : f32 from vector<1x1x1xf32>
      %eq3A_851 = vector.broadcast %reduce_max3A_850 : f32 to vector<16x128xf32>
      %eq3A_852 = arith.cmpf oeq, %min3A_845, %eq3A_851 : vector<16x128xf32>
      %broadcast_in_dim3A_853 = vector.broadcast %scan3A : i32 to vector<16x128xi32>
      %select_n3A_854 = arith.select %eq3A_852, %add3A, %broadcast_in_dim3A_853 : vector<16x128xi1>, vector<16x128xi32>
      %reduce_min3A_855 = vector.shape_cast %select_n3A_854 : vector<16x128xi32> to vector<1x16x128xi32>
      %reduce_min3A_856 = arith.constant dense<2147483647> : vector<1xi32>
      %reduce_min3A_857 = vector.multi_reduction <minsi>, %reduce_min3A_855, %reduce_min3A_856 [1, 2] : vector<1x16x128xi32> to vector<1xi32>
      %reduce_min3A_858 = vector.shape_cast %reduce_min3A_857 : vector<1xi32> to vector<1x1x1xi32>
      %reduce_min3A_859 = vector.extract %reduce_min3A_858[0, 0, 0] : i32 from vector<1x1x1xi32>
      %add3A_860 = arith.constant 2048 : i32
      %add3A_861 = arith.addi %add3A_860, %reduce_min3A_680 : i32
      %mul3A_862 = arith.constant 3 : i32
      %mul3A_863 = arith.muli %add3A_861, %mul3A_862 : i32
      %get3A_864 = arith.index_cast %mul3A_863 : i32 to index
      %get3A_865 = memref.load %arg1[%get3A_864] : memref<24576xf32, #tpu.memory_space<smem>>
      %add3A_866 = arith.constant 1 : i32
      %add3A_867 = arith.addi %mul3A_863, %add3A_866 : i32
      %get3A_868 = arith.index_cast %add3A_867 : i32 to index
      %get3A_869 = memref.load %arg1[%get3A_868] : memref<24576xf32, #tpu.memory_space<smem>>
      %add3A_870 = arith.constant 2 : i32
      %add3A_871 = arith.addi %mul3A_863, %add3A_870 : i32
      %get3A_872 = arith.index_cast %add3A_871 : i32 to index
      %get3A_873 = memref.load %arg1[%get3A_872] : memref<24576xf32, #tpu.memory_space<smem>>
      %mul3A_874 = arith.constant 3 : i32
      %mul3A_875 = arith.muli %scan3A_800, %mul3A_874 : i32
      %swap3A_876 = arith.constant 1 : index
      %swap3A_877 = arith.index_cast %mul3A_875 : i32 to index
      %swap3A_878 = memref.load %arg2[%swap3A_876, %swap3A_877] : memref<4x3072xf32, #tpu.memory_space<smem>>
      memref.store %get3A_865, %arg2[%swap3A_876, %swap3A_877] : memref<4x3072xf32, #tpu.memory_space<smem>>
      %mul3A_879 = arith.constant 3 : i32
      %mul3A_880 = arith.muli %scan3A_800, %mul3A_879 : i32
      %add3A_881 = arith.constant 1 : i32
      %add3A_882 = arith.addi %mul3A_880, %add3A_881 : i32
      %swap3A_883 = arith.constant 1 : index
      %swap3A_884 = arith.index_cast %add3A_882 : i32 to index
      %swap3A_885 = memref.load %arg2[%swap3A_883, %swap3A_884] : memref<4x3072xf32, #tpu.memory_space<smem>>
      memref.store %get3A_869, %arg2[%swap3A_883, %swap3A_884] : memref<4x3072xf32, #tpu.memory_space<smem>>
      %mul3A_886 = arith.constant 3 : i32
      %mul3A_887 = arith.muli %scan3A_800, %mul3A_886 : i32
      %add3A_888 = arith.constant 2 : i32
      %add3A_889 = arith.addi %mul3A_887, %add3A_888 : i32
      %swap3A_890 = arith.constant 1 : index
      %swap3A_891 = arith.index_cast %add3A_889 : i32 to index
      %swap3A_892 = memref.load %arg2[%swap3A_890, %swap3A_891] : memref<4x3072xf32, #tpu.memory_space<smem>>
      memref.store %get3A_873, %arg2[%swap3A_890, %swap3A_891] : memref<4x3072xf32, #tpu.memory_space<smem>>
      %sub3A_893 = vector.broadcast %get3A_865 : f32 to vector<16x128xf32>
      %sub3A_894 = arith.subf %get3A_25, %sub3A_893 : vector<16x128xf32>
      %sub3A_895 = vector.broadcast %get3A_869 : f32 to vector<16x128xf32>
      %sub3A_896 = arith.subf %get3A_31, %sub3A_895 : vector<16x128xf32>
      %sub3A_897 = vector.broadcast %get3A_873 : f32 to vector<16x128xf32>
      %sub3A_898 = arith.subf %get3A_37, %sub3A_897 : vector<16x128xf32>
      %mul3A_899 = arith.mulf %sub3A_894, %sub3A_894 : vector<16x128xf32>
      %mul3A_900 = arith.mulf %sub3A_896, %sub3A_896 : vector<16x128xf32>
      %add3A_901 = arith.addf %mul3A_899, %mul3A_900 : vector<16x128xf32>
      %mul3A_902 = arith.mulf %sub3A_898, %sub3A_898 : vector<16x128xf32>
      %add3A_903 = arith.addf %add3A_901, %mul3A_902 : vector<16x128xf32>
      %min3A_904 = arith.minimumf %min3A_666, %add3A_903 : vector<16x128xf32>
      %reduce_max3A_905 = vector.shape_cast %min3A_904 : vector<16x128xf32> to vector<1x16x128xf32>
      %reduce_max3A_906 = arith.constant dense<0xFF800000> : vector<1xf32>
      %reduce_max3A_907 = vector.multi_reduction <maximumf>, %reduce_max3A_905, %reduce_max3A_906 [1, 2] : vector<1x16x128xf32> to vector<1xf32>
      %reduce_max3A_908 = vector.shape_cast %reduce_max3A_907 : vector<1xf32> to vector<1x1x1xf32>
      %reduce_max3A_909 = vector.extract %reduce_max3A_908[0, 0, 0] : f32 from vector<1x1x1xf32>
      %eq3A_910 = vector.broadcast %reduce_max3A_909 : f32 to vector<16x128xf32>
      %eq3A_911 = arith.cmpf oeq, %min3A_904, %eq3A_910 : vector<16x128xf32>
      %broadcast_in_dim3A_912 = vector.broadcast %scan3A : i32 to vector<16x128xi32>
      %select_n3A_913 = arith.select %eq3A_911, %add3A, %broadcast_in_dim3A_912 : vector<16x128xi1>, vector<16x128xi32>
      %reduce_min3A_914 = vector.shape_cast %select_n3A_913 : vector<16x128xi32> to vector<1x16x128xi32>
      %reduce_min3A_915 = arith.constant dense<2147483647> : vector<1xi32>
      %reduce_min3A_916 = vector.multi_reduction <minsi>, %reduce_min3A_914, %reduce_min3A_915 [1, 2] : vector<1x16x128xi32> to vector<1xi32>
      %reduce_min3A_917 = vector.shape_cast %reduce_min3A_916 : vector<1xi32> to vector<1x1x1xi32>
      %reduce_min3A_918 = vector.extract %reduce_min3A_917[0, 0, 0] : i32 from vector<1x1x1xi32>
      %add3A_919 = arith.constant 4096 : i32
      %add3A_920 = arith.addi %add3A_919, %reduce_min3A_739 : i32
      %mul3A_921 = arith.constant 3 : i32
      %mul3A_922 = arith.muli %add3A_920, %mul3A_921 : i32
      %get3A_923 = arith.index_cast %mul3A_922 : i32 to index
      %get3A_924 = memref.load %arg1[%get3A_923] : memref<24576xf32, #tpu.memory_space<smem>>
      %add3A_925 = arith.constant 1 : i32
      %add3A_926 = arith.addi %mul3A_922, %add3A_925 : i32
      %get3A_927 = arith.index_cast %add3A_926 : i32 to index
      %get3A_928 = memref.load %arg1[%get3A_927] : memref<24576xf32, #tpu.memory_space<smem>>
      %add3A_929 = arith.constant 2 : i32
      %add3A_930 = arith.addi %mul3A_922, %add3A_929 : i32
      %get3A_931 = arith.index_cast %add3A_930 : i32 to index
      %get3A_932 = memref.load %arg1[%get3A_931] : memref<24576xf32, #tpu.memory_space<smem>>
      %mul3A_933 = arith.constant 3 : i32
      %mul3A_934 = arith.muli %scan3A_800, %mul3A_933 : i32
      %swap3A_935 = arith.constant 2 : index
      %swap3A_936 = arith.index_cast %mul3A_934 : i32 to index
      %swap3A_937 = memref.load %arg2[%swap3A_935, %swap3A_936] : memref<4x3072xf32, #tpu.memory_space<smem>>
      memref.store %get3A_924, %arg2[%swap3A_935, %swap3A_936] : memref<4x3072xf32, #tpu.memory_space<smem>>
      %mul3A_938 = arith.constant 3 : i32
      %mul3A_939 = arith.muli %scan3A_800, %mul3A_938 : i32
      %add3A_940 = arith.constant 1 : i32
      %add3A_941 = arith.addi %mul3A_939, %add3A_940 : i32
      %swap3A_942 = arith.constant 2 : index
      %swap3A_943 = arith.index_cast %add3A_941 : i32 to index
      %swap3A_944 = memref.load %arg2[%swap3A_942, %swap3A_943] : memref<4x3072xf32, #tpu.memory_space<smem>>
      memref.store %get3A_928, %arg2[%swap3A_942, %swap3A_943] : memref<4x3072xf32, #tpu.memory_space<smem>>
      %mul3A_945 = arith.constant 3 : i32
      %mul3A_946 = arith.muli %scan3A_800, %mul3A_945 : i32
      %add3A_947 = arith.constant 2 : i32
      %add3A_948 = arith.addi %mul3A_946, %add3A_947 : i32
      %swap3A_949 = arith.constant 2 : index
      %swap3A_950 = arith.index_cast %add3A_948 : i32 to index
      %swap3A_951 = memref.load %arg2[%swap3A_949, %swap3A_950] : memref<4x3072xf32, #tpu.memory_space<smem>>
      memref.store %get3A_932, %arg2[%swap3A_949, %swap3A_950] : memref<4x3072xf32, #tpu.memory_space<smem>>
      %sub3A_952 = vector.broadcast %get3A_924 : f32 to vector<16x128xf32>
      %sub3A_953 = arith.subf %get3A_43, %sub3A_952 : vector<16x128xf32>
      %sub3A_954 = vector.broadcast %get3A_928 : f32 to vector<16x128xf32>
      %sub3A_955 = arith.subf %get3A_49, %sub3A_954 : vector<16x128xf32>
      %sub3A_956 = vector.broadcast %get3A_932 : f32 to vector<16x128xf32>
      %sub3A_957 = arith.subf %get3A_55, %sub3A_956 : vector<16x128xf32>
      %mul3A_958 = arith.mulf %sub3A_953, %sub3A_953 : vector<16x128xf32>
      %mul3A_959 = arith.mulf %sub3A_955, %sub3A_955 : vector<16x128xf32>
      %add3A_960 = arith.addf %mul3A_958, %mul3A_959 : vector<16x128xf32>
      %mul3A_961 = arith.mulf %sub3A_957, %sub3A_957 : vector<16x128xf32>
      %add3A_962 = arith.addf %add3A_960, %mul3A_961 : vector<16x128xf32>
      %min3A_963 = arith.minimumf %min3A_725, %add3A_962 : vector<16x128xf32>
      %reduce_max3A_964 = vector.shape_cast %min3A_963 : vector<16x128xf32> to vector<1x16x128xf32>
      %reduce_max3A_965 = arith.constant dense<0xFF800000> : vector<1xf32>
      %reduce_max3A_966 = vector.multi_reduction <maximumf>, %reduce_max3A_964, %reduce_max3A_965 [1, 2] : vector<1x16x128xf32> to vector<1xf32>
      %reduce_max3A_967 = vector.shape_cast %reduce_max3A_966 : vector<1xf32> to vector<1x1x1xf32>
      %reduce_max3A_968 = vector.extract %reduce_max3A_967[0, 0, 0] : f32 from vector<1x1x1xf32>
      %eq3A_969 = vector.broadcast %reduce_max3A_968 : f32 to vector<16x128xf32>
      %eq3A_970 = arith.cmpf oeq, %min3A_963, %eq3A_969 : vector<16x128xf32>
      %broadcast_in_dim3A_971 = vector.broadcast %scan3A : i32 to vector<16x128xi32>
      %select_n3A_972 = arith.select %eq3A_970, %add3A, %broadcast_in_dim3A_971 : vector<16x128xi1>, vector<16x128xi32>
      %reduce_min3A_973 = vector.shape_cast %select_n3A_972 : vector<16x128xi32> to vector<1x16x128xi32>
      %reduce_min3A_974 = arith.constant dense<2147483647> : vector<1xi32>
      %reduce_min3A_975 = vector.multi_reduction <minsi>, %reduce_min3A_973, %reduce_min3A_974 [1, 2] : vector<1x16x128xi32> to vector<1xi32>
      %reduce_min3A_976 = vector.shape_cast %reduce_min3A_975 : vector<1xi32> to vector<1x1x1xi32>
      %reduce_min3A_977 = vector.extract %reduce_min3A_976[0, 0, 0] : i32 from vector<1x1x1xi32>
      %add3A_978 = arith.constant 6144 : i32
      %add3A_979 = arith.addi %add3A_978, %reduce_min3A_798 : i32
      %mul3A_980 = arith.constant 3 : i32
      %mul3A_981 = arith.muli %add3A_979, %mul3A_980 : i32
      %get3A_982 = arith.index_cast %mul3A_981 : i32 to index
      %get3A_983 = memref.load %arg1[%get3A_982] : memref<24576xf32, #tpu.memory_space<smem>>
      %add3A_984 = arith.constant 1 : i32
      %add3A_985 = arith.addi %mul3A_981, %add3A_984 : i32
      %get3A_986 = arith.index_cast %add3A_985 : i32 to index
      %get3A_987 = memref.load %arg1[%get3A_986] : memref<24576xf32, #tpu.memory_space<smem>>
      %add3A_988 = arith.constant 2 : i32
      %add3A_989 = arith.addi %mul3A_981, %add3A_988 : i32
      %get3A_990 = arith.index_cast %add3A_989 : i32 to index
      %get3A_991 = memref.load %arg1[%get3A_990] : memref<24576xf32, #tpu.memory_space<smem>>
      %mul3A_992 = arith.constant 3 : i32
      %mul3A_993 = arith.muli %scan3A_800, %mul3A_992 : i32
      %swap3A_994 = arith.constant 3 : index
      %swap3A_995 = arith.index_cast %mul3A_993 : i32 to index
      %swap3A_996 = memref.load %arg2[%swap3A_994, %swap3A_995] : memref<4x3072xf32, #tpu.memory_space<smem>>
      memref.store %get3A_983, %arg2[%swap3A_994, %swap3A_995] : memref<4x3072xf32, #tpu.memory_space<smem>>
      %mul3A_997 = arith.constant 3 : i32
      %mul3A_998 = arith.muli %scan3A_800, %mul3A_997 : i32
      %add3A_999 = arith.constant 1 : i32
      %add3A_1000 = arith.addi %mul3A_998, %add3A_999 : i32
      %swap3A_1001 = arith.constant 3 : index
      %swap3A_1002 = arith.index_cast %add3A_1000 : i32 to index
      %swap3A_1003 = memref.load %arg2[%swap3A_1001, %swap3A_1002] : memref<4x3072xf32, #tpu.memory_space<smem>>
      memref.store %get3A_987, %arg2[%swap3A_1001, %swap3A_1002] : memref<4x3072xf32, #tpu.memory_space<smem>>
      %mul3A_1004 = arith.constant 3 : i32
      %mul3A_1005 = arith.muli %scan3A_800, %mul3A_1004 : i32
      %add3A_1006 = arith.constant 2 : i32
      %add3A_1007 = arith.addi %mul3A_1005, %add3A_1006 : i32
      %swap3A_1008 = arith.constant 3 : index
      %swap3A_1009 = arith.index_cast %add3A_1007 : i32 to index
      %swap3A_1010 = memref.load %arg2[%swap3A_1008, %swap3A_1009] : memref<4x3072xf32, #tpu.memory_space<smem>>
      memref.store %get3A_991, %arg2[%swap3A_1008, %swap3A_1009] : memref<4x3072xf32, #tpu.memory_space<smem>>
      %sub3A_1011 = vector.broadcast %get3A_983 : f32 to vector<16x128xf32>
      %sub3A_1012 = arith.subf %get3A_61, %sub3A_1011 : vector<16x128xf32>
      %sub3A_1013 = vector.broadcast %get3A_987 : f32 to vector<16x128xf32>
      %sub3A_1014 = arith.subf %get3A_67, %sub3A_1013 : vector<16x128xf32>
      %sub3A_1015 = vector.broadcast %get3A_991 : f32 to vector<16x128xf32>
      %sub3A_1016 = arith.subf %get3A_73, %sub3A_1015 : vector<16x128xf32>
      %mul3A_1017 = arith.mulf %sub3A_1012, %sub3A_1012 : vector<16x128xf32>
      %mul3A_1018 = arith.mulf %sub3A_1014, %sub3A_1014 : vector<16x128xf32>
      %add3A_1019 = arith.addf %mul3A_1017, %mul3A_1018 : vector<16x128xf32>
      %mul3A_1020 = arith.mulf %sub3A_1016, %sub3A_1016 : vector<16x128xf32>
      %add3A_1021 = arith.addf %add3A_1019, %mul3A_1020 : vector<16x128xf32>
      %min3A_1022 = arith.minimumf %min3A_784, %add3A_1021 : vector<16x128xf32>
      %reduce_max3A_1023 = vector.shape_cast %min3A_1022 : vector<16x128xf32> to vector<1x16x128xf32>
      %reduce_max3A_1024 = arith.constant dense<0xFF800000> : vector<1xf32>
      %reduce_max3A_1025 = vector.multi_reduction <maximumf>, %reduce_max3A_1023, %reduce_max3A_1024 [1, 2] : vector<1x16x128xf32> to vector<1xf32>
      %reduce_max3A_1026 = vector.shape_cast %reduce_max3A_1025 : vector<1xf32> to vector<1x1x1xf32>
      %reduce_max3A_1027 = vector.extract %reduce_max3A_1026[0, 0, 0] : f32 from vector<1x1x1xf32>
      %eq3A_1028 = vector.broadcast %reduce_max3A_1027 : f32 to vector<16x128xf32>
      %eq3A_1029 = arith.cmpf oeq, %min3A_1022, %eq3A_1028 : vector<16x128xf32>
      %broadcast_in_dim3A_1030 = vector.broadcast %scan3A : i32 to vector<16x128xi32>
      %select_n3A_1031 = arith.select %eq3A_1029, %add3A, %broadcast_in_dim3A_1030 : vector<16x128xi1>, vector<16x128xi32>
      %reduce_min3A_1032 = vector.shape_cast %select_n3A_1031 : vector<16x128xi32> to vector<1x16x128xi32>
      %reduce_min3A_1033 = arith.constant dense<2147483647> : vector<1xi32>
      %reduce_min3A_1034 = vector.multi_reduction <minsi>, %reduce_min3A_1032, %reduce_min3A_1033 [1, 2] : vector<1x16x128xi32> to vector<1xi32>
      %reduce_min3A_1035 = vector.shape_cast %reduce_min3A_1034 : vector<1xi32> to vector<1x1x1xi32>
      %reduce_min3A_1036 = vector.extract %reduce_min3A_1035[0, 0, 0] : i32 from vector<1x1x1xi32>
      scf.yield %min3A_845, %reduce_min3A_859, %min3A_904, %reduce_min3A_918, %min3A_963, %reduce_min3A_977, %min3A_1022, %reduce_min3A_1036 : vector<16x128xf32>, i32, vector<16x128xf32>, i32, vector<16x128xf32>, i32, vector<16x128xf32>, i32
    }
    %scan3A_84 = arith.constant 1024 : i32
    return
  }
}

module attributes {stable_mosaic.version = 14 : i64} {
  func.func @_proj_kernel(%arg0: memref<8192x3xf32, #tpu.memory_space<vmem>>, %arg1: memref<8192x3xf32, #tpu.memory_space<vmem>>, %arg2: memref<6x128xf32, #tpu.memory_space<vmem>>, %arg3: memref<8192x128xf32, #tpu.memory_space<vmem>>) attributes {dimension_semantics = [], scalar_prefetch = 0 : i64, scratch_operands = 0 : i64, tpu.core_type = #tpu.core_type<tc>} {
    %get3A = arith.constant 0 : index
    %get3A_0 = arith.constant 0 : index
    %get3A_1 = vector.load %arg0[%get3A, %get3A_0] : memref<8192x3xf32, #tpu.memory_space<vmem>>, vector<8192x3xf32>
    %get3A_2 = arith.constant 0 : index
    %get3A_3 = arith.constant 0 : index
    %get3A_4 = vector.load %arg2[%get3A_2, %get3A_3] : memref<6x128xf32, #tpu.memory_space<vmem>>, vector<3x128xf32>
    %dot_general3A = arith.constant dense<0.000000e+00> : vector<8192x128xf32>
    %dot_general3A_5 = tpu.matmul %get3A_1, %get3A_4, %dot_general3A {dimension_numbers = #tpu.dot_dimension_numbers<[1], [0], [0], [1], [0, 0, 1, 1], [], []>, transpose_lhs_hint = false} : vector<8192x3xf32>, vector<3x128xf32>, vector<8192x128xf32> -> vector<8192x128xf32>
    %get3A_6 = arith.constant 0 : index
    %get3A_7 = arith.constant 0 : index
    %get3A_8 = vector.load %arg1[%get3A_6, %get3A_7] : memref<8192x3xf32, #tpu.memory_space<vmem>>, vector<8192x3xf32>
    %get3A_9 = arith.constant 3 : index
    %get3A_10 = arith.constant 0 : index
    %get3A_11 = vector.load %arg2[%get3A_9, %get3A_10] : memref<6x128xf32, #tpu.memory_space<vmem>>, vector<3x128xf32>
    %dot_general3A_12 = arith.constant dense<0.000000e+00> : vector<8192x128xf32>
    %dot_general3A_13 = tpu.matmul %get3A_8, %get3A_11, %dot_general3A_12 {dimension_numbers = #tpu.dot_dimension_numbers<[1], [0], [0], [1], [0, 0, 1, 1], [], []>, transpose_lhs_hint = false} : vector<8192x3xf32>, vector<3x128xf32>, vector<8192x128xf32> -> vector<8192x128xf32>
    %add3A = arith.addf %dot_general3A_5, %dot_general3A_13 : vector<8192x128xf32>
    %swap3A = arith.constant 0 : index
    %swap3A_14 = arith.constant 0 : index
    %swap3A_15 = vector.load %arg3[%swap3A, %swap3A_14] : memref<8192x128xf32, #tpu.memory_space<vmem>>, vector<8192x128xf32>
    tpu.vector_store %arg3[%swap3A, %swap3A_14], %add3A {strides = array<i32>} : memref<8192x128xf32, #tpu.memory_space<vmem>>, vector<8192x128xf32>,
    return
  }
}

module attributes {stable_mosaic.version = 14 : i64} {
  func.func @_fps_kernel(%arg0: memref<4x3x8x128xf32, #tpu.memory_space<vmem>>, %arg1: memref<12288xf32, #tpu.memory_space<smem>>, %arg2: memref<4x768xf32, #tpu.memory_space<smem>>) attributes {dimension_semantics = [], scalar_prefetch = 0 : i64, scratch_operands = 0 : i64, tpu.core_type = #tpu.core_type<tc>} {
    %iota3A = tpu.iota {dimensions = array<i32: 0>} : vector<8x128xi32>
    %mul3A = arith.constant 128 : i32
    %mul3A_0 = vector.broadcast %mul3A : i32 to vector<8x128xi32>
    %mul3A_1 = arith.muli %iota3A, %mul3A_0 : vector<8x128xi32>
    %iota3A_2 = tpu.iota {dimensions = array<i32: 1>} : vector<8x128xi32>
    %add3A = arith.addi %mul3A_1, %iota3A_2 : vector<8x128xi32>
    %get3A = arith.constant 0 : index
    %get3A_3 = arith.constant 0 : index
    %get3A_4 = arith.constant 0 : index
    %get3A_5 = arith.constant 0 : index
    %get3A_6 = vector.load %arg0[%get3A, %get3A_3, %get3A_4, %get3A_5] : memref<4x3x8x128xf32, #tpu.memory_space<vmem>>, vector<1x1x8x128xf32>
    %get3A_7 = vector.shape_cast %get3A_6 : vector<1x1x8x128xf32> to vector<8x128xf32>
    %get3A_8 = arith.constant 0 : index
    %get3A_9 = arith.constant 1 : index
    %get3A_10 = arith.constant 0 : index
    %get3A_11 = arith.constant 0 : index
    %get3A_12 = vector.load %arg0[%get3A_8, %get3A_9, %get3A_10, %get3A_11] : memref<4x3x8x128xf32, #tpu.memory_space<vmem>>, vector<1x1x8x128xf32>
    %get3A_13 = vector.shape_cast %get3A_12 : vector<1x1x8x128xf32> to vector<8x128xf32>
    %get3A_14 = arith.constant 0 : index
    %get3A_15 = arith.constant 2 : index
    %get3A_16 = arith.constant 0 : index
    %get3A_17 = arith.constant 0 : index
    %get3A_18 = vector.load %arg0[%get3A_14, %get3A_15, %get3A_16, %get3A_17] : memref<4x3x8x128xf32, #tpu.memory_space<vmem>>, vector<1x1x8x128xf32>
    %get3A_19 = vector.shape_cast %get3A_18 : vector<1x1x8x128xf32> to vector<8x128xf32>
    %get3A_20 = arith.constant 1 : index
    %get3A_21 = arith.constant 0 : index
    %get3A_22 = arith.constant 0 : index
    %get3A_23 = arith.constant 0 : index
    %get3A_24 = vector.load %arg0[%get3A_20, %get3A_21, %get3A_22, %get3A_23] : memref<4x3x8x128xf32, #tpu.memory_space<vmem>>, vector<1x1x8x128xf32>
    %get3A_25 = vector.shape_cast %get3A_24 : vector<1x1x8x128xf32> to vector<8x128xf32>
    %get3A_26 = arith.constant 1 : index
    %get3A_27 = arith.constant 1 : index
    %get3A_28 = arith.constant 0 : index
    %get3A_29 = arith.constant 0 : index
    %get3A_30 = vector.load %arg0[%get3A_26, %get3A_27, %get3A_28, %get3A_29] : memref<4x3x8x128xf32, #tpu.memory_space<vmem>>, vector<1x1x8x128xf32>
    %get3A_31 = vector.shape_cast %get3A_30 : vector<1x1x8x128xf32> to vector<8x128xf32>
    %get3A_32 = arith.constant 1 : index
    %get3A_33 = arith.constant 2 : index
    %get3A_34 = arith.constant 0 : index
    %get3A_35 = arith.constant 0 : index
    %get3A_36 = vector.load %arg0[%get3A_32, %get3A_33, %get3A_34, %get3A_35] : memref<4x3x8x128xf32, #tpu.memory_space<vmem>>, vector<1x1x8x128xf32>
    %get3A_37 = vector.shape_cast %get3A_36 : vector<1x1x8x128xf32> to vector<8x128xf32>
    %get3A_38 = arith.constant 2 : index
    %get3A_39 = arith.constant 0 : index
    %get3A_40 = arith.constant 0 : index
    %get3A_41 = arith.constant 0 : index
    %get3A_42 = vector.load %arg0[%get3A_38, %get3A_39, %get3A_40, %get3A_41] : memref<4x3x8x128xf32, #tpu.memory_space<vmem>>, vector<1x1x8x128xf32>
    %get3A_43 = vector.shape_cast %get3A_42 : vector<1x1x8x128xf32> to vector<8x128xf32>
    %get3A_44 = arith.constant 2 : index
    %get3A_45 = arith.constant 1 : index
    %get3A_46 = arith.constant 0 : index
    %get3A_47 = arith.constant 0 : index
    %get3A_48 = vector.load %arg0[%get3A_44, %get3A_45, %get3A_46, %get3A_47] : memref<4x3x8x128xf32, #tpu.memory_space<vmem>>, vector<1x1x8x128xf32>
    %get3A_49 = vector.shape_cast %get3A_48 : vector<1x1x8x128xf32> to vector<8x128xf32>
    %get3A_50 = arith.constant 2 : index
    %get3A_51 = arith.constant 2 : index
    %get3A_52 = arith.constant 0 : index
    %get3A_53 = arith.constant 0 : index
    %get3A_54 = vector.load %arg0[%get3A_50, %get3A_51, %get3A_52, %get3A_53] : memref<4x3x8x128xf32, #tpu.memory_space<vmem>>, vector<1x1x8x128xf32>
    %get3A_55 = vector.shape_cast %get3A_54 : vector<1x1x8x128xf32> to vector<8x128xf32>
    %get3A_56 = arith.constant 3 : index
    %get3A_57 = arith.constant 0 : index
    %get3A_58 = arith.constant 0 : index
    %get3A_59 = arith.constant 0 : index
    %get3A_60 = vector.load %arg0[%get3A_56, %get3A_57, %get3A_58, %get3A_59] : memref<4x3x8x128xf32, #tpu.memory_space<vmem>>, vector<1x1x8x128xf32>
    %get3A_61 = vector.shape_cast %get3A_60 : vector<1x1x8x128xf32> to vector<8x128xf32>
    %get3A_62 = arith.constant 3 : index
    %get3A_63 = arith.constant 1 : index
    %get3A_64 = arith.constant 0 : index
    %get3A_65 = arith.constant 0 : index
    %get3A_66 = vector.load %arg0[%get3A_62, %get3A_63, %get3A_64, %get3A_65] : memref<4x3x8x128xf32, #tpu.memory_space<vmem>>, vector<1x1x8x128xf32>
    %get3A_67 = vector.shape_cast %get3A_66 : vector<1x1x8x128xf32> to vector<8x128xf32>
    %get3A_68 = arith.constant 3 : index
    %get3A_69 = arith.constant 2 : index
    %get3A_70 = arith.constant 0 : index
    %get3A_71 = arith.constant 0 : index
    %get3A_72 = vector.load %arg0[%get3A_68, %get3A_69, %get3A_70, %get3A_71] : memref<4x3x8x128xf32, #tpu.memory_space<vmem>>, vector<1x1x8x128xf32>
    %get3A_73 = vector.shape_cast %get3A_72 : vector<1x1x8x128xf32> to vector<8x128xf32>
    %broadcast_in_dim3A = arith.constant 0x7F800000 : f32
    %broadcast_in_dim3A_74 = vector.broadcast %broadcast_in_dim3A : f32 to vector<8x128xf32>
    %scan3A = arith.constant 1073741824 : i32
    %scan3A_75 = arith.constant 0 : i32
    %scan3A_76 = arith.constant 0 : i32
    %scan3A_77 = arith.constant 0 : i32
    %scan3A_78 = arith.constant 0 : i32
    %scan3A_79 = arith.constant 0 : i32
    %scan3A_80 = arith.constant 256 : i32
    %scan3A_81 = arith.addi %scan3A_79, %scan3A_80 : i32
    %scan3A_82 = arith.constant 4 : i32
    %scan3A_83:8 = scf.for %scan3A_85 = %scan3A_79 to %scan3A_81 step %scan3A_82 iter_args(%scan3A_86 = %broadcast_in_dim3A_74, %scan3A_87 = %scan3A_75, %scan3A_88 = %broadcast_in_dim3A_74, %scan3A_89 = %scan3A_76, %scan3A_90 = %broadcast_in_dim3A_74, %scan3A_91 = %scan3A_77, %scan3A_92 = %broadcast_in_dim3A_74, %scan3A_93 = %scan3A_78) -> (vector<8x128xf32>, i32, vector<8x128xf32>, i32, vector<8x128xf32>, i32, vector<8x128xf32>, i32)  : i32 {
      %add3A_94 = arith.constant 0 : i32
      %add3A_95 = arith.addi %add3A_94, %scan3A_87 : i32
      %mul3A_96 = arith.constant 3 : i32
      %mul3A_97 = arith.muli %add3A_95, %mul3A_96 : i32
      %get3A_98 = arith.index_cast %mul3A_97 : i32 to index
      %get3A_99 = memref.load %arg1[%get3A_98] : memref<12288xf32, #tpu.memory_space<smem>>
      %add3A_100 = arith.constant 1 : i32
      %add3A_101 = arith.addi %mul3A_97, %add3A_100 : i32
      %get3A_102 = arith.index_cast %add3A_101 : i32 to index
      %get3A_103 = memref.load %arg1[%get3A_102] : memref<12288xf32, #tpu.memory_space<smem>>
      %add3A_104 = arith.constant 2 : i32
      %add3A_105 = arith.addi %mul3A_97, %add3A_104 : i32
      %get3A_106 = arith.index_cast %add3A_105 : i32 to index
      %get3A_107 = memref.load %arg1[%get3A_106] : memref<12288xf32, #tpu.memory_space<smem>>
      %mul3A_108 = arith.constant 3 : i32
      %mul3A_109 = arith.muli %scan3A_85, %mul3A_108 : i32
      %swap3A = arith.constant 0 : index
      %swap3A_110 = arith.index_cast %mul3A_109 : i32 to index
      %swap3A_111 = memref.load %arg2[%swap3A, %swap3A_110] : memref<4x768xf32, #tpu.memory_space<smem>>
      memref.store %get3A_99, %arg2[%swap3A, %swap3A_110] : memref<4x768xf32, #tpu.memory_space<smem>>
      %mul3A_112 = arith.constant 3 : i32
      %mul3A_113 = arith.muli %scan3A_85, %mul3A_112 : i32
      %add3A_114 = arith.constant 1 : i32
      %add3A_115 = arith.addi %mul3A_113, %add3A_114 : i32
      %swap3A_116 = arith.constant 0 : index
      %swap3A_117 = arith.index_cast %add3A_115 : i32 to index
      %swap3A_118 = memref.load %arg2[%swap3A_116, %swap3A_117] : memref<4x768xf32, #tpu.memory_space<smem>>
      memref.store %get3A_103, %arg2[%swap3A_116, %swap3A_117] : memref<4x768xf32, #tpu.memory_space<smem>>
      %mul3A_119 = arith.constant 3 : i32
      %mul3A_120 = arith.muli %scan3A_85, %mul3A_119 : i32
      %add3A_121 = arith.constant 2 : i32
      %add3A_122 = arith.addi %mul3A_120, %add3A_121 : i32
      %swap3A_123 = arith.constant 0 : index
      %swap3A_124 = arith.index_cast %add3A_122 : i32 to index
      %swap3A_125 = memref.load %arg2[%swap3A_123, %swap3A_124] : memref<4x768xf32, #tpu.memory_space<smem>>
      memref.store %get3A_107, %arg2[%swap3A_123, %swap3A_124] : memref<4x768xf32, #tpu.memory_space<smem>>
      %sub3A = vector.broadcast %get3A_99 : f32 to vector<8x128xf32>
      %sub3A_126 = arith.subf %get3A_7, %sub3A : vector<8x128xf32>
      %sub3A_127 = vector.broadcast %get3A_103 : f32 to vector<8x128xf32>
      %sub3A_128 = arith.subf %get3A_13, %sub3A_127 : vector<8x128xf32>
      %sub3A_129 = vector.broadcast %get3A_107 : f32 to vector<8x128xf32>
      %sub3A_130 = arith.subf %get3A_19, %sub3A_129 : vector<8x128xf32>
      %mul3A_131 = arith.mulf %sub3A_126, %sub3A_126 : vector<8x128xf32>
      %mul3A_132 = arith.mulf %sub3A_128, %sub3A_128 : vector<8x128xf32>
      %add3A_133 = arith.addf %mul3A_131, %mul3A_132 : vector<8x128xf32>
      %mul3A_134 = arith.mulf %sub3A_130, %sub3A_130 : vector<8x128xf32>
      %add3A_135 = arith.addf %add3A_133, %mul3A_134 : vector<8x128xf32>
      %min3A = arith.minimumf %scan3A_86, %add3A_135 : vector<8x128xf32>
      %reduce_max3A = vector.shape_cast %min3A : vector<8x128xf32> to vector<1x8x128xf32>
      %reduce_max3A_136 = arith.constant dense<0xFF800000> : vector<1xf32>
      %reduce_max3A_137 = vector.multi_reduction <maximumf>, %reduce_max3A, %reduce_max3A_136 [1, 2] : vector<1x8x128xf32> to vector<1xf32>
      %reduce_max3A_138 = vector.shape_cast %reduce_max3A_137 : vector<1xf32> to vector<1x1x1xf32>
      %reduce_max3A_139 = vector.extract %reduce_max3A_138[0, 0, 0] : f32 from vector<1x1x1xf32>
      %eq3A = vector.broadcast %reduce_max3A_139 : f32 to vector<8x128xf32>
      %eq3A_140 = arith.cmpf oeq, %min3A, %eq3A : vector<8x128xf32>
      %broadcast_in_dim3A_141 = vector.broadcast %scan3A : i32 to vector<8x128xi32>
      %select_n3A = arith.select %eq3A_140, %add3A, %broadcast_in_dim3A_141 : vector<8x128xi1>, vector<8x128xi32>
      %reduce_min3A = vector.shape_cast %select_n3A : vector<8x128xi32> to vector<1x8x128xi32>
      %reduce_min3A_142 = arith.constant dense<2147483647> : vector<1xi32>
      %reduce_min3A_143 = vector.multi_reduction <minsi>, %reduce_min3A, %reduce_min3A_142 [1, 2] : vector<1x8x128xi32> to vector<1xi32>
      %reduce_min3A_144 = vector.shape_cast %reduce_min3A_143 : vector<1xi32> to vector<1x1x1xi32>
      %reduce_min3A_145 = vector.extract %reduce_min3A_144[0, 0, 0] : i32 from vector<1x1x1xi32>
      %add3A_146 = arith.constant 1024 : i32
      %add3A_147 = arith.addi %add3A_146, %scan3A_89 : i32
      %mul3A_148 = arith.constant 3 : i32
      %mul3A_149 = arith.muli %add3A_147, %mul3A_148 : i32
      %get3A_150 = arith.index_cast %mul3A_149 : i32 to index
      %get3A_151 = memref.load %arg1[%get3A_150] : memref<12288xf32, #tpu.memory_space<smem>>
      %add3A_152 = arith.constant 1 : i32
      %add3A_153 = arith.addi %mul3A_149, %add3A_152 : i32
      %get3A_154 = arith.index_cast %add3A_153 : i32 to index
      %get3A_155 = memref.load %arg1[%get3A_154] : memref<12288xf32, #tpu.memory_space<smem>>
      %add3A_156 = arith.constant 2 : i32
      %add3A_157 = arith.addi %mul3A_149, %add3A_156 : i32
      %get3A_158 = arith.index_cast %add3A_157 : i32 to index
      %get3A_159 = memref.load %arg1[%get3A_158] : memref<12288xf32, #tpu.memory_space<smem>>
      %mul3A_160 = arith.constant 3 : i32
      %mul3A_161 = arith.muli %scan3A_85, %mul3A_160 : i32
      %swap3A_162 = arith.constant 1 : index
      %swap3A_163 = arith.index_cast %mul3A_161 : i32 to index
      %swap3A_164 = memref.load %arg2[%swap3A_162, %swap3A_163] : memref<4x768xf32, #tpu.memory_space<smem>>
      memref.store %get3A_151, %arg2[%swap3A_162, %swap3A_163] : memref<4x768xf32, #tpu.memory_space<smem>>
      %mul3A_165 = arith.constant 3 : i32
      %mul3A_166 = arith.muli %scan3A_85, %mul3A_165 : i32
      %add3A_167 = arith.constant 1 : i32
      %add3A_168 = arith.addi %mul3A_166, %add3A_167 : i32
      %swap3A_169 = arith.constant 1 : index
      %swap3A_170 = arith.index_cast %add3A_168 : i32 to index
      %swap3A_171 = memref.load %arg2[%swap3A_169, %swap3A_170] : memref<4x768xf32, #tpu.memory_space<smem>>
      memref.store %get3A_155, %arg2[%swap3A_169, %swap3A_170] : memref<4x768xf32, #tpu.memory_space<smem>>
      %mul3A_172 = arith.constant 3 : i32
      %mul3A_173 = arith.muli %scan3A_85, %mul3A_172 : i32
      %add3A_174 = arith.constant 2 : i32
      %add3A_175 = arith.addi %mul3A_173, %add3A_174 : i32
      %swap3A_176 = arith.constant 1 : index
      %swap3A_177 = arith.index_cast %add3A_175 : i32 to index
      %swap3A_178 = memref.load %arg2[%swap3A_176, %swap3A_177] : memref<4x768xf32, #tpu.memory_space<smem>>
      memref.store %get3A_159, %arg2[%swap3A_176, %swap3A_177] : memref<4x768xf32, #tpu.memory_space<smem>>
      %sub3A_179 = vector.broadcast %get3A_151 : f32 to vector<8x128xf32>
      %sub3A_180 = arith.subf %get3A_25, %sub3A_179 : vector<8x128xf32>
      %sub3A_181 = vector.broadcast %get3A_155 : f32 to vector<8x128xf32>
      %sub3A_182 = arith.subf %get3A_31, %sub3A_181 : vector<8x128xf32>
      %sub3A_183 = vector.broadcast %get3A_159 : f32 to vector<8x128xf32>
      %sub3A_184 = arith.subf %get3A_37, %sub3A_183 : vector<8x128xf32>
      %mul3A_185 = arith.mulf %sub3A_180, %sub3A_180 : vector<8x128xf32>
      %mul3A_186 = arith.mulf %sub3A_182, %sub3A_182 : vector<8x128xf32>
      %add3A_187 = arith.addf %mul3A_185, %mul3A_186 : vector<8x128xf32>
      %mul3A_188 = arith.mulf %sub3A_184, %sub3A_184 : vector<8x128xf32>
      %add3A_189 = arith.addf %add3A_187, %mul3A_188 : vector<8x128xf32>
      %min3A_190 = arith.minimumf %scan3A_88, %add3A_189 : vector<8x128xf32>
      %reduce_max3A_191 = vector.shape_cast %min3A_190 : vector<8x128xf32> to vector<1x8x128xf32>
      %reduce_max3A_192 = arith.constant dense<0xFF800000> : vector<1xf32>
      %reduce_max3A_193 = vector.multi_reduction <maximumf>, %reduce_max3A_191, %reduce_max3A_192 [1, 2] : vector<1x8x128xf32> to vector<1xf32>
      %reduce_max3A_194 = vector.shape_cast %reduce_max3A_193 : vector<1xf32> to vector<1x1x1xf32>
      %reduce_max3A_195 = vector.extract %reduce_max3A_194[0, 0, 0] : f32 from vector<1x1x1xf32>
      %eq3A_196 = vector.broadcast %reduce_max3A_195 : f32 to vector<8x128xf32>
      %eq3A_197 = arith.cmpf oeq, %min3A_190, %eq3A_196 : vector<8x128xf32>
      %broadcast_in_dim3A_198 = vector.broadcast %scan3A : i32 to vector<8x128xi32>
      %select_n3A_199 = arith.select %eq3A_197, %add3A, %broadcast_in_dim3A_198 : vector<8x128xi1>, vector<8x128xi32>
      %reduce_min3A_200 = vector.shape_cast %select_n3A_199 : vector<8x128xi32> to vector<1x8x128xi32>
      %reduce_min3A_201 = arith.constant dense<2147483647> : vector<1xi32>
      %reduce_min3A_202 = vector.multi_reduction <minsi>, %reduce_min3A_200, %reduce_min3A_201 [1, 2] : vector<1x8x128xi32> to vector<1xi32>
      %reduce_min3A_203 = vector.shape_cast %reduce_min3A_202 : vector<1xi32> to vector<1x1x1xi32>
      %reduce_min3A_204 = vector.extract %reduce_min3A_203[0, 0, 0] : i32 from vector<1x1x1xi32>
      %add3A_205 = arith.constant 2048 : i32
      %add3A_206 = arith.addi %add3A_205, %scan3A_91 : i32
      %mul3A_207 = arith.constant 3 : i32
      %mul3A_208 = arith.muli %add3A_206, %mul3A_207 : i32
      %get3A_209 = arith.index_cast %mul3A_208 : i32 to index
      %get3A_210 = memref.load %arg1[%get3A_209] : memref<12288xf32, #tpu.memory_space<smem>>
      %add3A_211 = arith.constant 1 : i32
      %add3A_212 = arith.addi %mul3A_208, %add3A_211 : i32
      %get3A_213 = arith.index_cast %add3A_212 : i32 to index
      %get3A_214 = memref.load %arg1[%get3A_213] : memref<12288xf32, #tpu.memory_space<smem>>
      %add3A_215 = arith.constant 2 : i32
      %add3A_216 = arith.addi %mul3A_208, %add3A_215 : i32
      %get3A_217 = arith.index_cast %add3A_216 : i32 to index
      %get3A_218 = memref.load %arg1[%get3A_217] : memref<12288xf32, #tpu.memory_space<smem>>
      %mul3A_219 = arith.constant 3 : i32
      %mul3A_220 = arith.muli %scan3A_85, %mul3A_219 : i32
      %swap3A_221 = arith.constant 2 : index
      %swap3A_222 = arith.index_cast %mul3A_220 : i32 to index
      %swap3A_223 = memref.load %arg2[%swap3A_221, %swap3A_222] : memref<4x768xf32, #tpu.memory_space<smem>>
      memref.store %get3A_210, %arg2[%swap3A_221, %swap3A_222] : memref<4x768xf32, #tpu.memory_space<smem>>
      %mul3A_224 = arith.constant 3 : i32
      %mul3A_225 = arith.muli %scan3A_85, %mul3A_224 : i32
      %add3A_226 = arith.constant 1 : i32
      %add3A_227 = arith.addi %mul3A_225, %add3A_226 : i32
      %swap3A_228 = arith.constant 2 : index
      %swap3A_229 = arith.index_cast %add3A_227 : i32 to index
      %swap3A_230 = memref.load %arg2[%swap3A_228, %swap3A_229] : memref<4x768xf32, #tpu.memory_space<smem>>
      memref.store %get3A_214, %arg2[%swap3A_228, %swap3A_229] : memref<4x768xf32, #tpu.memory_space<smem>>
      %mul3A_231 = arith.constant 3 : i32
      %mul3A_232 = arith.muli %scan3A_85, %mul3A_231 : i32
      %add3A_233 = arith.constant 2 : i32
      %add3A_234 = arith.addi %mul3A_232, %add3A_233 : i32
      %swap3A_235 = arith.constant 2 : index
      %swap3A_236 = arith.index_cast %add3A_234 : i32 to index
      %swap3A_237 = memref.load %arg2[%swap3A_235, %swap3A_236] : memref<4x768xf32, #tpu.memory_space<smem>>
      memref.store %get3A_218, %arg2[%swap3A_235, %swap3A_236] : memref<4x768xf32, #tpu.memory_space<smem>>
      %sub3A_238 = vector.broadcast %get3A_210 : f32 to vector<8x128xf32>
      %sub3A_239 = arith.subf %get3A_43, %sub3A_238 : vector<8x128xf32>
      %sub3A_240 = vector.broadcast %get3A_214 : f32 to vector<8x128xf32>
      %sub3A_241 = arith.subf %get3A_49, %sub3A_240 : vector<8x128xf32>
      %sub3A_242 = vector.broadcast %get3A_218 : f32 to vector<8x128xf32>
      %sub3A_243 = arith.subf %get3A_55, %sub3A_242 : vector<8x128xf32>
      %mul3A_244 = arith.mulf %sub3A_239, %sub3A_239 : vector<8x128xf32>
      %mul3A_245 = arith.mulf %sub3A_241, %sub3A_241 : vector<8x128xf32>
      %add3A_246 = arith.addf %mul3A_244, %mul3A_245 : vector<8x128xf32>
      %mul3A_247 = arith.mulf %sub3A_243, %sub3A_243 : vector<8x128xf32>
      %add3A_248 = arith.addf %add3A_246, %mul3A_247 : vector<8x128xf32>
      %min3A_249 = arith.minimumf %scan3A_90, %add3A_248 : vector<8x128xf32>
      %reduce_max3A_250 = vector.shape_cast %min3A_249 : vector<8x128xf32> to vector<1x8x128xf32>
      %reduce_max3A_251 = arith.constant dense<0xFF800000> : vector<1xf32>
      %reduce_max3A_252 = vector.multi_reduction <maximumf>, %reduce_max3A_250, %reduce_max3A_251 [1, 2] : vector<1x8x128xf32> to vector<1xf32>
      %reduce_max3A_253 = vector.shape_cast %reduce_max3A_252 : vector<1xf32> to vector<1x1x1xf32>
      %reduce_max3A_254 = vector.extract %reduce_max3A_253[0, 0, 0] : f32 from vector<1x1x1xf32>
      %eq3A_255 = vector.broadcast %reduce_max3A_254 : f32 to vector<8x128xf32>
      %eq3A_256 = arith.cmpf oeq, %min3A_249, %eq3A_255 : vector<8x128xf32>
      %broadcast_in_dim3A_257 = vector.broadcast %scan3A : i32 to vector<8x128xi32>
      %select_n3A_258 = arith.select %eq3A_256, %add3A, %broadcast_in_dim3A_257 : vector<8x128xi1>, vector<8x128xi32>
      %reduce_min3A_259 = vector.shape_cast %select_n3A_258 : vector<8x128xi32> to vector<1x8x128xi32>
      %reduce_min3A_260 = arith.constant dense<2147483647> : vector<1xi32>
      %reduce_min3A_261 = vector.multi_reduction <minsi>, %reduce_min3A_259, %reduce_min3A_260 [1, 2] : vector<1x8x128xi32> to vector<1xi32>
      %reduce_min3A_262 = vector.shape_cast %reduce_min3A_261 : vector<1xi32> to vector<1x1x1xi32>
      %reduce_min3A_263 = vector.extract %reduce_min3A_262[0, 0, 0] : i32 from vector<1x1x1xi32>
      %add3A_264 = arith.constant 3072 : i32
      %add3A_265 = arith.addi %add3A_264, %scan3A_93 : i32
      %mul3A_266 = arith.constant 3 : i32
      %mul3A_267 = arith.muli %add3A_265, %mul3A_266 : i32
      %get3A_268 = arith.index_cast %mul3A_267 : i32 to index
      %get3A_269 = memref.load %arg1[%get3A_268] : memref<12288xf32, #tpu.memory_space<smem>>
      %add3A_270 = arith.constant 1 : i32
      %add3A_271 = arith.addi %mul3A_267, %add3A_270 : i32
      %get3A_272 = arith.index_cast %add3A_271 : i32 to index
      %get3A_273 = memref.load %arg1[%get3A_272] : memref<12288xf32, #tpu.memory_space<smem>>
      %add3A_274 = arith.constant 2 : i32
      %add3A_275 = arith.addi %mul3A_267, %add3A_274 : i32
      %get3A_276 = arith.index_cast %add3A_275 : i32 to index
      %get3A_277 = memref.load %arg1[%get3A_276] : memref<12288xf32, #tpu.memory_space<smem>>
      %mul3A_278 = arith.constant 3 : i32
      %mul3A_279 = arith.muli %scan3A_85, %mul3A_278 : i32
      %swap3A_280 = arith.constant 3 : index
      %swap3A_281 = arith.index_cast %mul3A_279 : i32 to index
      %swap3A_282 = memref.load %arg2[%swap3A_280, %swap3A_281] : memref<4x768xf32, #tpu.memory_space<smem>>
      memref.store %get3A_269, %arg2[%swap3A_280, %swap3A_281] : memref<4x768xf32, #tpu.memory_space<smem>>
      %mul3A_283 = arith.constant 3 : i32
      %mul3A_284 = arith.muli %scan3A_85, %mul3A_283 : i32
      %add3A_285 = arith.constant 1 : i32
      %add3A_286 = arith.addi %mul3A_284, %add3A_285 : i32
      %swap3A_287 = arith.constant 3 : index
      %swap3A_288 = arith.index_cast %add3A_286 : i32 to index
      %swap3A_289 = memref.load %arg2[%swap3A_287, %swap3A_288] : memref<4x768xf32, #tpu.memory_space<smem>>
      memref.store %get3A_273, %arg2[%swap3A_287, %swap3A_288] : memref<4x768xf32, #tpu.memory_space<smem>>
      %mul3A_290 = arith.constant 3 : i32
      %mul3A_291 = arith.muli %scan3A_85, %mul3A_290 : i32
      %add3A_292 = arith.constant 2 : i32
      %add3A_293 = arith.addi %mul3A_291, %add3A_292 : i32
      %swap3A_294 = arith.constant 3 : index
      %swap3A_295 = arith.index_cast %add3A_293 : i32 to index
      %swap3A_296 = memref.load %arg2[%swap3A_294, %swap3A_295] : memref<4x768xf32, #tpu.memory_space<smem>>
      memref.store %get3A_277, %arg2[%swap3A_294, %swap3A_295] : memref<4x768xf32, #tpu.memory_space<smem>>
      %sub3A_297 = vector.broadcast %get3A_269 : f32 to vector<8x128xf32>
      %sub3A_298 = arith.subf %get3A_61, %sub3A_297 : vector<8x128xf32>
      %sub3A_299 = vector.broadcast %get3A_273 : f32 to vector<8x128xf32>
      %sub3A_300 = arith.subf %get3A_67, %sub3A_299 : vector<8x128xf32>
      %sub3A_301 = vector.broadcast %get3A_277 : f32 to vector<8x128xf32>
      %sub3A_302 = arith.subf %get3A_73, %sub3A_301 : vector<8x128xf32>
      %mul3A_303 = arith.mulf %sub3A_298, %sub3A_298 : vector<8x128xf32>
      %mul3A_304 = arith.mulf %sub3A_300, %sub3A_300 : vector<8x128xf32>
      %add3A_305 = arith.addf %mul3A_303, %mul3A_304 : vector<8x128xf32>
      %mul3A_306 = arith.mulf %sub3A_302, %sub3A_302 : vector<8x128xf32>
      %add3A_307 = arith.addf %add3A_305, %mul3A_306 : vector<8x128xf32>
      %min3A_308 = arith.minimumf %scan3A_92, %add3A_307 : vector<8x128xf32>
      %reduce_max3A_309 = vector.shape_cast %min3A_308 : vector<8x128xf32> to vector<1x8x128xf32>
      %reduce_max3A_310 = arith.constant dense<0xFF800000> : vector<1xf32>
      %reduce_max3A_311 = vector.multi_reduction <maximumf>, %reduce_max3A_309, %reduce_max3A_310 [1, 2] : vector<1x8x128xf32> to vector<1xf32>
      %reduce_max3A_312 = vector.shape_cast %reduce_max3A_311 : vector<1xf32> to vector<1x1x1xf32>
      %reduce_max3A_313 = vector.extract %reduce_max3A_312[0, 0, 0] : f32 from vector<1x1x1xf32>
      %eq3A_314 = vector.broadcast %reduce_max3A_313 : f32 to vector<8x128xf32>
      %eq3A_315 = arith.cmpf oeq, %min3A_308, %eq3A_314 : vector<8x128xf32>
      %broadcast_in_dim3A_316 = vector.broadcast %scan3A : i32 to vector<8x128xi32>
      %select_n3A_317 = arith.select %eq3A_315, %add3A, %broadcast_in_dim3A_316 : vector<8x128xi1>, vector<8x128xi32>
      %reduce_min3A_318 = vector.shape_cast %select_n3A_317 : vector<8x128xi32> to vector<1x8x128xi32>
      %reduce_min3A_319 = arith.constant dense<2147483647> : vector<1xi32>
      %reduce_min3A_320 = vector.multi_reduction <minsi>, %reduce_min3A_318, %reduce_min3A_319 [1, 2] : vector<1x8x128xi32> to vector<1xi32>
      %reduce_min3A_321 = vector.shape_cast %reduce_min3A_320 : vector<1xi32> to vector<1x1x1xi32>
      %reduce_min3A_322 = vector.extract %reduce_min3A_321[0, 0, 0] : i32 from vector<1x1x1xi32>
      %scan3A_323 = arith.constant 1 : i32
      %scan3A_324 = arith.addi %scan3A_85, %scan3A_323 : i32
      %add3A_325 = arith.constant 0 : i32
      %add3A_326 = arith.addi %add3A_325, %reduce_min3A_145 : i32
      %mul3A_327 = arith.constant 3 : i32
      %mul3A_328 = arith.muli %add3A_326, %mul3A_327 : i32
      %get3A_329 = arith.index_cast %mul3A_328 : i32 to index
      %get3A_330 = memref.load %arg1[%get3A_329] : memref<12288xf32, #tpu.memory_space<smem>>
      %add3A_331 = arith.constant 1 : i32
      %add3A_332 = arith.addi %mul3A_328, %add3A_331 : i32
      %get3A_333 = arith.index_cast %add3A_332 : i32 to index
      %get3A_334 = memref.load %arg1[%get3A_333] : memref<12288xf32, #tpu.memory_space<smem>>
      %add3A_335 = arith.constant 2 : i32
      %add3A_336 = arith.addi %mul3A_328, %add3A_335 : i32
      %get3A_337 = arith.index_cast %add3A_336 : i32 to index
      %get3A_338 = memref.load %arg1[%get3A_337] : memref<12288xf32, #tpu.memory_space<smem>>
      %mul3A_339 = arith.constant 3 : i32
      %mul3A_340 = arith.muli %scan3A_324, %mul3A_339 : i32
      %swap3A_341 = arith.constant 0 : index
      %swap3A_342 = arith.index_cast %mul3A_340 : i32 to index
      %swap3A_343 = memref.load %arg2[%swap3A_341, %swap3A_342] : memref<4x768xf32, #tpu.memory_space<smem>>
      memref.store %get3A_330, %arg2[%swap3A_341, %swap3A_342] : memref<4x768xf32, #tpu.memory_space<smem>>
      %mul3A_344 = arith.constant 3 : i32
      %mul3A_345 = arith.muli %scan3A_324, %mul3A_344 : i32
      %add3A_346 = arith.constant 1 : i32
      %add3A_347 = arith.addi %mul3A_345, %add3A_346 : i32
      %swap3A_348 = arith.constant 0 : index
      %swap3A_349 = arith.index_cast %add3A_347 : i32 to index
      %swap3A_350 = memref.load %arg2[%swap3A_348, %swap3A_349] : memref<4x768xf32, #tpu.memory_space<smem>>
      memref.store %get3A_334, %arg2[%swap3A_348, %swap3A_349] : memref<4x768xf32, #tpu.memory_space<smem>>
      %mul3A_351 = arith.constant 3 : i32
      %mul3A_352 = arith.muli %scan3A_324, %mul3A_351 : i32
      %add3A_353 = arith.constant 2 : i32
      %add3A_354 = arith.addi %mul3A_352, %add3A_353 : i32
      %swap3A_355 = arith.constant 0 : index
      %swap3A_356 = arith.index_cast %add3A_354 : i32 to index
      %swap3A_357 = memref.load %arg2[%swap3A_355, %swap3A_356] : memref<4x768xf32, #tpu.memory_space<smem>>
      memref.store %get3A_338, %arg2[%swap3A_355, %swap3A_356] : memref<4x768xf32, #tpu.memory_space<smem>>
      %sub3A_358 = vector.broadcast %get3A_330 : f32 to vector<8x128xf32>
      %sub3A_359 = arith.subf %get3A_7, %sub3A_358 : vector<8x128xf32>
      %sub3A_360 = vector.broadcast %get3A_334 : f32 to vector<8x128xf32>
      %sub3A_361 = arith.subf %get3A_13, %sub3A_360 : vector<8x128xf32>
      %sub3A_362 = vector.broadcast %get3A_338 : f32 to vector<8x128xf32>
      %sub3A_363 = arith.subf %get3A_19, %sub3A_362 : vector<8x128xf32>
      %mul3A_364 = arith.mulf %sub3A_359, %sub3A_359 : vector<8x128xf32>
      %mul3A_365 = arith.mulf %sub3A_361, %sub3A_361 : vector<8x128xf32>
      %add3A_366 = arith.addf %mul3A_364, %mul3A_365 : vector<8x128xf32>
      %mul3A_367 = arith.mulf %sub3A_363, %sub3A_363 : vector<8x128xf32>
      %add3A_368 = arith.addf %add3A_366, %mul3A_367 : vector<8x128xf32>
      %min3A_369 = arith.minimumf %min3A, %add3A_368 : vector<8x128xf32>
      %reduce_max3A_370 = vector.shape_cast %min3A_369 : vector<8x128xf32> to vector<1x8x128xf32>
      %reduce_max3A_371 = arith.constant dense<0xFF800000> : vector<1xf32>
      %reduce_max3A_372 = vector.multi_reduction <maximumf>, %reduce_max3A_370, %reduce_max3A_371 [1, 2] : vector<1x8x128xf32> to vector<1xf32>
      %reduce_max3A_373 = vector.shape_cast %reduce_max3A_372 : vector<1xf32> to vector<1x1x1xf32>
      %reduce_max3A_374 = vector.extract %reduce_max3A_373[0, 0, 0] : f32 from vector<1x1x1xf32>
      %eq3A_375 = vector.broadcast %reduce_max3A_374 : f32 to vector<8x128xf32>
      %eq3A_376 = arith.cmpf oeq, %min3A_369, %eq3A_375 : vector<8x128xf32>
      %broadcast_in_dim3A_377 = vector.broadcast %scan3A : i32 to vector<8x128xi32>
      %select_n3A_378 = arith.select %eq3A_376, %add3A, %broadcast_in_dim3A_377 : vector<8x128xi1>, vector<8x128xi32>
      %reduce_min3A_379 = vector.shape_cast %select_n3A_378 : vector<8x128xi32> to vector<1x8x128xi32>
      %reduce_min3A_380 = arith.constant dense<2147483647> : vector<1xi32>
      %reduce_min3A_381 = vector.multi_reduction <minsi>, %reduce_min3A_379, %reduce_min3A_380 [1, 2] : vector<1x8x128xi32> to vector<1xi32>
      %reduce_min3A_382 = vector.shape_cast %reduce_min3A_381 : vector<1xi32> to vector<1x1x1xi32>
      %reduce_min3A_383 = vector.extract %reduce_min3A_382[0, 0, 0] : i32 from vector<1x1x1xi32>
      %add3A_384 = arith.constant 1024 : i32
      %add3A_385 = arith.addi %add3A_384, %reduce_min3A_204 : i32
      %mul3A_386 = arith.constant 3 : i32
      %mul3A_387 = arith.muli %add3A_385, %mul3A_386 : i32
      %get3A_388 = arith.index_cast %mul3A_387 : i32 to index
      %get3A_389 = memref.load %arg1[%get3A_388] : memref<12288xf32, #tpu.memory_space<smem>>
      %add3A_390 = arith.constant 1 : i32
      %add3A_391 = arith.addi %mul3A_387, %add3A_390 : i32
      %get3A_392 = arith.index_cast %add3A_391 : i32 to index
      %get3A_393 = memref.load %arg1[%get3A_392] : memref<12288xf32, #tpu.memory_space<smem>>
      %add3A_394 = arith.constant 2 : i32
      %add3A_395 = arith.addi %mul3A_387, %add3A_394 : i32
      %get3A_396 = arith.index_cast %add3A_395 : i32 to index
      %get3A_397 = memref.load %arg1[%get3A_396] : memref<12288xf32, #tpu.memory_space<smem>>
      %mul3A_398 = arith.constant 3 : i32
      %mul3A_399 = arith.muli %scan3A_324, %mul3A_398 : i32
      %swap3A_400 = arith.constant 1 : index
      %swap3A_401 = arith.index_cast %mul3A_399 : i32 to index
      %swap3A_402 = memref.load %arg2[%swap3A_400, %swap3A_401] : memref<4x768xf32, #tpu.memory_space<smem>>
      memref.store %get3A_389, %arg2[%swap3A_400, %swap3A_401] : memref<4x768xf32, #tpu.memory_space<smem>>
      %mul3A_403 = arith.constant 3 : i32
      %mul3A_404 = arith.muli %scan3A_324, %mul3A_403 : i32
      %add3A_405 = arith.constant 1 : i32
      %add3A_406 = arith.addi %mul3A_404, %add3A_405 : i32
      %swap3A_407 = arith.constant 1 : index
      %swap3A_408 = arith.index_cast %add3A_406 : i32 to index
      %swap3A_409 = memref.load %arg2[%swap3A_407, %swap3A_408] : memref<4x768xf32, #tpu.memory_space<smem>>
      memref.store %get3A_393, %arg2[%swap3A_407, %swap3A_408] : memref<4x768xf32, #tpu.memory_space<smem>>
      %mul3A_410 = arith.constant 3 : i32
      %mul3A_411 = arith.muli %scan3A_324, %mul3A_410 : i32
      %add3A_412 = arith.constant 2 : i32
      %add3A_413 = arith.addi %mul3A_411, %add3A_412 : i32
      %swap3A_414 = arith.constant 1 : index
      %swap3A_415 = arith.index_cast %add3A_413 : i32 to index
      %swap3A_416 = memref.load %arg2[%swap3A_414, %swap3A_415] : memref<4x768xf32, #tpu.memory_space<smem>>
      memref.store %get3A_397, %arg2[%swap3A_414, %swap3A_415] : memref<4x768xf32, #tpu.memory_space<smem>>
      %sub3A_417 = vector.broadcast %get3A_389 : f32 to vector<8x128xf32>
      %sub3A_418 = arith.subf %get3A_25, %sub3A_417 : vector<8x128xf32>
      %sub3A_419 = vector.broadcast %get3A_393 : f32 to vector<8x128xf32>
      %sub3A_420 = arith.subf %get3A_31, %sub3A_419 : vector<8x128xf32>
      %sub3A_421 = vector.broadcast %get3A_397 : f32 to vector<8x128xf32>
      %sub3A_422 = arith.subf %get3A_37, %sub3A_421 : vector<8x128xf32>
      %mul3A_423 = arith.mulf %sub3A_418, %sub3A_418 : vector<8x128xf32>
      %mul3A_424 = arith.mulf %sub3A_420, %sub3A_420 : vector<8x128xf32>
      %add3A_425 = arith.addf %mul3A_423, %mul3A_424 : vector<8x128xf32>
      %mul3A_426 = arith.mulf %sub3A_422, %sub3A_422 : vector<8x128xf32>
      %add3A_427 = arith.addf %add3A_425, %mul3A_426 : vector<8x128xf32>
      %min3A_428 = arith.minimumf %min3A_190, %add3A_427 : vector<8x128xf32>
      %reduce_max3A_429 = vector.shape_cast %min3A_428 : vector<8x128xf32> to vector<1x8x128xf32>
      %reduce_max3A_430 = arith.constant dense<0xFF800000> : vector<1xf32>
      %reduce_max3A_431 = vector.multi_reduction <maximumf>, %reduce_max3A_429, %reduce_max3A_430 [1, 2] : vector<1x8x128xf32> to vector<1xf32>
      %reduce_max3A_432 = vector.shape_cast %reduce_max3A_431 : vector<1xf32> to vector<1x1x1xf32>
      %reduce_max3A_433 = vector.extract %reduce_max3A_432[0, 0, 0] : f32 from vector<1x1x1xf32>
      %eq3A_434 = vector.broadcast %reduce_max3A_433 : f32 to vector<8x128xf32>
      %eq3A_435 = arith.cmpf oeq, %min3A_428, %eq3A_434 : vector<8x128xf32>
      %broadcast_in_dim3A_436 = vector.broadcast %scan3A : i32 to vector<8x128xi32>
      %select_n3A_437 = arith.select %eq3A_435, %add3A, %broadcast_in_dim3A_436 : vector<8x128xi1>, vector<8x128xi32>
      %reduce_min3A_438 = vector.shape_cast %select_n3A_437 : vector<8x128xi32> to vector<1x8x128xi32>
      %reduce_min3A_439 = arith.constant dense<2147483647> : vector<1xi32>
      %reduce_min3A_440 = vector.multi_reduction <minsi>, %reduce_min3A_438, %reduce_min3A_439 [1, 2] : vector<1x8x128xi32> to vector<1xi32>
      %reduce_min3A_441 = vector.shape_cast %reduce_min3A_440 : vector<1xi32> to vector<1x1x1xi32>
      %reduce_min3A_442 = vector.extract %reduce_min3A_441[0, 0, 0] : i32 from vector<1x1x1xi32>
      %add3A_443 = arith.constant 2048 : i32
      %add3A_444 = arith.addi %add3A_443, %reduce_min3A_263 : i32
      %mul3A_445 = arith.constant 3 : i32
      %mul3A_446 = arith.muli %add3A_444, %mul3A_445 : i32
      %get3A_447 = arith.index_cast %mul3A_446 : i32 to index
      %get3A_448 = memref.load %arg1[%get3A_447] : memref<12288xf32, #tpu.memory_space<smem>>
      %add3A_449 = arith.constant 1 : i32
      %add3A_450 = arith.addi %mul3A_446, %add3A_449 : i32
      %get3A_451 = arith.index_cast %add3A_450 : i32 to index
      %get3A_452 = memref.load %arg1[%get3A_451] : memref<12288xf32, #tpu.memory_space<smem>>
      %add3A_453 = arith.constant 2 : i32
      %add3A_454 = arith.addi %mul3A_446, %add3A_453 : i32
      %get3A_455 = arith.index_cast %add3A_454 : i32 to index
      %get3A_456 = memref.load %arg1[%get3A_455] : memref<12288xf32, #tpu.memory_space<smem>>
      %mul3A_457 = arith.constant 3 : i32
      %mul3A_458 = arith.muli %scan3A_324, %mul3A_457 : i32
      %swap3A_459 = arith.constant 2 : index
      %swap3A_460 = arith.index_cast %mul3A_458 : i32 to index
      %swap3A_461 = memref.load %arg2[%swap3A_459, %swap3A_460] : memref<4x768xf32, #tpu.memory_space<smem>>
      memref.store %get3A_448, %arg2[%swap3A_459, %swap3A_460] : memref<4x768xf32, #tpu.memory_space<smem>>
      %mul3A_462 = arith.constant 3 : i32
      %mul3A_463 = arith.muli %scan3A_324, %mul3A_462 : i32
      %add3A_464 = arith.constant 1 : i32
      %add3A_465 = arith.addi %mul3A_463, %add3A_464 : i32
      %swap3A_466 = arith.constant 2 : index
      %swap3A_467 = arith.index_cast %add3A_465 : i32 to index
      %swap3A_468 = memref.load %arg2[%swap3A_466, %swap3A_467] : memref<4x768xf32, #tpu.memory_space<smem>>
      memref.store %get3A_452, %arg2[%swap3A_466, %swap3A_467] : memref<4x768xf32, #tpu.memory_space<smem>>
      %mul3A_469 = arith.constant 3 : i32
      %mul3A_470 = arith.muli %scan3A_324, %mul3A_469 : i32
      %add3A_471 = arith.constant 2 : i32
      %add3A_472 = arith.addi %mul3A_470, %add3A_471 : i32
      %swap3A_473 = arith.constant 2 : index
      %swap3A_474 = arith.index_cast %add3A_472 : i32 to index
      %swap3A_475 = memref.load %arg2[%swap3A_473, %swap3A_474] : memref<4x768xf32, #tpu.memory_space<smem>>
      memref.store %get3A_456, %arg2[%swap3A_473, %swap3A_474] : memref<4x768xf32, #tpu.memory_space<smem>>
      %sub3A_476 = vector.broadcast %get3A_448 : f32 to vector<8x128xf32>
      %sub3A_477 = arith.subf %get3A_43, %sub3A_476 : vector<8x128xf32>
      %sub3A_478 = vector.broadcast %get3A_452 : f32 to vector<8x128xf32>
      %sub3A_479 = arith.subf %get3A_49, %sub3A_478 : vector<8x128xf32>
      %sub3A_480 = vector.broadcast %get3A_456 : f32 to vector<8x128xf32>
      %sub3A_481 = arith.subf %get3A_55, %sub3A_480 : vector<8x128xf32>
      %mul3A_482 = arith.mulf %sub3A_477, %sub3A_477 : vector<8x128xf32>
      %mul3A_483 = arith.mulf %sub3A_479, %sub3A_479 : vector<8x128xf32>
      %add3A_484 = arith.addf %mul3A_482, %mul3A_483 : vector<8x128xf32>
      %mul3A_485 = arith.mulf %sub3A_481, %sub3A_481 : vector<8x128xf32>
      %add3A_486 = arith.addf %add3A_484, %mul3A_485 : vector<8x128xf32>
      %min3A_487 = arith.minimumf %min3A_249, %add3A_486 : vector<8x128xf32>
      %reduce_max3A_488 = vector.shape_cast %min3A_487 : vector<8x128xf32> to vector<1x8x128xf32>
      %reduce_max3A_489 = arith.constant dense<0xFF800000> : vector<1xf32>
      %reduce_max3A_490 = vector.multi_reduction <maximumf>, %reduce_max3A_488, %reduce_max3A_489 [1, 2] : vector<1x8x128xf32> to vector<1xf32>
      %reduce_max3A_491 = vector.shape_cast %reduce_max3A_490 : vector<1xf32> to vector<1x1x1xf32>
      %reduce_max3A_492 = vector.extract %reduce_max3A_491[0, 0, 0] : f32 from vector<1x1x1xf32>
      %eq3A_493 = vector.broadcast %reduce_max3A_492 : f32 to vector<8x128xf32>
      %eq3A_494 = arith.cmpf oeq, %min3A_487, %eq3A_493 : vector<8x128xf32>
      %broadcast_in_dim3A_495 = vector.broadcast %scan3A : i32 to vector<8x128xi32>
      %select_n3A_496 = arith.select %eq3A_494, %add3A, %broadcast_in_dim3A_495 : vector<8x128xi1>, vector<8x128xi32>
      %reduce_min3A_497 = vector.shape_cast %select_n3A_496 : vector<8x128xi32> to vector<1x8x128xi32>
      %reduce_min3A_498 = arith.constant dense<2147483647> : vector<1xi32>
      %reduce_min3A_499 = vector.multi_reduction <minsi>, %reduce_min3A_497, %reduce_min3A_498 [1, 2] : vector<1x8x128xi32> to vector<1xi32>
      %reduce_min3A_500 = vector.shape_cast %reduce_min3A_499 : vector<1xi32> to vector<1x1x1xi32>
      %reduce_min3A_501 = vector.extract %reduce_min3A_500[0, 0, 0] : i32 from vector<1x1x1xi32>
      %add3A_502 = arith.constant 3072 : i32
      %add3A_503 = arith.addi %add3A_502, %reduce_min3A_322 : i32
      %mul3A_504 = arith.constant 3 : i32
      %mul3A_505 = arith.muli %add3A_503, %mul3A_504 : i32
      %get3A_506 = arith.index_cast %mul3A_505 : i32 to index
      %get3A_507 = memref.load %arg1[%get3A_506] : memref<12288xf32, #tpu.memory_space<smem>>
      %add3A_508 = arith.constant 1 : i32
      %add3A_509 = arith.addi %mul3A_505, %add3A_508 : i32
      %get3A_510 = arith.index_cast %add3A_509 : i32 to index
      %get3A_511 = memref.load %arg1[%get3A_510] : memref<12288xf32, #tpu.memory_space<smem>>
      %add3A_512 = arith.constant 2 : i32
      %add3A_513 = arith.addi %mul3A_505, %add3A_512 : i32
      %get3A_514 = arith.index_cast %add3A_513 : i32 to index
      %get3A_515 = memref.load %arg1[%get3A_514] : memref<12288xf32, #tpu.memory_space<smem>>
      %mul3A_516 = arith.constant 3 : i32
      %mul3A_517 = arith.muli %scan3A_324, %mul3A_516 : i32
      %swap3A_518 = arith.constant 3 : index
      %swap3A_519 = arith.index_cast %mul3A_517 : i32 to index
      %swap3A_520 = memref.load %arg2[%swap3A_518, %swap3A_519] : memref<4x768xf32, #tpu.memory_space<smem>>
      memref.store %get3A_507, %arg2[%swap3A_518, %swap3A_519] : memref<4x768xf32, #tpu.memory_space<smem>>
      %mul3A_521 = arith.constant 3 : i32
      %mul3A_522 = arith.muli %scan3A_324, %mul3A_521 : i32
      %add3A_523 = arith.constant 1 : i32
      %add3A_524 = arith.addi %mul3A_522, %add3A_523 : i32
      %swap3A_525 = arith.constant 3 : index
      %swap3A_526 = arith.index_cast %add3A_524 : i32 to index
      %swap3A_527 = memref.load %arg2[%swap3A_525, %swap3A_526] : memref<4x768xf32, #tpu.memory_space<smem>>
      memref.store %get3A_511, %arg2[%swap3A_525, %swap3A_526] : memref<4x768xf32, #tpu.memory_space<smem>>
      %mul3A_528 = arith.constant 3 : i32
      %mul3A_529 = arith.muli %scan3A_324, %mul3A_528 : i32
      %add3A_530 = arith.constant 2 : i32
      %add3A_531 = arith.addi %mul3A_529, %add3A_530 : i32
      %swap3A_532 = arith.constant 3 : index
      %swap3A_533 = arith.index_cast %add3A_531 : i32 to index
      %swap3A_534 = memref.load %arg2[%swap3A_532, %swap3A_533] : memref<4x768xf32, #tpu.memory_space<smem>>
      memref.store %get3A_515, %arg2[%swap3A_532, %swap3A_533] : memref<4x768xf32, #tpu.memory_space<smem>>
      %sub3A_535 = vector.broadcast %get3A_507 : f32 to vector<8x128xf32>
      %sub3A_536 = arith.subf %get3A_61, %sub3A_535 : vector<8x128xf32>
      %sub3A_537 = vector.broadcast %get3A_511 : f32 to vector<8x128xf32>
      %sub3A_538 = arith.subf %get3A_67, %sub3A_537 : vector<8x128xf32>
      %sub3A_539 = vector.broadcast %get3A_515 : f32 to vector<8x128xf32>
      %sub3A_540 = arith.subf %get3A_73, %sub3A_539 : vector<8x128xf32>
      %mul3A_541 = arith.mulf %sub3A_536, %sub3A_536 : vector<8x128xf32>
      %mul3A_542 = arith.mulf %sub3A_538, %sub3A_538 : vector<8x128xf32>
      %add3A_543 = arith.addf %mul3A_541, %mul3A_542 : vector<8x128xf32>
      %mul3A_544 = arith.mulf %sub3A_540, %sub3A_540 : vector<8x128xf32>
      %add3A_545 = arith.addf %add3A_543, %mul3A_544 : vector<8x128xf32>
      %min3A_546 = arith.minimumf %min3A_308, %add3A_545 : vector<8x128xf32>
      %reduce_max3A_547 = vector.shape_cast %min3A_546 : vector<8x128xf32> to vector<1x8x128xf32>
      %reduce_max3A_548 = arith.constant dense<0xFF800000> : vector<1xf32>
      %reduce_max3A_549 = vector.multi_reduction <maximumf>, %reduce_max3A_547, %reduce_max3A_548 [1, 2] : vector<1x8x128xf32> to vector<1xf32>
      %reduce_max3A_550 = vector.shape_cast %reduce_max3A_549 : vector<1xf32> to vector<1x1x1xf32>
      %reduce_max3A_551 = vector.extract %reduce_max3A_550[0, 0, 0] : f32 from vector<1x1x1xf32>
      %eq3A_552 = vector.broadcast %reduce_max3A_551 : f32 to vector<8x128xf32>
      %eq3A_553 = arith.cmpf oeq, %min3A_546, %eq3A_552 : vector<8x128xf32>
      %broadcast_in_dim3A_554 = vector.broadcast %scan3A : i32 to vector<8x128xi32>
      %select_n3A_555 = arith.select %eq3A_553, %add3A, %broadcast_in_dim3A_554 : vector<8x128xi1>, vector<8x128xi32>
      %reduce_min3A_556 = vector.shape_cast %select_n3A_555 : vector<8x128xi32> to vector<1x8x128xi32>
      %reduce_min3A_557 = arith.constant dense<2147483647> : vector<1xi32>
      %reduce_min3A_558 = vector.multi_reduction <minsi>, %reduce_min3A_556, %reduce_min3A_557 [1, 2] : vector<1x8x128xi32> to vector<1xi32>
      %reduce_min3A_559 = vector.shape_cast %reduce_min3A_558 : vector<1xi32> to vector<1x1x1xi32>
      %reduce_min3A_560 = vector.extract %reduce_min3A_559[0, 0, 0] : i32 from vector<1x1x1xi32>
      %scan3A_561 = arith.constant 2 : i32
      %scan3A_562 = arith.addi %scan3A_85, %scan3A_561 : i32
      %add3A_563 = arith.constant 0 : i32
      %add3A_564 = arith.addi %add3A_563, %reduce_min3A_383 : i32
      %mul3A_565 = arith.constant 3 : i32
      %mul3A_566 = arith.muli %add3A_564, %mul3A_565 : i32
      %get3A_567 = arith.index_cast %mul3A_566 : i32 to index
      %get3A_568 = memref.load %arg1[%get3A_567] : memref<12288xf32, #tpu.memory_space<smem>>
      %add3A_569 = arith.constant 1 : i32
      %add3A_570 = arith.addi %mul3A_566, %add3A_569 : i32
      %get3A_571 = arith.index_cast %add3A_570 : i32 to index
      %get3A_572 = memref.load %arg1[%get3A_571] : memref<12288xf32, #tpu.memory_space<smem>>
      %add3A_573 = arith.constant 2 : i32
      %add3A_574 = arith.addi %mul3A_566, %add3A_573 : i32
      %get3A_575 = arith.index_cast %add3A_574 : i32 to index
      %get3A_576 = memref.load %arg1[%get3A_575] : memref<12288xf32, #tpu.memory_space<smem>>
      %mul3A_577 = arith.constant 3 : i32
      %mul3A_578 = arith.muli %scan3A_562, %mul3A_577 : i32
      %swap3A_579 = arith.constant 0 : index
      %swap3A_580 = arith.index_cast %mul3A_578 : i32 to index
      %swap3A_581 = memref.load %arg2[%swap3A_579, %swap3A_580] : memref<4x768xf32, #tpu.memory_space<smem>>
      memref.store %get3A_568, %arg2[%swap3A_579, %swap3A_580] : memref<4x768xf32, #tpu.memory_space<smem>>
      %mul3A_582 = arith.constant 3 : i32
      %mul3A_583 = arith.muli %scan3A_562, %mul3A_582 : i32
      %add3A_584 = arith.constant 1 : i32
      %add3A_585 = arith.addi %mul3A_583, %add3A_584 : i32
      %swap3A_586 = arith.constant 0 : index
      %swap3A_587 = arith.index_cast %add3A_585 : i32 to index
      %swap3A_588 = memref.load %arg2[%swap3A_586, %swap3A_587] : memref<4x768xf32, #tpu.memory_space<smem>>
      memref.store %get3A_572, %arg2[%swap3A_586, %swap3A_587] : memref<4x768xf32, #tpu.memory_space<smem>>
      %mul3A_589 = arith.constant 3 : i32
      %mul3A_590 = arith.muli %scan3A_562, %mul3A_589 : i32
      %add3A_591 = arith.constant 2 : i32
      %add3A_592 = arith.addi %mul3A_590, %add3A_591 : i32
      %swap3A_593 = arith.constant 0 : index
      %swap3A_594 = arith.index_cast %add3A_592 : i32 to index
      %swap3A_595 = memref.load %arg2[%swap3A_593, %swap3A_594] : memref<4x768xf32, #tpu.memory_space<smem>>
      memref.store %get3A_576, %arg2[%swap3A_593, %swap3A_594] : memref<4x768xf32, #tpu.memory_space<smem>>
      %sub3A_596 = vector.broadcast %get3A_568 : f32 to vector<8x128xf32>
      %sub3A_597 = arith.subf %get3A_7, %sub3A_596 : vector<8x128xf32>
      %sub3A_598 = vector.broadcast %get3A_572 : f32 to vector<8x128xf32>
      %sub3A_599 = arith.subf %get3A_13, %sub3A_598 : vector<8x128xf32>
      %sub3A_600 = vector.broadcast %get3A_576 : f32 to vector<8x128xf32>
      %sub3A_601 = arith.subf %get3A_19, %sub3A_600 : vector<8x128xf32>
      %mul3A_602 = arith.mulf %sub3A_597, %sub3A_597 : vector<8x128xf32>
      %mul3A_603 = arith.mulf %sub3A_599, %sub3A_599 : vector<8x128xf32>
      %add3A_604 = arith.addf %mul3A_602, %mul3A_603 : vector<8x128xf32>
      %mul3A_605 = arith.mulf %sub3A_601, %sub3A_601 : vector<8x128xf32>
      %add3A_606 = arith.addf %add3A_604, %mul3A_605 : vector<8x128xf32>
      %min3A_607 = arith.minimumf %min3A_369, %add3A_606 : vector<8x128xf32>
      %reduce_max3A_608 = vector.shape_cast %min3A_607 : vector<8x128xf32> to vector<1x8x128xf32>
      %reduce_max3A_609 = arith.constant dense<0xFF800000> : vector<1xf32>
      %reduce_max3A_610 = vector.multi_reduction <maximumf>, %reduce_max3A_608, %reduce_max3A_609 [1, 2] : vector<1x8x128xf32> to vector<1xf32>
      %reduce_max3A_611 = vector.shape_cast %reduce_max3A_610 : vector<1xf32> to vector<1x1x1xf32>
      %reduce_max3A_612 = vector.extract %reduce_max3A_611[0, 0, 0] : f32 from vector<1x1x1xf32>
      %eq3A_613 = vector.broadcast %reduce_max3A_612 : f32 to vector<8x128xf32>
      %eq3A_614 = arith.cmpf oeq, %min3A_607, %eq3A_613 : vector<8x128xf32>
      %broadcast_in_dim3A_615 = vector.broadcast %scan3A : i32 to vector<8x128xi32>
      %select_n3A_616 = arith.select %eq3A_614, %add3A, %broadcast_in_dim3A_615 : vector<8x128xi1>, vector<8x128xi32>
      %reduce_min3A_617 = vector.shape_cast %select_n3A_616 : vector<8x128xi32> to vector<1x8x128xi32>
      %reduce_min3A_618 = arith.constant dense<2147483647> : vector<1xi32>
      %reduce_min3A_619 = vector.multi_reduction <minsi>, %reduce_min3A_617, %reduce_min3A_618 [1, 2] : vector<1x8x128xi32> to vector<1xi32>
      %reduce_min3A_620 = vector.shape_cast %reduce_min3A_619 : vector<1xi32> to vector<1x1x1xi32>
      %reduce_min3A_621 = vector.extract %reduce_min3A_620[0, 0, 0] : i32 from vector<1x1x1xi32>
      %add3A_622 = arith.constant 1024 : i32
      %add3A_623 = arith.addi %add3A_622, %reduce_min3A_442 : i32
      %mul3A_624 = arith.constant 3 : i32
      %mul3A_625 = arith.muli %add3A_623, %mul3A_624 : i32
      %get3A_626 = arith.index_cast %mul3A_625 : i32 to index
      %get3A_627 = memref.load %arg1[%get3A_626] : memref<12288xf32, #tpu.memory_space<smem>>
      %add3A_628 = arith.constant 1 : i32
      %add3A_629 = arith.addi %mul3A_625, %add3A_628 : i32
      %get3A_630 = arith.index_cast %add3A_629 : i32 to index
      %get3A_631 = memref.load %arg1[%get3A_630] : memref<12288xf32, #tpu.memory_space<smem>>
      %add3A_632 = arith.constant 2 : i32
      %add3A_633 = arith.addi %mul3A_625, %add3A_632 : i32
      %get3A_634 = arith.index_cast %add3A_633 : i32 to index
      %get3A_635 = memref.load %arg1[%get3A_634] : memref<12288xf32, #tpu.memory_space<smem>>
      %mul3A_636 = arith.constant 3 : i32
      %mul3A_637 = arith.muli %scan3A_562, %mul3A_636 : i32
      %swap3A_638 = arith.constant 1 : index
      %swap3A_639 = arith.index_cast %mul3A_637 : i32 to index
      %swap3A_640 = memref.load %arg2[%swap3A_638, %swap3A_639] : memref<4x768xf32, #tpu.memory_space<smem>>
      memref.store %get3A_627, %arg2[%swap3A_638, %swap3A_639] : memref<4x768xf32, #tpu.memory_space<smem>>
      %mul3A_641 = arith.constant 3 : i32
      %mul3A_642 = arith.muli %scan3A_562, %mul3A_641 : i32
      %add3A_643 = arith.constant 1 : i32
      %add3A_644 = arith.addi %mul3A_642, %add3A_643 : i32
      %swap3A_645 = arith.constant 1 : index
      %swap3A_646 = arith.index_cast %add3A_644 : i32 to index
      %swap3A_647 = memref.load %arg2[%swap3A_645, %swap3A_646] : memref<4x768xf32, #tpu.memory_space<smem>>
      memref.store %get3A_631, %arg2[%swap3A_645, %swap3A_646] : memref<4x768xf32, #tpu.memory_space<smem>>
      %mul3A_648 = arith.constant 3 : i32
      %mul3A_649 = arith.muli %scan3A_562, %mul3A_648 : i32
      %add3A_650 = arith.constant 2 : i32
      %add3A_651 = arith.addi %mul3A_649, %add3A_650 : i32
      %swap3A_652 = arith.constant 1 : index
      %swap3A_653 = arith.index_cast %add3A_651 : i32 to index
      %swap3A_654 = memref.load %arg2[%swap3A_652, %swap3A_653] : memref<4x768xf32, #tpu.memory_space<smem>>
      memref.store %get3A_635, %arg2[%swap3A_652, %swap3A_653] : memref<4x768xf32, #tpu.memory_space<smem>>
      %sub3A_655 = vector.broadcast %get3A_627 : f32 to vector<8x128xf32>
      %sub3A_656 = arith.subf %get3A_25, %sub3A_655 : vector<8x128xf32>
      %sub3A_657 = vector.broadcast %get3A_631 : f32 to vector<8x128xf32>
      %sub3A_658 = arith.subf %get3A_31, %sub3A_657 : vector<8x128xf32>
      %sub3A_659 = vector.broadcast %get3A_635 : f32 to vector<8x128xf32>
      %sub3A_660 = arith.subf %get3A_37, %sub3A_659 : vector<8x128xf32>
      %mul3A_661 = arith.mulf %sub3A_656, %sub3A_656 : vector<8x128xf32>
      %mul3A_662 = arith.mulf %sub3A_658, %sub3A_658 : vector<8x128xf32>
      %add3A_663 = arith.addf %mul3A_661, %mul3A_662 : vector<8x128xf32>
      %mul3A_664 = arith.mulf %sub3A_660, %sub3A_660 : vector<8x128xf32>
      %add3A_665 = arith.addf %add3A_663, %mul3A_664 : vector<8x128xf32>
      %min3A_666 = arith.minimumf %min3A_428, %add3A_665 : vector<8x128xf32>
      %reduce_max3A_667 = vector.shape_cast %min3A_666 : vector<8x128xf32> to vector<1x8x128xf32>
      %reduce_max3A_668 = arith.constant dense<0xFF800000> : vector<1xf32>
      %reduce_max3A_669 = vector.multi_reduction <maximumf>, %reduce_max3A_667, %reduce_max3A_668 [1, 2] : vector<1x8x128xf32> to vector<1xf32>
      %reduce_max3A_670 = vector.shape_cast %reduce_max3A_669 : vector<1xf32> to vector<1x1x1xf32>
      %reduce_max3A_671 = vector.extract %reduce_max3A_670[0, 0, 0] : f32 from vector<1x1x1xf32>
      %eq3A_672 = vector.broadcast %reduce_max3A_671 : f32 to vector<8x128xf32>
      %eq3A_673 = arith.cmpf oeq, %min3A_666, %eq3A_672 : vector<8x128xf32>
      %broadcast_in_dim3A_674 = vector.broadcast %scan3A : i32 to vector<8x128xi32>
      %select_n3A_675 = arith.select %eq3A_673, %add3A, %broadcast_in_dim3A_674 : vector<8x128xi1>, vector<8x128xi32>
      %reduce_min3A_676 = vector.shape_cast %select_n3A_675 : vector<8x128xi32> to vector<1x8x128xi32>
      %reduce_min3A_677 = arith.constant dense<2147483647> : vector<1xi32>
      %reduce_min3A_678 = vector.multi_reduction <minsi>, %reduce_min3A_676, %reduce_min3A_677 [1, 2] : vector<1x8x128xi32> to vector<1xi32>
      %reduce_min3A_679 = vector.shape_cast %reduce_min3A_678 : vector<1xi32> to vector<1x1x1xi32>
      %reduce_min3A_680 = vector.extract %reduce_min3A_679[0, 0, 0] : i32 from vector<1x1x1xi32>
      %add3A_681 = arith.constant 2048 : i32
      %add3A_682 = arith.addi %add3A_681, %reduce_min3A_501 : i32
      %mul3A_683 = arith.constant 3 : i32
      %mul3A_684 = arith.muli %add3A_682, %mul3A_683 : i32
      %get3A_685 = arith.index_cast %mul3A_684 : i32 to index
      %get3A_686 = memref.load %arg1[%get3A_685] : memref<12288xf32, #tpu.memory_space<smem>>
      %add3A_687 = arith.constant 1 : i32
      %add3A_688 = arith.addi %mul3A_684, %add3A_687 : i32
      %get3A_689 = arith.index_cast %add3A_688 : i32 to index
      %get3A_690 = memref.load %arg1[%get3A_689] : memref<12288xf32, #tpu.memory_space<smem>>
      %add3A_691 = arith.constant 2 : i32
      %add3A_692 = arith.addi %mul3A_684, %add3A_691 : i32
      %get3A_693 = arith.index_cast %add3A_692 : i32 to index
      %get3A_694 = memref.load %arg1[%get3A_693] : memref<12288xf32, #tpu.memory_space<smem>>
      %mul3A_695 = arith.constant 3 : i32
      %mul3A_696 = arith.muli %scan3A_562, %mul3A_695 : i32
      %swap3A_697 = arith.constant 2 : index
      %swap3A_698 = arith.index_cast %mul3A_696 : i32 to index
      %swap3A_699 = memref.load %arg2[%swap3A_697, %swap3A_698] : memref<4x768xf32, #tpu.memory_space<smem>>
      memref.store %get3A_686, %arg2[%swap3A_697, %swap3A_698] : memref<4x768xf32, #tpu.memory_space<smem>>
      %mul3A_700 = arith.constant 3 : i32
      %mul3A_701 = arith.muli %scan3A_562, %mul3A_700 : i32
      %add3A_702 = arith.constant 1 : i32
      %add3A_703 = arith.addi %mul3A_701, %add3A_702 : i32
      %swap3A_704 = arith.constant 2 : index
      %swap3A_705 = arith.index_cast %add3A_703 : i32 to index
      %swap3A_706 = memref.load %arg2[%swap3A_704, %swap3A_705] : memref<4x768xf32, #tpu.memory_space<smem>>
      memref.store %get3A_690, %arg2[%swap3A_704, %swap3A_705] : memref<4x768xf32, #tpu.memory_space<smem>>
      %mul3A_707 = arith.constant 3 : i32
      %mul3A_708 = arith.muli %scan3A_562, %mul3A_707 : i32
      %add3A_709 = arith.constant 2 : i32
      %add3A_710 = arith.addi %mul3A_708, %add3A_709 : i32
      %swap3A_711 = arith.constant 2 : index
      %swap3A_712 = arith.index_cast %add3A_710 : i32 to index
      %swap3A_713 = memref.load %arg2[%swap3A_711, %swap3A_712] : memref<4x768xf32, #tpu.memory_space<smem>>
      memref.store %get3A_694, %arg2[%swap3A_711, %swap3A_712] : memref<4x768xf32, #tpu.memory_space<smem>>
      %sub3A_714 = vector.broadcast %get3A_686 : f32 to vector<8x128xf32>
      %sub3A_715 = arith.subf %get3A_43, %sub3A_714 : vector<8x128xf32>
      %sub3A_716 = vector.broadcast %get3A_690 : f32 to vector<8x128xf32>
      %sub3A_717 = arith.subf %get3A_49, %sub3A_716 : vector<8x128xf32>
      %sub3A_718 = vector.broadcast %get3A_694 : f32 to vector<8x128xf32>
      %sub3A_719 = arith.subf %get3A_55, %sub3A_718 : vector<8x128xf32>
      %mul3A_720 = arith.mulf %sub3A_715, %sub3A_715 : vector<8x128xf32>
      %mul3A_721 = arith.mulf %sub3A_717, %sub3A_717 : vector<8x128xf32>
      %add3A_722 = arith.addf %mul3A_720, %mul3A_721 : vector<8x128xf32>
      %mul3A_723 = arith.mulf %sub3A_719, %sub3A_719 : vector<8x128xf32>
      %add3A_724 = arith.addf %add3A_722, %mul3A_723 : vector<8x128xf32>
      %min3A_725 = arith.minimumf %min3A_487, %add3A_724 : vector<8x128xf32>
      %reduce_max3A_726 = vector.shape_cast %min3A_725 : vector<8x128xf32> to vector<1x8x128xf32>
      %reduce_max3A_727 = arith.constant dense<0xFF800000> : vector<1xf32>
      %reduce_max3A_728 = vector.multi_reduction <maximumf>, %reduce_max3A_726, %reduce_max3A_727 [1, 2] : vector<1x8x128xf32> to vector<1xf32>
      %reduce_max3A_729 = vector.shape_cast %reduce_max3A_728 : vector<1xf32> to vector<1x1x1xf32>
      %reduce_max3A_730 = vector.extract %reduce_max3A_729[0, 0, 0] : f32 from vector<1x1x1xf32>
      %eq3A_731 = vector.broadcast %reduce_max3A_730 : f32 to vector<8x128xf32>
      %eq3A_732 = arith.cmpf oeq, %min3A_725, %eq3A_731 : vector<8x128xf32>
      %broadcast_in_dim3A_733 = vector.broadcast %scan3A : i32 to vector<8x128xi32>
      %select_n3A_734 = arith.select %eq3A_732, %add3A, %broadcast_in_dim3A_733 : vector<8x128xi1>, vector<8x128xi32>
      %reduce_min3A_735 = vector.shape_cast %select_n3A_734 : vector<8x128xi32> to vector<1x8x128xi32>
      %reduce_min3A_736 = arith.constant dense<2147483647> : vector<1xi32>
      %reduce_min3A_737 = vector.multi_reduction <minsi>, %reduce_min3A_735, %reduce_min3A_736 [1, 2] : vector<1x8x128xi32> to vector<1xi32>
      %reduce_min3A_738 = vector.shape_cast %reduce_min3A_737 : vector<1xi32> to vector<1x1x1xi32>
      %reduce_min3A_739 = vector.extract %reduce_min3A_738[0, 0, 0] : i32 from vector<1x1x1xi32>
      %add3A_740 = arith.constant 3072 : i32
      %add3A_741 = arith.addi %add3A_740, %reduce_min3A_560 : i32
      %mul3A_742 = arith.constant 3 : i32
      %mul3A_743 = arith.muli %add3A_741, %mul3A_742 : i32
      %get3A_744 = arith.index_cast %mul3A_743 : i32 to index
      %get3A_745 = memref.load %arg1[%get3A_744] : memref<12288xf32, #tpu.memory_space<smem>>
      %add3A_746 = arith.constant 1 : i32
      %add3A_747 = arith.addi %mul3A_743, %add3A_746 : i32
      %get3A_748 = arith.index_cast %add3A_747 : i32 to index
      %get3A_749 = memref.load %arg1[%get3A_748] : memref<12288xf32, #tpu.memory_space<smem>>
      %add3A_750 = arith.constant 2 : i32
      %add3A_751 = arith.addi %mul3A_743, %add3A_750 : i32
      %get3A_752 = arith.index_cast %add3A_751 : i32 to index
      %get3A_753 = memref.load %arg1[%get3A_752] : memref<12288xf32, #tpu.memory_space<smem>>
      %mul3A_754 = arith.constant 3 : i32
      %mul3A_755 = arith.muli %scan3A_562, %mul3A_754 : i32
      %swap3A_756 = arith.constant 3 : index
      %swap3A_757 = arith.index_cast %mul3A_755 : i32 to index
      %swap3A_758 = memref.load %arg2[%swap3A_756, %swap3A_757] : memref<4x768xf32, #tpu.memory_space<smem>>
      memref.store %get3A_745, %arg2[%swap3A_756, %swap3A_757] : memref<4x768xf32, #tpu.memory_space<smem>>
      %mul3A_759 = arith.constant 3 : i32
      %mul3A_760 = arith.muli %scan3A_562, %mul3A_759 : i32
      %add3A_761 = arith.constant 1 : i32
      %add3A_762 = arith.addi %mul3A_760, %add3A_761 : i32
      %swap3A_763 = arith.constant 3 : index
      %swap3A_764 = arith.index_cast %add3A_762 : i32 to index
      %swap3A_765 = memref.load %arg2[%swap3A_763, %swap3A_764] : memref<4x768xf32, #tpu.memory_space<smem>>
      memref.store %get3A_749, %arg2[%swap3A_763, %swap3A_764] : memref<4x768xf32, #tpu.memory_space<smem>>
      %mul3A_766 = arith.constant 3 : i32
      %mul3A_767 = arith.muli %scan3A_562, %mul3A_766 : i32
      %add3A_768 = arith.constant 2 : i32
      %add3A_769 = arith.addi %mul3A_767, %add3A_768 : i32
      %swap3A_770 = arith.constant 3 : index
      %swap3A_771 = arith.index_cast %add3A_769 : i32 to index
      %swap3A_772 = memref.load %arg2[%swap3A_770, %swap3A_771] : memref<4x768xf32, #tpu.memory_space<smem>>
      memref.store %get3A_753, %arg2[%swap3A_770, %swap3A_771] : memref<4x768xf32, #tpu.memory_space<smem>>
      %sub3A_773 = vector.broadcast %get3A_745 : f32 to vector<8x128xf32>
      %sub3A_774 = arith.subf %get3A_61, %sub3A_773 : vector<8x128xf32>
      %sub3A_775 = vector.broadcast %get3A_749 : f32 to vector<8x128xf32>
      %sub3A_776 = arith.subf %get3A_67, %sub3A_775 : vector<8x128xf32>
      %sub3A_777 = vector.broadcast %get3A_753 : f32 to vector<8x128xf32>
      %sub3A_778 = arith.subf %get3A_73, %sub3A_777 : vector<8x128xf32>
      %mul3A_779 = arith.mulf %sub3A_774, %sub3A_774 : vector<8x128xf32>
      %mul3A_780 = arith.mulf %sub3A_776, %sub3A_776 : vector<8x128xf32>
      %add3A_781 = arith.addf %mul3A_779, %mul3A_780 : vector<8x128xf32>
      %mul3A_782 = arith.mulf %sub3A_778, %sub3A_778 : vector<8x128xf32>
      %add3A_783 = arith.addf %add3A_781, %mul3A_782 : vector<8x128xf32>
      %min3A_784 = arith.minimumf %min3A_546, %add3A_783 : vector<8x128xf32>
      %reduce_max3A_785 = vector.shape_cast %min3A_784 : vector<8x128xf32> to vector<1x8x128xf32>
      %reduce_max3A_786 = arith.constant dense<0xFF800000> : vector<1xf32>
      %reduce_max3A_787 = vector.multi_reduction <maximumf>, %reduce_max3A_785, %reduce_max3A_786 [1, 2] : vector<1x8x128xf32> to vector<1xf32>
      %reduce_max3A_788 = vector.shape_cast %reduce_max3A_787 : vector<1xf32> to vector<1x1x1xf32>
      %reduce_max3A_789 = vector.extract %reduce_max3A_788[0, 0, 0] : f32 from vector<1x1x1xf32>
      %eq3A_790 = vector.broadcast %reduce_max3A_789 : f32 to vector<8x128xf32>
      %eq3A_791 = arith.cmpf oeq, %min3A_784, %eq3A_790 : vector<8x128xf32>
      %broadcast_in_dim3A_792 = vector.broadcast %scan3A : i32 to vector<8x128xi32>
      %select_n3A_793 = arith.select %eq3A_791, %add3A, %broadcast_in_dim3A_792 : vector<8x128xi1>, vector<8x128xi32>
      %reduce_min3A_794 = vector.shape_cast %select_n3A_793 : vector<8x128xi32> to vector<1x8x128xi32>
      %reduce_min3A_795 = arith.constant dense<2147483647> : vector<1xi32>
      %reduce_min3A_796 = vector.multi_reduction <minsi>, %reduce_min3A_794, %reduce_min3A_795 [1, 2] : vector<1x8x128xi32> to vector<1xi32>
      %reduce_min3A_797 = vector.shape_cast %reduce_min3A_796 : vector<1xi32> to vector<1x1x1xi32>
      %reduce_min3A_798 = vector.extract %reduce_min3A_797[0, 0, 0] : i32 from vector<1x1x1xi32>
      %scan3A_799 = arith.constant 3 : i32
      %scan3A_800 = arith.addi %scan3A_85, %scan3A_799 : i32
      %add3A_801 = arith.constant 0 : i32
      %add3A_802 = arith.addi %add3A_801, %reduce_min3A_621 : i32
      %mul3A_803 = arith.constant 3 : i32
      %mul3A_804 = arith.muli %add3A_802, %mul3A_803 : i32
      %get3A_805 = arith.index_cast %mul3A_804 : i32 to index
      %get3A_806 = memref.load %arg1[%get3A_805] : memref<12288xf32, #tpu.memory_space<smem>>
      %add3A_807 = arith.constant 1 : i32
      %add3A_808 = arith.addi %mul3A_804, %add3A_807 : i32
      %get3A_809 = arith.index_cast %add3A_808 : i32 to index
      %get3A_810 = memref.load %arg1[%get3A_809] : memref<12288xf32, #tpu.memory_space<smem>>
      %add3A_811 = arith.constant 2 : i32
      %add3A_812 = arith.addi %mul3A_804, %add3A_811 : i32
      %get3A_813 = arith.index_cast %add3A_812 : i32 to index
      %get3A_814 = memref.load %arg1[%get3A_813] : memref<12288xf32, #tpu.memory_space<smem>>
      %mul3A_815 = arith.constant 3 : i32
      %mul3A_816 = arith.muli %scan3A_800, %mul3A_815 : i32
      %swap3A_817 = arith.constant 0 : index
      %swap3A_818 = arith.index_cast %mul3A_816 : i32 to index
      %swap3A_819 = memref.load %arg2[%swap3A_817, %swap3A_818] : memref<4x768xf32, #tpu.memory_space<smem>>
      memref.store %get3A_806, %arg2[%swap3A_817, %swap3A_818] : memref<4x768xf32, #tpu.memory_space<smem>>
      %mul3A_820 = arith.constant 3 : i32
      %mul3A_821 = arith.muli %scan3A_800, %mul3A_820 : i32
      %add3A_822 = arith.constant 1 : i32
      %add3A_823 = arith.addi %mul3A_821, %add3A_822 : i32
      %swap3A_824 = arith.constant 0 : index
      %swap3A_825 = arith.index_cast %add3A_823 : i32 to index
      %swap3A_826 = memref.load %arg2[%swap3A_824, %swap3A_825] : memref<4x768xf32, #tpu.memory_space<smem>>
      memref.store %get3A_810, %arg2[%swap3A_824, %swap3A_825] : memref<4x768xf32, #tpu.memory_space<smem>>
      %mul3A_827 = arith.constant 3 : i32
      %mul3A_828 = arith.muli %scan3A_800, %mul3A_827 : i32
      %add3A_829 = arith.constant 2 : i32
      %add3A_830 = arith.addi %mul3A_828, %add3A_829 : i32
      %swap3A_831 = arith.constant 0 : index
      %swap3A_832 = arith.index_cast %add3A_830 : i32 to index
      %swap3A_833 = memref.load %arg2[%swap3A_831, %swap3A_832] : memref<4x768xf32, #tpu.memory_space<smem>>
      memref.store %get3A_814, %arg2[%swap3A_831, %swap3A_832] : memref<4x768xf32, #tpu.memory_space<smem>>
      %sub3A_834 = vector.broadcast %get3A_806 : f32 to vector<8x128xf32>
      %sub3A_835 = arith.subf %get3A_7, %sub3A_834 : vector<8x128xf32>
      %sub3A_836 = vector.broadcast %get3A_810 : f32 to vector<8x128xf32>
      %sub3A_837 = arith.subf %get3A_13, %sub3A_836 : vector<8x128xf32>
      %sub3A_838 = vector.broadcast %get3A_814 : f32 to vector<8x128xf32>
      %sub3A_839 = arith.subf %get3A_19, %sub3A_838 : vector<8x128xf32>
      %mul3A_840 = arith.mulf %sub3A_835, %sub3A_835 : vector<8x128xf32>
      %mul3A_841 = arith.mulf %sub3A_837, %sub3A_837 : vector<8x128xf32>
      %add3A_842 = arith.addf %mul3A_840, %mul3A_841 : vector<8x128xf32>
      %mul3A_843 = arith.mulf %sub3A_839, %sub3A_839 : vector<8x128xf32>
      %add3A_844 = arith.addf %add3A_842, %mul3A_843 : vector<8x128xf32>
      %min3A_845 = arith.minimumf %min3A_607, %add3A_844 : vector<8x128xf32>
      %reduce_max3A_846 = vector.shape_cast %min3A_845 : vector<8x128xf32> to vector<1x8x128xf32>
      %reduce_max3A_847 = arith.constant dense<0xFF800000> : vector<1xf32>
      %reduce_max3A_848 = vector.multi_reduction <maximumf>, %reduce_max3A_846, %reduce_max3A_847 [1, 2] : vector<1x8x128xf32> to vector<1xf32>
      %reduce_max3A_849 = vector.shape_cast %reduce_max3A_848 : vector<1xf32> to vector<1x1x1xf32>
      %reduce_max3A_850 = vector.extract %reduce_max3A_849[0, 0, 0] : f32 from vector<1x1x1xf32>
      %eq3A_851 = vector.broadcast %reduce_max3A_850 : f32 to vector<8x128xf32>
      %eq3A_852 = arith.cmpf oeq, %min3A_845, %eq3A_851 : vector<8x128xf32>
      %broadcast_in_dim3A_853 = vector.broadcast %scan3A : i32 to vector<8x128xi32>
      %select_n3A_854 = arith.select %eq3A_852, %add3A, %broadcast_in_dim3A_853 : vector<8x128xi1>, vector<8x128xi32>
      %reduce_min3A_855 = vector.shape_cast %select_n3A_854 : vector<8x128xi32> to vector<1x8x128xi32>
      %reduce_min3A_856 = arith.constant dense<2147483647> : vector<1xi32>
      %reduce_min3A_857 = vector.multi_reduction <minsi>, %reduce_min3A_855, %reduce_min3A_856 [1, 2] : vector<1x8x128xi32> to vector<1xi32>
      %reduce_min3A_858 = vector.shape_cast %reduce_min3A_857 : vector<1xi32> to vector<1x1x1xi32>
      %reduce_min3A_859 = vector.extract %reduce_min3A_858[0, 0, 0] : i32 from vector<1x1x1xi32>
      %add3A_860 = arith.constant 1024 : i32
      %add3A_861 = arith.addi %add3A_860, %reduce_min3A_680 : i32
      %mul3A_862 = arith.constant 3 : i32
      %mul3A_863 = arith.muli %add3A_861, %mul3A_862 : i32
      %get3A_864 = arith.index_cast %mul3A_863 : i32 to index
      %get3A_865 = memref.load %arg1[%get3A_864] : memref<12288xf32, #tpu.memory_space<smem>>
      %add3A_866 = arith.constant 1 : i32
      %add3A_867 = arith.addi %mul3A_863, %add3A_866 : i32
      %get3A_868 = arith.index_cast %add3A_867 : i32 to index
      %get3A_869 = memref.load %arg1[%get3A_868] : memref<12288xf32, #tpu.memory_space<smem>>
      %add3A_870 = arith.constant 2 : i32
      %add3A_871 = arith.addi %mul3A_863, %add3A_870 : i32
      %get3A_872 = arith.index_cast %add3A_871 : i32 to index
      %get3A_873 = memref.load %arg1[%get3A_872] : memref<12288xf32, #tpu.memory_space<smem>>
      %mul3A_874 = arith.constant 3 : i32
      %mul3A_875 = arith.muli %scan3A_800, %mul3A_874 : i32
      %swap3A_876 = arith.constant 1 : index
      %swap3A_877 = arith.index_cast %mul3A_875 : i32 to index
      %swap3A_878 = memref.load %arg2[%swap3A_876, %swap3A_877] : memref<4x768xf32, #tpu.memory_space<smem>>
      memref.store %get3A_865, %arg2[%swap3A_876, %swap3A_877] : memref<4x768xf32, #tpu.memory_space<smem>>
      %mul3A_879 = arith.constant 3 : i32
      %mul3A_880 = arith.muli %scan3A_800, %mul3A_879 : i32
      %add3A_881 = arith.constant 1 : i32
      %add3A_882 = arith.addi %mul3A_880, %add3A_881 : i32
      %swap3A_883 = arith.constant 1 : index
      %swap3A_884 = arith.index_cast %add3A_882 : i32 to index
      %swap3A_885 = memref.load %arg2[%swap3A_883, %swap3A_884] : memref<4x768xf32, #tpu.memory_space<smem>>
      memref.store %get3A_869, %arg2[%swap3A_883, %swap3A_884] : memref<4x768xf32, #tpu.memory_space<smem>>
      %mul3A_886 = arith.constant 3 : i32
      %mul3A_887 = arith.muli %scan3A_800, %mul3A_886 : i32
      %add3A_888 = arith.constant 2 : i32
      %add3A_889 = arith.addi %mul3A_887, %add3A_888 : i32
      %swap3A_890 = arith.constant 1 : index
      %swap3A_891 = arith.index_cast %add3A_889 : i32 to index
      %swap3A_892 = memref.load %arg2[%swap3A_890, %swap3A_891] : memref<4x768xf32, #tpu.memory_space<smem>>
      memref.store %get3A_873, %arg2[%swap3A_890, %swap3A_891] : memref<4x768xf32, #tpu.memory_space<smem>>
      %sub3A_893 = vector.broadcast %get3A_865 : f32 to vector<8x128xf32>
      %sub3A_894 = arith.subf %get3A_25, %sub3A_893 : vector<8x128xf32>
      %sub3A_895 = vector.broadcast %get3A_869 : f32 to vector<8x128xf32>
      %sub3A_896 = arith.subf %get3A_31, %sub3A_895 : vector<8x128xf32>
      %sub3A_897 = vector.broadcast %get3A_873 : f32 to vector<8x128xf32>
      %sub3A_898 = arith.subf %get3A_37, %sub3A_897 : vector<8x128xf32>
      %mul3A_899 = arith.mulf %sub3A_894, %sub3A_894 : vector<8x128xf32>
      %mul3A_900 = arith.mulf %sub3A_896, %sub3A_896 : vector<8x128xf32>
      %add3A_901 = arith.addf %mul3A_899, %mul3A_900 : vector<8x128xf32>
      %mul3A_902 = arith.mulf %sub3A_898, %sub3A_898 : vector<8x128xf32>
      %add3A_903 = arith.addf %add3A_901, %mul3A_902 : vector<8x128xf32>
      %min3A_904 = arith.minimumf %min3A_666, %add3A_903 : vector<8x128xf32>
      %reduce_max3A_905 = vector.shape_cast %min3A_904 : vector<8x128xf32> to vector<1x8x128xf32>
      %reduce_max3A_906 = arith.constant dense<0xFF800000> : vector<1xf32>
      %reduce_max3A_907 = vector.multi_reduction <maximumf>, %reduce_max3A_905, %reduce_max3A_906 [1, 2] : vector<1x8x128xf32> to vector<1xf32>
      %reduce_max3A_908 = vector.shape_cast %reduce_max3A_907 : vector<1xf32> to vector<1x1x1xf32>
      %reduce_max3A_909 = vector.extract %reduce_max3A_908[0, 0, 0] : f32 from vector<1x1x1xf32>
      %eq3A_910 = vector.broadcast %reduce_max3A_909 : f32 to vector<8x128xf32>
      %eq3A_911 = arith.cmpf oeq, %min3A_904, %eq3A_910 : vector<8x128xf32>
      %broadcast_in_dim3A_912 = vector.broadcast %scan3A : i32 to vector<8x128xi32>
      %select_n3A_913 = arith.select %eq3A_911, %add3A, %broadcast_in_dim3A_912 : vector<8x128xi1>, vector<8x128xi32>
      %reduce_min3A_914 = vector.shape_cast %select_n3A_913 : vector<8x128xi32> to vector<1x8x128xi32>
      %reduce_min3A_915 = arith.constant dense<2147483647> : vector<1xi32>
      %reduce_min3A_916 = vector.multi_reduction <minsi>, %reduce_min3A_914, %reduce_min3A_915 [1, 2] : vector<1x8x128xi32> to vector<1xi32>
      %reduce_min3A_917 = vector.shape_cast %reduce_min3A_916 : vector<1xi32> to vector<1x1x1xi32>
      %reduce_min3A_918 = vector.extract %reduce_min3A_917[0, 0, 0] : i32 from vector<1x1x1xi32>
      %add3A_919 = arith.constant 2048 : i32
      %add3A_920 = arith.addi %add3A_919, %reduce_min3A_739 : i32
      %mul3A_921 = arith.constant 3 : i32
      %mul3A_922 = arith.muli %add3A_920, %mul3A_921 : i32
      %get3A_923 = arith.index_cast %mul3A_922 : i32 to index
      %get3A_924 = memref.load %arg1[%get3A_923] : memref<12288xf32, #tpu.memory_space<smem>>
      %add3A_925 = arith.constant 1 : i32
      %add3A_926 = arith.addi %mul3A_922, %add3A_925 : i32
      %get3A_927 = arith.index_cast %add3A_926 : i32 to index
      %get3A_928 = memref.load %arg1[%get3A_927] : memref<12288xf32, #tpu.memory_space<smem>>
      %add3A_929 = arith.constant 2 : i32
      %add3A_930 = arith.addi %mul3A_922, %add3A_929 : i32
      %get3A_931 = arith.index_cast %add3A_930 : i32 to index
      %get3A_932 = memref.load %arg1[%get3A_931] : memref<12288xf32, #tpu.memory_space<smem>>
      %mul3A_933 = arith.constant 3 : i32
      %mul3A_934 = arith.muli %scan3A_800, %mul3A_933 : i32
      %swap3A_935 = arith.constant 2 : index
      %swap3A_936 = arith.index_cast %mul3A_934 : i32 to index
      %swap3A_937 = memref.load %arg2[%swap3A_935, %swap3A_936] : memref<4x768xf32, #tpu.memory_space<smem>>
      memref.store %get3A_924, %arg2[%swap3A_935, %swap3A_936] : memref<4x768xf32, #tpu.memory_space<smem>>
      %mul3A_938 = arith.constant 3 : i32
      %mul3A_939 = arith.muli %scan3A_800, %mul3A_938 : i32
      %add3A_940 = arith.constant 1 : i32
      %add3A_941 = arith.addi %mul3A_939, %add3A_940 : i32
      %swap3A_942 = arith.constant 2 : index
      %swap3A_943 = arith.index_cast %add3A_941 : i32 to index
      %swap3A_944 = memref.load %arg2[%swap3A_942, %swap3A_943] : memref<4x768xf32, #tpu.memory_space<smem>>
      memref.store %get3A_928, %arg2[%swap3A_942, %swap3A_943] : memref<4x768xf32, #tpu.memory_space<smem>>
      %mul3A_945 = arith.constant 3 : i32
      %mul3A_946 = arith.muli %scan3A_800, %mul3A_945 : i32
      %add3A_947 = arith.constant 2 : i32
      %add3A_948 = arith.addi %mul3A_946, %add3A_947 : i32
      %swap3A_949 = arith.constant 2 : index
      %swap3A_950 = arith.index_cast %add3A_948 : i32 to index
      %swap3A_951 = memref.load %arg2[%swap3A_949, %swap3A_950] : memref<4x768xf32, #tpu.memory_space<smem>>
      memref.store %get3A_932, %arg2[%swap3A_949, %swap3A_950] : memref<4x768xf32, #tpu.memory_space<smem>>
      %sub3A_952 = vector.broadcast %get3A_924 : f32 to vector<8x128xf32>
      %sub3A_953 = arith.subf %get3A_43, %sub3A_952 : vector<8x128xf32>
      %sub3A_954 = vector.broadcast %get3A_928 : f32 to vector<8x128xf32>
      %sub3A_955 = arith.subf %get3A_49, %sub3A_954 : vector<8x128xf32>
      %sub3A_956 = vector.broadcast %get3A_932 : f32 to vector<8x128xf32>
      %sub3A_957 = arith.subf %get3A_55, %sub3A_956 : vector<8x128xf32>
      %mul3A_958 = arith.mulf %sub3A_953, %sub3A_953 : vector<8x128xf32>
      %mul3A_959 = arith.mulf %sub3A_955, %sub3A_955 : vector<8x128xf32>
      %add3A_960 = arith.addf %mul3A_958, %mul3A_959 : vector<8x128xf32>
      %mul3A_961 = arith.mulf %sub3A_957, %sub3A_957 : vector<8x128xf32>
      %add3A_962 = arith.addf %add3A_960, %mul3A_961 : vector<8x128xf32>
      %min3A_963 = arith.minimumf %min3A_725, %add3A_962 : vector<8x128xf32>
      %reduce_max3A_964 = vector.shape_cast %min3A_963 : vector<8x128xf32> to vector<1x8x128xf32>
      %reduce_max3A_965 = arith.constant dense<0xFF800000> : vector<1xf32>
      %reduce_max3A_966 = vector.multi_reduction <maximumf>, %reduce_max3A_964, %reduce_max3A_965 [1, 2] : vector<1x8x128xf32> to vector<1xf32>
      %reduce_max3A_967 = vector.shape_cast %reduce_max3A_966 : vector<1xf32> to vector<1x1x1xf32>
      %reduce_max3A_968 = vector.extract %reduce_max3A_967[0, 0, 0] : f32 from vector<1x1x1xf32>
      %eq3A_969 = vector.broadcast %reduce_max3A_968 : f32 to vector<8x128xf32>
      %eq3A_970 = arith.cmpf oeq, %min3A_963, %eq3A_969 : vector<8x128xf32>
      %broadcast_in_dim3A_971 = vector.broadcast %scan3A : i32 to vector<8x128xi32>
      %select_n3A_972 = arith.select %eq3A_970, %add3A, %broadcast_in_dim3A_971 : vector<8x128xi1>, vector<8x128xi32>
      %reduce_min3A_973 = vector.shape_cast %select_n3A_972 : vector<8x128xi32> to vector<1x8x128xi32>
      %reduce_min3A_974 = arith.constant dense<2147483647> : vector<1xi32>
      %reduce_min3A_975 = vector.multi_reduction <minsi>, %reduce_min3A_973, %reduce_min3A_974 [1, 2] : vector<1x8x128xi32> to vector<1xi32>
      %reduce_min3A_976 = vector.shape_cast %reduce_min3A_975 : vector<1xi32> to vector<1x1x1xi32>
      %reduce_min3A_977 = vector.extract %reduce_min3A_976[0, 0, 0] : i32 from vector<1x1x1xi32>
      %add3A_978 = arith.constant 3072 : i32
      %add3A_979 = arith.addi %add3A_978, %reduce_min3A_798 : i32
      %mul3A_980 = arith.constant 3 : i32
      %mul3A_981 = arith.muli %add3A_979, %mul3A_980 : i32
      %get3A_982 = arith.index_cast %mul3A_981 : i32 to index
      %get3A_983 = memref.load %arg1[%get3A_982] : memref<12288xf32, #tpu.memory_space<smem>>
      %add3A_984 = arith.constant 1 : i32
      %add3A_985 = arith.addi %mul3A_981, %add3A_984 : i32
      %get3A_986 = arith.index_cast %add3A_985 : i32 to index
      %get3A_987 = memref.load %arg1[%get3A_986] : memref<12288xf32, #tpu.memory_space<smem>>
      %add3A_988 = arith.constant 2 : i32
      %add3A_989 = arith.addi %mul3A_981, %add3A_988 : i32
      %get3A_990 = arith.index_cast %add3A_989 : i32 to index
      %get3A_991 = memref.load %arg1[%get3A_990] : memref<12288xf32, #tpu.memory_space<smem>>
      %mul3A_992 = arith.constant 3 : i32
      %mul3A_993 = arith.muli %scan3A_800, %mul3A_992 : i32
      %swap3A_994 = arith.constant 3 : index
      %swap3A_995 = arith.index_cast %mul3A_993 : i32 to index
      %swap3A_996 = memref.load %arg2[%swap3A_994, %swap3A_995] : memref<4x768xf32, #tpu.memory_space<smem>>
      memref.store %get3A_983, %arg2[%swap3A_994, %swap3A_995] : memref<4x768xf32, #tpu.memory_space<smem>>
      %mul3A_997 = arith.constant 3 : i32
      %mul3A_998 = arith.muli %scan3A_800, %mul3A_997 : i32
      %add3A_999 = arith.constant 1 : i32
      %add3A_1000 = arith.addi %mul3A_998, %add3A_999 : i32
      %swap3A_1001 = arith.constant 3 : index
      %swap3A_1002 = arith.index_cast %add3A_1000 : i32 to index
      %swap3A_1003 = memref.load %arg2[%swap3A_1001, %swap3A_1002] : memref<4x768xf32, #tpu.memory_space<smem>>
      memref.store %get3A_987, %arg2[%swap3A_1001, %swap3A_1002] : memref<4x768xf32, #tpu.memory_space<smem>>
      %mul3A_1004 = arith.constant 3 : i32
      %mul3A_1005 = arith.muli %scan3A_800, %mul3A_1004 : i32
      %add3A_1006 = arith.constant 2 : i32
      %add3A_1007 = arith.addi %mul3A_1005, %add3A_1006 : i32
      %swap3A_1008 = arith.constant 3 : index
      %swap3A_1009 = arith.index_cast %add3A_1007 : i32 to index
      %swap3A_1010 = memref.load %arg2[%swap3A_1008, %swap3A_1009] : memref<4x768xf32, #tpu.memory_space<smem>>
      memref.store %get3A_991, %arg2[%swap3A_1008, %swap3A_1009] : memref<4x768xf32, #tpu.memory_space<smem>>
      %sub3A_1011 = vector.broadcast %get3A_983 : f32 to vector<8x128xf32>
      %sub3A_1012 = arith.subf %get3A_61, %sub3A_1011 : vector<8x128xf32>
      %sub3A_1013 = vector.broadcast %get3A_987 : f32 to vector<8x128xf32>
      %sub3A_1014 = arith.subf %get3A_67, %sub3A_1013 : vector<8x128xf32>
      %sub3A_1015 = vector.broadcast %get3A_991 : f32 to vector<8x128xf32>
      %sub3A_1016 = arith.subf %get3A_73, %sub3A_1015 : vector<8x128xf32>
      %mul3A_1017 = arith.mulf %sub3A_1012, %sub3A_1012 : vector<8x128xf32>
      %mul3A_1018 = arith.mulf %sub3A_1014, %sub3A_1014 : vector<8x128xf32>
      %add3A_1019 = arith.addf %mul3A_1017, %mul3A_1018 : vector<8x128xf32>
      %mul3A_1020 = arith.mulf %sub3A_1016, %sub3A_1016 : vector<8x128xf32>
      %add3A_1021 = arith.addf %add3A_1019, %mul3A_1020 : vector<8x128xf32>
      %min3A_1022 = arith.minimumf %min3A_784, %add3A_1021 : vector<8x128xf32>
      %reduce_max3A_1023 = vector.shape_cast %min3A_1022 : vector<8x128xf32> to vector<1x8x128xf32>
      %reduce_max3A_1024 = arith.constant dense<0xFF800000> : vector<1xf32>
      %reduce_max3A_1025 = vector.multi_reduction <maximumf>, %reduce_max3A_1023, %reduce_max3A_1024 [1, 2] : vector<1x8x128xf32> to vector<1xf32>
      %reduce_max3A_1026 = vector.shape_cast %reduce_max3A_1025 : vector<1xf32> to vector<1x1x1xf32>
      %reduce_max3A_1027 = vector.extract %reduce_max3A_1026[0, 0, 0] : f32 from vector<1x1x1xf32>
      %eq3A_1028 = vector.broadcast %reduce_max3A_1027 : f32 to vector<8x128xf32>
      %eq3A_1029 = arith.cmpf oeq, %min3A_1022, %eq3A_1028 : vector<8x128xf32>
      %broadcast_in_dim3A_1030 = vector.broadcast %scan3A : i32 to vector<8x128xi32>
      %select_n3A_1031 = arith.select %eq3A_1029, %add3A, %broadcast_in_dim3A_1030 : vector<8x128xi1>, vector<8x128xi32>
      %reduce_min3A_1032 = vector.shape_cast %select_n3A_1031 : vector<8x128xi32> to vector<1x8x128xi32>
      %reduce_min3A_1033 = arith.constant dense<2147483647> : vector<1xi32>
      %reduce_min3A_1034 = vector.multi_reduction <minsi>, %reduce_min3A_1032, %reduce_min3A_1033 [1, 2] : vector<1x8x128xi32> to vector<1xi32>
      %reduce_min3A_1035 = vector.shape_cast %reduce_min3A_1034 : vector<1xi32> to vector<1x1x1xi32>
      %reduce_min3A_1036 = vector.extract %reduce_min3A_1035[0, 0, 0] : i32 from vector<1x1x1xi32>
      scf.yield %min3A_845, %reduce_min3A_859, %min3A_904, %reduce_min3A_918, %min3A_963, %reduce_min3A_977, %min3A_1022, %reduce_min3A_1036 : vector<8x128xf32>, i32, vector<8x128xf32>, i32, vector<8x128xf32>, i32, vector<8x128xf32>, i32
    }
    %scan3A_84 = arith.constant 256 : i32
    return
  }
}

module attributes {stable_mosaic.version = 14 : i64} {
  func.func @_sa_tail_kernel(%arg0: i32, %arg1: memref<128x64x128xf32, #tpu.memory_space<vmem>>, %arg2: memref<128x3xf32, #tpu.memory_space<vmem>>, %arg3: memref<128x64xf32, #tpu.memory_space<vmem>>, %arg4: memref<3x64xf32, #tpu.memory_space<vmem>>, %arg5: memref<64xf32, #tpu.memory_space<vmem>>, %arg6: memref<64x64xf32, #tpu.memory_space<vmem>>, %arg7: memref<64xf32, #tpu.memory_space<vmem>>, %arg8: memref<64x128xf32, #tpu.memory_space<vmem>>, %arg9: memref<128xf32, #tpu.memory_space<vmem>>, %arg10: memref<128x128xf32, #tpu.memory_space<vmem>>) attributes {dimension_semantics = [#tpu.dimension_semantics<arbitrary>], iteration_bounds = array<i64: 32>, scalar_prefetch = 0 : i64, scratch_operands = 0 : i64, tpu.core_type = #tpu.core_type<tc>, window_params = [{transform_indices = @transform_0, window_bounds = array<i64: 128, 64, 128>}, {transform_indices = @transform_1, window_bounds = array<i64: 128, 3>}, {transform_indices = @transform_2, window_bounds = array<i64: 128, 64>}, {pipeline_mode = #tpu.pipeline_mode<synchronous>, transform_indices = @transform_3, window_bounds = array<i64: 3, 64>}, {pipeline_mode = #tpu.pipeline_mode<synchronous>, transform_indices = @transform_4, window_bounds = array<i64: 64>}, {pipeline_mode = #tpu.pipeline_mode<synchronous>, transform_indices = @transform_5, window_bounds = array<i64: 64, 64>}, {pipeline_mode = #tpu.pipeline_mode<synchronous>, transform_indices = @transform_6, window_bounds = array<i64: 64>}, {pipeline_mode = #tpu.pipeline_mode<synchronous>, transform_indices = @transform_7, window_bounds = array<i64: 64, 128>}, {pipeline_mode = #tpu.pipeline_mode<synchronous>, transform_indices = @transform_8, window_bounds = array<i64: 128>}, {transform_indices = @transform_9, window_bounds = array<i64: 128, 128>}]} {
    %get3A = arith.constant 0 : index
    %get3A_0 = arith.constant 0 : index
    %get3A_1 = arith.constant 0 : index
    %get3A_2 = vector.load %arg1[%get3A, %get3A_0, %get3A_1] : memref<128x64x128xf32, #tpu.memory_space<vmem>>, vector<128x64x64xf32>
    %get3A_3 = arith.constant 0 : index
    %get3A_4 = vector.load %arg5[%get3A_3] : memref<64xf32, #tpu.memory_space<vmem>>, vector<64xf32>
    %get3A_5 = arith.constant 0 : index
    %get3A_6 = arith.constant 0 : index
    %get3A_7 = vector.load %arg2[%get3A_5, %get3A_6] : memref<128x3xf32, #tpu.memory_space<vmem>>, vector<128x3xf32>
    %get3A_8 = arith.constant 0 : index
    %get3A_9 = arith.constant 0 : index
    %get3A_10 = vector.load %arg4[%get3A_8, %get3A_9] : memref<3x64xf32, #tpu.memory_space<vmem>>, vector<3x64xf32>
    %dot_general3A = arith.constant dense<0.000000e+00> : vector<128x64xf32>
    %dot_general3A_11 = tpu.matmul %get3A_7, %get3A_10, %dot_general3A {dimension_numbers = #tpu.dot_dimension_numbers<[1], [0], [0], [1], [0, 0, 1, 1], [], []>, transpose_lhs_hint = false} : vector<128x3xf32>, vector<3x64xf32>, vector<128x64xf32> -> vector<128x64xf32>
    %broadcast_in_dim3A = vector.shape_cast %get3A_4 : vector<64xf32> to vector<1x64xf32>
    %sub3A = vector.broadcast %broadcast_in_dim3A : vector<1x64xf32> to vector<128x64xf32>
    %sub3A_12 = arith.subf %sub3A, %dot_general3A_11 : vector<128x64xf32>
    %broadcast_in_dim3A_13 = vector.shape_cast %sub3A_12 : vector<128x64xf32> to vector<128x1x64xf32>
    %add3A = vector.broadcast %broadcast_in_dim3A_13 : vector<128x1x64xf32> to vector<128x64x64xf32>
    %add3A_14 = arith.addf %get3A_2, %add3A : vector<128x64x64xf32>
    %max3A = arith.constant 0.000000e+00 : f32
    %max3A_15 = vector.broadcast %max3A : f32 to vector<128x64x64xf32>
    %max3A_16 = arith.maximumf %add3A_14, %max3A_15 : vector<128x64x64xf32>
    %reshape3A = vector.shape_cast %max3A_16 : vector<128x64x64xf32> to vector<8192x64xf32>
    %get3A_17 = arith.constant 0 : index
    %get3A_18 = arith.constant 0 : index
    %get3A_19 = vector.load %arg6[%get3A_17, %get3A_18] : memref<64x64xf32, #tpu.memory_space<vmem>>, vector<64x64xf32>
    %dot_general3A_20 = arith.constant dense<0.000000e+00> : vector<8192x64xf32>
    %dot_general3A_21 = tpu.matmul %reshape3A, %get3A_19, %dot_general3A_20 {dimension_numbers = #tpu.dot_dimension_numbers<[1], [0], [0], [1], [0, 0, 1, 1], [], []>, transpose_lhs_hint = false} : vector<8192x64xf32>, vector<64x64xf32>, vector<8192x64xf32> -> vector<8192x64xf32>
    %get3A_22 = arith.constant 0 : index
    %get3A_23 = vector.load %arg7[%get3A_22] : memref<64xf32, #tpu.memory_space<vmem>>, vector<64xf32>
    %broadcast_in_dim3A_24 = vector.shape_cast %get3A_23 : vector<64xf32> to vector<1x64xf32>
    %add3A_25 = vector.broadcast %broadcast_in_dim3A_24 : vector<1x64xf32> to vector<8192x64xf32>
    %add3A_26 = arith.addf %dot_general3A_21, %add3A_25 : vector<8192x64xf32>
    %max3A_27 = arith.constant 0.000000e+00 : f32
    %max3A_28 = vector.broadcast %max3A_27 : f32 to vector<8192x64xf32>
    %max3A_29 = arith.maximumf %add3A_26, %max3A_28 : vector<8192x64xf32>
    %get3A_30 = arith.constant 0 : index
    %get3A_31 = arith.constant 0 : index
    %get3A_32 = vector.load %arg8[%get3A_30, %get3A_31] : memref<64x128xf32, #tpu.memory_space<vmem>>, vector<64x128xf32>
    %dot_general3A_33 = arith.constant dense<0.000000e+00> : vector<8192x128xf32>
    %dot_general3A_34 = tpu.matmul %max3A_29, %get3A_32, %dot_general3A_33 {dimension_numbers = #tpu.dot_dimension_numbers<[1], [0], [0], [1], [0, 0, 1, 1], [], []>, transpose_lhs_hint = false} : vector<8192x64xf32>, vector<64x128xf32>, vector<8192x128xf32> -> vector<8192x128xf32>
    %get3A_35 = arith.constant 0 : index
    %get3A_36 = vector.load %arg9[%get3A_35] : memref<128xf32, #tpu.memory_space<vmem>>, vector<128xf32>
    %broadcast_in_dim3A_37 = vector.shape_cast %get3A_36 : vector<128xf32> to vector<1x128xf32>
    %add3A_38 = vector.broadcast %broadcast_in_dim3A_37 : vector<1x128xf32> to vector<8192x128xf32>
    %add3A_39 = arith.addf %dot_general3A_34, %add3A_38 : vector<8192x128xf32>
    %reshape3A_40 = vector.shape_cast %add3A_39 : vector<8192x128xf32> to vector<128x64x128xf32>
    %get3A_41 = arith.constant 0 : index
    %get3A_42 = arith.constant 0 : index
    %get3A_43 = vector.load %arg3[%get3A_41, %get3A_42] : memref<128x64xf32, #tpu.memory_space<vmem>>, vector<128x64xf32>
    %broadcast_in_dim3A_44 = vector.shape_cast %get3A_43 : vector<128x64xf32> to vector<128x64x1xf32>
    %gt3A = arith.constant 0.000000e+00 : f32
    %gt3A_45 = vector.broadcast %gt3A : f32 to vector<128x64x1xf32>
    %gt3A_46 = arith.cmpf ogt, %broadcast_in_dim3A_44, %gt3A_45 : vector<128x64x1xf32>
    %jit3A = arith.constant 0xFF800000 : f32
    %broadcast_in_dim3A_47 = vector.shape_cast %gt3A_46 : vector<128x64x1xi1> to vector<128x64x1xi1>
    %broadcast_in_dim3A_48 = vector.broadcast %broadcast_in_dim3A_47 : vector<128x64x1xi1> to vector<128x64x128xi1>
    %broadcast_in_dim3A_49 = vector.broadcast %jit3A : f32 to vector<128x64x128xf32>
    %select_n3A = arith.select %broadcast_in_dim3A_48, %reshape3A_40, %broadcast_in_dim3A_49 : vector<128x64x128xi1>, vector<128x64x128xf32>
    %reduce_max3A = arith.constant dense<0xFF800000> : vector<128x128xf32>
    %reduce_max3A_50 = vector.multi_reduction <maximumf>, %select_n3A, %reduce_max3A [1] : vector<128x64x128xf32> to vector<128x128xf32>
    %is_finite3A = tpu.weird %reduce_max3A_50 : vector<128x128xf32> -> vector<128x128xi1>
    %is_finite3A_51 = arith.constant dense<true> : vector<128x128xi1>
    %is_finite3A_52 = arith.xori %is_finite3A, %is_finite3A_51 : vector<128x128xi1>
    %jit3A_53 = arith.constant 0.000000e+00 : f32
    %broadcast_in_dim3A_54 = vector.broadcast %jit3A_53 : f32 to vector<128x128xf32>
    %select_n3A_55 = arith.select %is_finite3A_52, %reduce_max3A_50, %broadcast_in_dim3A_54 : vector<128x128xi1>, vector<128x128xf32>
    %swap3A = arith.constant 0 : index
    %swap3A_56 = arith.constant 0 : index
    %swap3A_57 = vector.load %arg10[%swap3A, %swap3A_56] : memref<128x128xf32, #tpu.memory_space<vmem>>, vector<128x128xf32>
    tpu.vector_store %arg10[%swap3A, %swap3A_56], %select_n3A_55 {strides = array<i32>} : memref<128x128xf32, #tpu.memory_space<vmem>>, vector<128x128xf32>,
    return
  }
  func.func @transform_0(%arg0: i32) -> (i32, i32, i32) {
    %c0_i32 = arith.constant 0 : i32
    %c0_i32_0 = arith.constant 0 : i32
    %c0_i32_1 = arith.constant 0 : i32
    return %arg0, %c0_i32, %c0_i32_0 : i32, i32, i32
  }
  func.func @transform_1(%arg0: i32) -> (i32, i32) {
    %c0_i32 = arith.constant 0 : i32
    %c0_i32_0 = arith.constant 0 : i32
    return %arg0, %c0_i32 : i32, i32
  }
  func.func @transform_2(%arg0: i32) -> (i32, i32) {
    %c0_i32 = arith.constant 0 : i32
    %c0_i32_0 = arith.constant 0 : i32
    return %arg0, %c0_i32 : i32, i32
  }
  func.func @transform_3(%arg0: i32) -> (i32, i32) {
    %c0_i32 = arith.constant 0 : i32
    %c0_i32_0 = arith.constant 0 : i32
    %c0_i32_1 = arith.constant 0 : i32
    return %c0_i32, %c0_i32_0 : i32, i32
  }
  func.func @transform_4(%arg0: i32) -> i32 {
    %c0_i32 = arith.constant 0 : i32
    %c0_i32_0 = arith.constant 0 : i32
    return %c0_i32 : i32
  }
  func.func @transform_5(%arg0: i32) -> (i32, i32) {
    %c0_i32 = arith.constant 0 : i32
    %c0_i32_0 = arith.constant 0 : i32
    %c0_i32_1 = arith.constant 0 : i32
    return %c0_i32, %c0_i32_0 : i32, i32
  }
  func.func @transform_6(%arg0: i32) -> i32 {
    %c0_i32 = arith.constant 0 : i32
    %c0_i32_0 = arith.constant 0 : i32
    return %c0_i32 : i32
  }
  func.func @transform_7(%arg0: i32) -> (i32, i32) {
    %c0_i32 = arith.constant 0 : i32
    %c0_i32_0 = arith.constant 0 : i32
    %c0_i32_1 = arith.constant 0 : i32
    return %c0_i32, %c0_i32_0 : i32, i32
  }
  func.func @transform_8(%arg0: i32) -> i32 {
    %c0_i32 = arith.constant 0 : i32
    %c0_i32_0 = arith.constant 0 : i32
    return %c0_i32 : i32
  }
  func.func @transform_9(%arg0: i32) -> (i32, i32) {
    %c0_i32 = arith.constant 0 : i32
    %c0_i32_0 = arith.constant 0 : i32
    return %arg0, %c0_i32 : i32, i32
  }
}

module attributes {stable_mosaic.version = 14 : i64} {
  func.func @_proj_kernel(%arg0: memref<4096x128xf32, #tpu.memory_space<vmem>>, %arg1: memref<4096x3xf32, #tpu.memory_space<vmem>>, %arg2: memref<131x128xf32, #tpu.memory_space<vmem>>, %arg3: memref<4096x128xf32, #tpu.memory_space<vmem>>) attributes {dimension_semantics = [], scalar_prefetch = 0 : i64, scratch_operands = 0 : i64, tpu.core_type = #tpu.core_type<tc>} {
    %get3A = arith.constant 0 : index
    %get3A_0 = arith.constant 0 : index
    %get3A_1 = vector.load %arg0[%get3A, %get3A_0] : memref<4096x128xf32, #tpu.memory_space<vmem>>, vector<4096x128xf32>
    %get3A_2 = arith.constant 0 : index
    %get3A_3 = arith.constant 0 : index
    %get3A_4 = vector.load %arg2[%get3A_2, %get3A_3] : memref<131x128xf32, #tpu.memory_space<vmem>>, vector<128x128xf32>
    %dot_general3A = arith.constant dense<0.000000e+00> : vector<4096x128xf32>
    %dot_general3A_5 = tpu.matmul %get3A_1, %get3A_4, %dot_general3A {dimension_numbers = #tpu.dot_dimension_numbers<[1], [0], [0], [1], [0, 0, 1, 1], [], []>, transpose_lhs_hint = false} : vector<4096x128xf32>, vector<128x128xf32>, vector<4096x128xf32> -> vector<4096x128xf32>
    %get3A_6 = arith.constant 0 : index
    %get3A_7 = arith.constant 0 : index
    %get3A_8 = vector.load %arg1[%get3A_6, %get3A_7] : memref<4096x3xf32, #tpu.memory_space<vmem>>, vector<4096x3xf32>
    %get3A_9 = arith.constant 128 : index
    %get3A_10 = arith.constant 0 : index
    %get3A_11 = vector.load %arg2[%get3A_9, %get3A_10] : memref<131x128xf32, #tpu.memory_space<vmem>>, vector<3x128xf32>
    %dot_general3A_12 = arith.constant dense<0.000000e+00> : vector<4096x128xf32>
    %dot_general3A_13 = tpu.matmul %get3A_8, %get3A_11, %dot_general3A_12 {dimension_numbers = #tpu.dot_dimension_numbers<[1], [0], [0], [1], [0, 0, 1, 1], [], []>, transpose_lhs_hint = false} : vector<4096x3xf32>, vector<3x128xf32>, vector<4096x128xf32> -> vector<4096x128xf32>
    %add3A = arith.addf %dot_general3A_5, %dot_general3A_13 : vector<4096x128xf32>
    %swap3A = arith.constant 0 : index
    %swap3A_14 = arith.constant 0 : index
    %swap3A_15 = vector.load %arg3[%swap3A, %swap3A_14] : memref<4096x128xf32, #tpu.memory_space<vmem>>, vector<4096x128xf32>
    tpu.vector_store %arg3[%swap3A, %swap3A_14], %add3A {strides = array<i32>} : memref<4096x128xf32, #tpu.memory_space<vmem>>, vector<4096x128xf32>,
    return
  }
}

module attributes {stable_mosaic.version = 14 : i64} {
  func.func @_sa_tail_kernel(%arg0: i32, %arg1: memref<64x64x128xf32, #tpu.memory_space<vmem>>, %arg2: memref<64x3xf32, #tpu.memory_space<vmem>>, %arg3: memref<64x64xf32, #tpu.memory_space<vmem>>, %arg4: memref<3x128xf32, #tpu.memory_space<vmem>>, %arg5: memref<128xf32, #tpu.memory_space<vmem>>, %arg6: memref<128x128xf32, #tpu.memory_space<vmem>>, %arg7: memref<128xf32, #tpu.memory_space<vmem>>, %arg8: memref<128x256xf32, #tpu.memory_space<vmem>>, %arg9: memref<256xf32, #tpu.memory_space<vmem>>, %arg10: memref<64x256xf32, #tpu.memory_space<vmem>>) attributes {dimension_semantics = [#tpu.dimension_semantics<arbitrary>], iteration_bounds = array<i64: 16>, scalar_prefetch = 0 : i64, scratch_operands = 0 : i64, tpu.core_type = #tpu.core_type<tc>, window_params = [{transform_indices = @transform_0, window_bounds = array<i64: 64, 64, 128>}, {transform_indices = @transform_1, window_bounds = array<i64: 64, 3>}, {transform_indices = @transform_2, window_bounds = array<i64: 64, 64>}, {pipeline_mode = #tpu.pipeline_mode<synchronous>, transform_indices = @transform_3, window_bounds = array<i64: 3, 128>}, {pipeline_mode = #tpu.pipeline_mode<synchronous>, transform_indices = @transform_4, window_bounds = array<i64: 128>}, {pipeline_mode = #tpu.pipeline_mode<synchronous>, transform_indices = @transform_5, window_bounds = array<i64: 128, 128>}, {pipeline_mode = #tpu.pipeline_mode<synchronous>, transform_indices = @transform_6, window_bounds = array<i64: 128>}, {pipeline_mode = #tpu.pipeline_mode<synchronous>, transform_indices = @transform_7, window_bounds = array<i64: 128, 256>}, {pipeline_mode = #tpu.pipeline_mode<synchronous>, transform_indices = @transform_8, window_bounds = array<i64: 256>}, {transform_indices = @transform_9, window_bounds = array<i64: 64, 256>}]} {
    %get3A = arith.constant 0 : index
    %get3A_0 = arith.constant 0 : index
    %get3A_1 = arith.constant 0 : index
    %get3A_2 = vector.load %arg1[%get3A, %get3A_0, %get3A_1] : memref<64x64x128xf32, #tpu.memory_space<vmem>>, vector<64x64x128xf32>
    %get3A_3 = arith.constant 0 : index
    %get3A_4 = vector.load %arg5[%get3A_3] : memref<128xf32, #tpu.memory_space<vmem>>, vector<128xf32>
    %get3A_5 = arith.constant 0 : index
    %get3A_6 = arith.constant 0 : index
    %get3A_7 = vector.load %arg2[%get3A_5, %get3A_6] : memref<64x3xf32, #tpu.memory_space<vmem>>, vector<64x3xf32>
    %get3A_8 = arith.constant 0 : index
    %get3A_9 = arith.constant 0 : index
    %get3A_10 = vector.load %arg4[%get3A_8, %get3A_9] : memref<3x128xf32, #tpu.memory_space<vmem>>, vector<3x128xf32>
    %dot_general3A = arith.constant dense<0.000000e+00> : vector<64x128xf32>
    %dot_general3A_11 = tpu.matmul %get3A_7, %get3A_10, %dot_general3A {dimension_numbers = #tpu.dot_dimension_numbers<[1], [0], [0], [1], [0, 0, 1, 1], [], []>, transpose_lhs_hint = false} : vector<64x3xf32>, vector<3x128xf32>, vector<64x128xf32> -> vector<64x128xf32>
    %broadcast_in_dim3A = vector.shape_cast %get3A_4 : vector<128xf32> to vector<1x128xf32>
    %sub3A = vector.broadcast %broadcast_in_dim3A : vector<1x128xf32> to vector<64x128xf32>
    %sub3A_12 = arith.subf %sub3A, %dot_general3A_11 : vector<64x128xf32>
    %broadcast_in_dim3A_13 = vector.shape_cast %sub3A_12 : vector<64x128xf32> to vector<64x1x128xf32>
    %add3A = vector.broadcast %broadcast_in_dim3A_13 : vector<64x1x128xf32> to vector<64x64x128xf32>
    %add3A_14 = arith.addf %get3A_2, %add3A : vector<64x64x128xf32>
    %max3A = arith.constant 0.000000e+00 : f32
    %max3A_15 = vector.broadcast %max3A : f32 to vector<64x64x128xf32>
    %max3A_16 = arith.maximumf %add3A_14, %max3A_15 : vector<64x64x128xf32>
    %reshape3A = vector.shape_cast %max3A_16 : vector<64x64x128xf32> to vector<4096x128xf32>
    %get3A_17 = arith.constant 0 : index
    %get3A_18 = arith.constant 0 : index
    %get3A_19 = vector.load %arg6[%get3A_17, %get3A_18] : memref<128x128xf32, #tpu.memory_space<vmem>>, vector<128x128xf32>
    %dot_general3A_20 = arith.constant dense<0.000000e+00> : vector<4096x128xf32>
    %dot_general3A_21 = tpu.matmul %reshape3A, %get3A_19, %dot_general3A_20 {dimension_numbers = #tpu.dot_dimension_numbers<[1], [0], [0], [1], [0, 0, 1, 1], [], []>, transpose_lhs_hint = false} : vector<4096x128xf32>, vector<128x128xf32>, vector<4096x128xf32> -> vector<4096x128xf32>
    %get3A_22 = arith.constant 0 : index
    %get3A_23 = vector.load %arg7[%get3A_22] : memref<128xf32, #tpu.memory_space<vmem>>, vector<128xf32>
    %broadcast_in_dim3A_24 = vector.shape_cast %get3A_23 : vector<128xf32> to vector<1x128xf32>
    %add3A_25 = vector.broadcast %broadcast_in_dim3A_24 : vector<1x128xf32> to vector<4096x128xf32>
    %add3A_26 = arith.addf %dot_general3A_21, %add3A_25 : vector<4096x128xf32>
    %max3A_27 = arith.constant 0.000000e+00 : f32
    %max3A_28 = vector.broadcast %max3A_27 : f32 to vector<4096x128xf32>
    %max3A_29 = arith.maximumf %add3A_26, %max3A_28 : vector<4096x128xf32>
    %get3A_30 = arith.constant 0 : index
    %get3A_31 = arith.constant 0 : index
    %get3A_32 = vector.load %arg8[%get3A_30, %get3A_31] : memref<128x256xf32, #tpu.memory_space<vmem>>, vector<128x256xf32>
    %dot_general3A_33 = arith.constant dense<0.000000e+00> : vector<4096x256xf32>
    %dot_general3A_34 = tpu.matmul %max3A_29, %get3A_32, %dot_general3A_33 {dimension_numbers = #tpu.dot_dimension_numbers<[1], [0], [0], [1], [0, 0, 1, 1], [], []>, transpose_lhs_hint = false} : vector<4096x128xf32>, vector<128x256xf32>, vector<4096x256xf32> -> vector<4096x256xf32>
    %get3A_35 = arith.constant 0 : index
    %get3A_36 = vector.load %arg9[%get3A_35] : memref<256xf32, #tpu.memory_space<vmem>>, vector<256xf32>
    %broadcast_in_dim3A_37 = vector.shape_cast %get3A_36 : vector<256xf32> to vector<1x256xf32>
    %add3A_38 = vector.broadcast %broadcast_in_dim3A_37 : vector<1x256xf32> to vector<4096x256xf32>
    %add3A_39 = arith.addf %dot_general3A_34, %add3A_38 : vector<4096x256xf32>
    %reshape3A_40 = vector.shape_cast %add3A_39 : vector<4096x256xf32> to vector<64x64x256xf32>
    %get3A_41 = arith.constant 0 : index
    %get3A_42 = arith.constant 0 : index
    %get3A_43 = vector.load %arg3[%get3A_41, %get3A_42] : memref<64x64xf32, #tpu.memory_space<vmem>>, vector<64x64xf32>
    %broadcast_in_dim3A_44 = vector.shape_cast %get3A_43 : vector<64x64xf32> to vector<64x64x1xf32>
    %gt3A = arith.constant 0.000000e+00 : f32
    %gt3A_45 = vector.broadcast %gt3A : f32 to vector<64x64x1xf32>
    %gt3A_46 = arith.cmpf ogt, %broadcast_in_dim3A_44, %gt3A_45 : vector<64x64x1xf32>
    %jit3A = arith.constant 0xFF800000 : f32
    %broadcast_in_dim3A_47 = vector.shape_cast %gt3A_46 : vector<64x64x1xi1> to vector<64x64x1xi1>
    %broadcast_in_dim3A_48 = vector.broadcast %broadcast_in_dim3A_47 : vector<64x64x1xi1> to vector<64x64x256xi1>
    %broadcast_in_dim3A_49 = vector.broadcast %jit3A : f32 to vector<64x64x256xf32>
    %select_n3A = arith.select %broadcast_in_dim3A_48, %reshape3A_40, %broadcast_in_dim3A_49 : vector<64x64x256xi1>, vector<64x64x256xf32>
    %reduce_max3A = arith.constant dense<0xFF800000> : vector<64x256xf32>
    %reduce_max3A_50 = vector.multi_reduction <maximumf>, %select_n3A, %reduce_max3A [1] : vector<64x64x256xf32> to vector<64x256xf32>
    %is_finite3A = tpu.weird %reduce_max3A_50 : vector<64x256xf32> -> vector<64x256xi1>
    %is_finite3A_51 = arith.constant dense<true> : vector<64x256xi1>
    %is_finite3A_52 = arith.xori %is_finite3A, %is_finite3A_51 : vector<64x256xi1>
    %jit3A_53 = arith.constant 0.000000e+00 : f32
    %broadcast_in_dim3A_54 = vector.broadcast %jit3A_53 : f32 to vector<64x256xf32>
    %select_n3A_55 = arith.select %is_finite3A_52, %reduce_max3A_50, %broadcast_in_dim3A_54 : vector<64x256xi1>, vector<64x256xf32>
    %swap3A = arith.constant 0 : index
    %swap3A_56 = arith.constant 0 : index
    %swap3A_57 = vector.load %arg10[%swap3A, %swap3A_56] : memref<64x256xf32, #tpu.memory_space<vmem>>, vector<64x256xf32>
    tpu.vector_store %arg10[%swap3A, %swap3A_56], %select_n3A_55 {strides = array<i32>} : memref<64x256xf32, #tpu.memory_space<vmem>>, vector<64x256xf32>,
    return
  }
  func.func @transform_0(%arg0: i32) -> (i32, i32, i32) {
    %c0_i32 = arith.constant 0 : i32
    %c0_i32_0 = arith.constant 0 : i32
    %c0_i32_1 = arith.constant 0 : i32
    return %arg0, %c0_i32, %c0_i32_0 : i32, i32, i32
  }
  func.func @transform_1(%arg0: i32) -> (i32, i32) {
    %c0_i32 = arith.constant 0 : i32
    %c0_i32_0 = arith.constant 0 : i32
    return %arg0, %c0_i32 : i32, i32
  }
  func.func @transform_2(%arg0: i32) -> (i32, i32) {
    %c0_i32 = arith.constant 0 : i32
    %c0_i32_0 = arith.constant 0 : i32
    return %arg0, %c0_i32 : i32, i32
  }
  func.func @transform_3(%arg0: i32) -> (i32, i32) {
    %c0_i32 = arith.constant 0 : i32
    %c0_i32_0 = arith.constant 0 : i32
    %c0_i32_1 = arith.constant 0 : i32
    return %c0_i32, %c0_i32_0 : i32, i32
  }
  func.func @transform_4(%arg0: i32) -> i32 {
    %c0_i32 = arith.constant 0 : i32
    %c0_i32_0 = arith.constant 0 : i32
    return %c0_i32 : i32
  }
  func.func @transform_5(%arg0: i32) -> (i32, i32) {
    %c0_i32 = arith.constant 0 : i32
    %c0_i32_0 = arith.constant 0 : i32
    %c0_i32_1 = arith.constant 0 : i32
    return %c0_i32, %c0_i32_0 : i32, i32
  }
  func.func @transform_6(%arg0: i32) -> i32 {
    %c0_i32 = arith.constant 0 : i32
    %c0_i32_0 = arith.constant 0 : i32
    return %c0_i32 : i32
  }
  func.func @transform_7(%arg0: i32) -> (i32, i32) {
    %c0_i32 = arith.constant 0 : i32
    %c0_i32_0 = arith.constant 0 : i32
    %c0_i32_1 = arith.constant 0 : i32
    return %c0_i32, %c0_i32_0 : i32, i32
  }
  func.func @transform_8(%arg0: i32) -> i32 {
    %c0_i32 = arith.constant 0 : i32
    %c0_i32_0 = arith.constant 0 : i32
    return %c0_i32 : i32
  }
  func.func @transform_9(%arg0: i32) -> (i32, i32) {
    %c0_i32 = arith.constant 0 : i32
    %c0_i32_0 = arith.constant 0 : i32
    return %arg0, %c0_i32 : i32, i32
  }
}

module attributes {stable_mosaic.version = 14 : i64} {
  func.func @_head_kernel(%arg0: memref<1024x256xf32, #tpu.memory_space<vmem>>, %arg1: memref<1024x3xf32, #tpu.memory_space<vmem>>, %arg2: memref<259x256xf32, #tpu.memory_space<vmem>>, %arg3: memref<256xf32, #tpu.memory_space<vmem>>, %arg4: memref<256x512xf32, #tpu.memory_space<vmem>>, %arg5: memref<512xf32, #tpu.memory_space<vmem>>, %arg6: memref<512x1024xf32, #tpu.memory_space<vmem>>, %arg7: memref<1024xf32, #tpu.memory_space<vmem>>, %arg8: memref<1024x512xf32, #tpu.memory_space<vmem>>, %arg9: memref<512xf32, #tpu.memory_space<vmem>>, %arg10: memref<512x512xf32, #tpu.memory_space<vmem>>, %arg11: memref<512xf32, #tpu.memory_space<vmem>>, %arg12: memref<4x512xf32, #tpu.memory_space<vmem>>) attributes {dimension_semantics = [], scalar_prefetch = 0 : i64, scratch_operands = 0 : i64, tpu.core_type = #tpu.core_type<tc>} {
    %get3A = arith.constant 0 : index
    %get3A_0 = arith.constant 0 : index
    %get3A_1 = vector.load %arg0[%get3A, %get3A_0] : memref<1024x256xf32, #tpu.memory_space<vmem>>, vector<1024x256xf32>
    %get3A_2 = arith.constant 0 : index
    %get3A_3 = arith.constant 0 : index
    %get3A_4 = vector.load %arg1[%get3A_2, %get3A_3] : memref<1024x3xf32, #tpu.memory_space<vmem>>, vector<1024x3xf32>
    %concatenate3A = tpu.concatenate %get3A_1, %get3A_4 in 1 : vector<1024x256xf32>, vector<1024x3xf32> -> vector<1024x259xf32>
    %get3A_5 = arith.constant 0 : index
    %get3A_6 = arith.constant 0 : index
    %get3A_7 = vector.load %arg2[%get3A_5, %get3A_6] : memref<259x256xf32, #tpu.memory_space<vmem>>, vector<259x256xf32>
    %dot_general3A = arith.constant dense<0.000000e+00> : vector<1024x256xf32>
    %dot_general3A_8 = tpu.matmul %concatenate3A, %get3A_7, %dot_general3A {dimension_numbers = #tpu.dot_dimension_numbers<[1], [0], [0], [1], [0, 0, 1, 1], [], []>, transpose_lhs_hint = false} : vector<1024x259xf32>, vector<259x256xf32>, vector<1024x256xf32> -> vector<1024x256xf32>
    %get3A_9 = arith.constant 0 : index
    %get3A_10 = vector.load %arg3[%get3A_9] : memref<256xf32, #tpu.memory_space<vmem>>, vector<256xf32>
    %broadcast_in_dim3A = vector.shape_cast %get3A_10 : vector<256xf32> to vector<1x256xf32>
    %add3A = vector.broadcast %broadcast_in_dim3A : vector<1x256xf32> to vector<1024x256xf32>
    %add3A_11 = arith.addf %dot_general3A_8, %add3A : vector<1024x256xf32>
    %max3A = arith.constant 0.000000e+00 : f32
    %max3A_12 = vector.broadcast %max3A : f32 to vector<1024x256xf32>
    %max3A_13 = arith.maximumf %add3A_11, %max3A_12 : vector<1024x256xf32>
    %get3A_14 = arith.constant 0 : index
    %get3A_15 = arith.constant 0 : index
    %get3A_16 = vector.load %arg4[%get3A_14, %get3A_15] : memref<256x512xf32, #tpu.memory_space<vmem>>, vector<256x512xf32>
    %dot_general3A_17 = arith.constant dense<0.000000e+00> : vector<1024x512xf32>
    %dot_general3A_18 = tpu.matmul %max3A_13, %get3A_16, %dot_general3A_17 {dimension_numbers = #tpu.dot_dimension_numbers<[1], [0], [0], [1], [0, 0, 1, 1], [], []>, transpose_lhs_hint = false} : vector<1024x256xf32>, vector<256x512xf32>, vector<1024x512xf32> -> vector<1024x512xf32>
    %get3A_19 = arith.constant 0 : index
    %get3A_20 = vector.load %arg5[%get3A_19] : memref<512xf32, #tpu.memory_space<vmem>>, vector<512xf32>
    %broadcast_in_dim3A_21 = vector.shape_cast %get3A_20 : vector<512xf32> to vector<1x512xf32>
    %add3A_22 = vector.broadcast %broadcast_in_dim3A_21 : vector<1x512xf32> to vector<1024x512xf32>
    %add3A_23 = arith.addf %dot_general3A_18, %add3A_22 : vector<1024x512xf32>
    %max3A_24 = arith.constant 0.000000e+00 : f32
    %max3A_25 = vector.broadcast %max3A_24 : f32 to vector<1024x512xf32>
    %max3A_26 = arith.maximumf %add3A_23, %max3A_25 : vector<1024x512xf32>
    %get3A_27 = arith.constant 0 : index
    %get3A_28 = arith.constant 0 : index
    %get3A_29 = vector.load %arg6[%get3A_27, %get3A_28] : memref<512x1024xf32, #tpu.memory_space<vmem>>, vector<512x1024xf32>
    %dot_general3A_30 = arith.constant dense<0.000000e+00> : vector<1024x1024xf32>
    %dot_general3A_31 = tpu.matmul %max3A_26, %get3A_29, %dot_general3A_30 {dimension_numbers = #tpu.dot_dimension_numbers<[1], [0], [0], [1], [0, 0, 1, 1], [], []>, transpose_lhs_hint = false} : vector<1024x512xf32>, vector<512x1024xf32>, vector<1024x1024xf32> -> vector<1024x1024xf32>
    %get3A_32 = arith.constant 0 : index
    %get3A_33 = vector.load %arg7[%get3A_32] : memref<1024xf32, #tpu.memory_space<vmem>>, vector<1024xf32>
    %broadcast_in_dim3A_34 = vector.shape_cast %get3A_33 : vector<1024xf32> to vector<1x1024xf32>
    %add3A_35 = vector.broadcast %broadcast_in_dim3A_34 : vector<1x1024xf32> to vector<1024x1024xf32>
    %add3A_36 = arith.addf %dot_general3A_31, %add3A_35 : vector<1024x1024xf32>
    %reshape3A = vector.shape_cast %add3A_36 : vector<1024x1024xf32> to vector<4x256x1024xf32>
    %reduce_max3A = arith.constant dense<0xFF800000> : vector<4x1024xf32>
    %reduce_max3A_37 = vector.multi_reduction <maximumf>, %reshape3A, %reduce_max3A [1] : vector<4x256x1024xf32> to vector<4x1024xf32>
    %get3A_38 = arith.constant 0 : index
    %get3A_39 = arith.constant 0 : index
    %get3A_40 = vector.load %arg8[%get3A_38, %get3A_39] : memref<1024x512xf32, #tpu.memory_space<vmem>>, vector<1024x512xf32>
    %dot_general3A_41 = arith.constant dense<0.000000e+00> : vector<4x512xf32>
    %dot_general3A_42 = tpu.matmul %reduce_max3A_37, %get3A_40, %dot_general3A_41 {dimension_numbers = #tpu.dot_dimension_numbers<[1], [0], [0], [1], [0, 0, 1, 1], [], []>, transpose_lhs_hint = false} : vector<4x1024xf32>, vector<1024x512xf32>, vector<4x512xf32> -> vector<4x512xf32>
    %get3A_43 = arith.constant 0 : index
    %get3A_44 = vector.load %arg9[%get3A_43] : memref<512xf32, #tpu.memory_space<vmem>>, vector<512xf32>
    %broadcast_in_dim3A_45 = vector.shape_cast %get3A_44 : vector<512xf32> to vector<1x512xf32>
    %add3A_46 = vector.broadcast %broadcast_in_dim3A_45 : vector<1x512xf32> to vector<4x512xf32>
    %add3A_47 = arith.addf %dot_general3A_42, %add3A_46 : vector<4x512xf32>
    %max3A_48 = arith.constant 0.000000e+00 : f32
    %max3A_49 = vector.broadcast %max3A_48 : f32 to vector<4x512xf32>
    %max3A_50 = arith.maximumf %add3A_47, %max3A_49 : vector<4x512xf32>
    %get3A_51 = arith.constant 0 : index
    %get3A_52 = arith.constant 0 : index
    %get3A_53 = vector.load %arg10[%get3A_51, %get3A_52] : memref<512x512xf32, #tpu.memory_space<vmem>>, vector<512x512xf32>
    %dot_general3A_54 = arith.constant dense<0.000000e+00> : vector<4x512xf32>
    %dot_general3A_55 = tpu.matmul %max3A_50, %get3A_53, %dot_general3A_54 {dimension_numbers = #tpu.dot_dimension_numbers<[1], [0], [0], [1], [0, 0, 1, 1], [], []>, transpose_lhs_hint = false} : vector<4x512xf32>, vector<512x512xf32>, vector<4x512xf32> -> vector<4x512xf32>
    %get3A_56 = arith.constant 0 : index
    %get3A_57 = vector.load %arg11[%get3A_56] : memref<512xf32, #tpu.memory_space<vmem>>, vector<512xf32>
    %broadcast_in_dim3A_58 = vector.shape_cast %get3A_57 : vector<512xf32> to vector<1x512xf32>
    %add3A_59 = vector.broadcast %broadcast_in_dim3A_58 : vector<1x512xf32> to vector<4x512xf32>
    %add3A_60 = arith.addf %dot_general3A_55, %add3A_59 : vector<4x512xf32>
    %swap3A = arith.constant 0 : index
    %swap3A_61 = arith.constant 0 : index
    %swap3A_62 = vector.load %arg12[%swap3A, %swap3A_61] : memref<4x512xf32, #tpu.memory_space<vmem>>, vector<4x512xf32>
    tpu.vector_store %arg12[%swap3A, %swap3A_61], %add3A_60 {strides = array<i32>} : memref<4x512xf32, #tpu.memory_space<vmem>>, vector<4x512xf32>,
    return
  }
}

</mosaic_0001>

<sc_bundles>
// kernel: kernel.11.cloned.1.call-start
scs
__scs_entry_jumppad:
0x0: {  	(pc) =	sbr.rel $0x88, $3  }
0x1: {  	(tag) =	ssettag $0x0;
	lr =	simm.s32 $0x1  }
0x2: {  	[smem:$0x3F89] =	sst lr;
	_ =	strace $0xD0000000  }
0x3: {  	_ = 	snop  }
0x4: {  	_ = 	snop  }
0x5: {  	_ = 	snop  }
0x6: {  	_ = 	snop  }
0x7: {  	_ = 	snop  }
__scs_overlays_trampoline_lowered:
0x8: {  	[smem:$0x3F98] =	sst s0  }
0x9: {  	[smem:$0x3F99] =	sst s1  }
0xa: {  	[smem:$0x3F9A] =	sst s2  }
0xb: {  	[smem:$0x3F9B] =	sst s3  }
0xc: {  	[smem:$0x3F9C] =	sst s4  }
0xd: {  	[smem:$0x3F9D] =	sst s5  }
0xe: {  	[smem:$0x3F9E] =	sst s6  }
0xf: {  	[smem:$0x3F9F] =	sst s7  }
0x10: {  	[smem:$0x3FA0] =	sst s8  }
0x11: {  	[smem:$0x3FA1] =	sst s9;
	s0 =	simm.s32 @!p0 $0x0  }
0x12: {  	s1 =	sld [smem:$0x3F87];
	s0 =	simm.s32 @p0 $0x1  }
0x13: {  	[smem:$0x3FA2] =	sst s0;
	s0 =	simm.s32 @!p1 $0x0  }
0x14: {  	s2 =	sld [smem:$0x3F86];
	s0 =	simm.s32 @p1 $0x1  }
0x15: {  	[smem:$0x3FA3] =	sst s0;
	s0 =	simm.s32 @!p2 $0x0  }
0x16: {  	s3 =	sld [smem:$0x3FDB];
	s0 =	simm.s32 @p2 $0x1  }
0x17: {  	s4 =	simm.s32 $0x1BF5;
	[smem:$0x3FA5] =	sst s0  }
0x18: {  	s0 =	sld [smem:$0x3F88];
	_ =	swait.ge [sflag:s4], $0x0  }
0x19: {  	s7 =	sld [smem:$0x3F89]  }
0x1a: {  	s8 =	sadd.s32 $0xFFFFE003, lr  }
0x1b: {  	s9 =	sadd.s32 $0xFFFFFEF7, lr;
	s5 =	simm.s32 $0xFFFFFFFF;
	p2 =	slt.u32 s8, $0xFFFFF086  }
0x1c: {  	p1 =	slt.u32 s9, $0xF7A;
	s5 =	simm.s32 @!p2 $0x0  }
0x1d: {  	s5 =	simm.s32 @p1 $0x1;
	p0 =	seq.s32 s7, s2  }
0x1e: {  	s7 =	smul.u32 @!p0 $0xF7A, s2;
	p2 =	seq.s32 @!p0 s5, $0x0  }
0x1f: {  	s9 =	smul.u32 $0xF7A, s1;
	s8 =	simm.s32 @!p0 $0x1BF5;
	p2 =	por !p2, p0  }
0x20: {  	[sflag:s8] =	ssyncset.s32 @!p0 $0xFFFFF086;
	s6 =	sadd.s32 @!p0 s3, s7;
	s7 =	simm.s32 @!p0 $0x108  }
0x21: {  	s3 =	sadd.s32 s3, s9;
	s6 =	sadd.s32 @!p0 $0x88, s6;
	s7 =	simm.s32 @p2 $0x1082  }
0x22: {  	[simem:s7], [sflag:s8] =	dma.local @!p0 [hbm:s6], $0xF7A  }
0x23: {  	s9 =	sor.u32 $0xD0000000, s2;
	s6 =	simm.s32 $0x108;
	_ =	swait.ge @!p0 [sflag:s8], $0x0  }
0x24: {  	s3 =	sadd.s32 $0x88, s3;
	s6 =	simm.s32 @!p1 $0x1082;
	[sflag:s4] =	ssyncset.s32 $0xFFFFF086  }
0x25: {  	[simem:s6], [sflag:s4] =	dma.local [hbm:s3], $0xF7A  }
0x26: {  	[smem:$0x3F89] =	sst s1;
	(tag) =	ssettag s2;
	_ =	strace s9  }
0x27: {  	s1 =	sld [smem:$0x3F99]  }
0x28: {  	s2 =	sld [smem:$0x3F9A]  }
0x29: {  	s4 =	sld [smem:$0x3F9C]  }
0x2a: {  	p0 =	seq.s32 s5, $0x0;
	s5 =	sld [smem:$0x3F9D]  }
0x2b: {  	s6 =	sld [smem:$0x3F9E]  }
0x2c: {  	s7 =	sld [smem:$0x3F9F]  }
0x2d: {  	s3 =	simm.s32 $0x108;
	s8 =	sld [smem:$0x3FA0]  }
0x2e: {  	s3 =	simm.s32 @!p0 $0x1082;
	s9 =	sld [smem:$0x3FA1]  }
0x2f: {  	lr =	sadd.s32 s0, s3;
	s0 =	sld [smem:$0x3F98]  }
0x30: {  	s3 =	sld [smem:$0x3F9B]  }
0x31: {  	[smem:$0x3FA4] =	sst s10  }
0x32: {  	s10 =	sld [smem:$0x3FA2];
	_ =	sdelay $0x3  }
0x33: {  	p0 =	seq.s32 s10, $0x1;
	s10 =	sld [smem:$0x3FA4];
	_ =	sdelay $0x3  }
0x34: {  	[smem:$0x3FA4] =	sst s10  }
0x35: {  	s10 =	sld [smem:$0x3FA3];
	_ =	sdelay $0x3  }
0x36: {  	p1 =	seq.s32 s10, $0x1;
	s10 =	sld [smem:$0x3FA4];
	_ =	sdelay $0x3  }
0x37: {  	[smem:$0x3FA4] =	sst s10  }
0x38: {  	s10 =	sld [smem:$0x3FA5]  }
0x39: {  	_ = 	snop;
	(pc) =	sbr.ind lr, $3  }
0x3a: {  	_ = 	snop  }
0x3b: {  	_ = 	snop  }
0x3c: {  	p2 =	seq.s32 s10, $0x1;
	s10 =	sld [smem:$0x3FA4]  }
0x3d: {  	_ =	shalt  }
0x3e: {  	_ =	shalt  }
0x3f: {  	_ =	shalt  }
0x40: {  	_ =	shalt  }
0x41: {  	_ =	shalt  }
0x42: {  	_ =	shalt  }
0x43: {  	_ =	shalt  }
0x44: {  	_ =	shalt  }
0x45: {  	_ =	shalt  }
0x46: {  	_ =	shalt  }
0x47: {  	_ =	shalt  }
0x48: {  	_ =	shalt  }
0x49: {  	_ =	shalt  }
0x4a: {  	_ =	shalt  }
0x4b: {  	_ =	shalt  }
0x4c: {  	_ =	shalt  }
0x4d: {  	_ =	shalt  }
0x4e: {  	_ =	shalt  }
0x4f: {  	_ =	shalt  }
0x50: {  	_ =	shalt  }
0x51: {  	_ =	shalt  }
0x52: {  	_ =	shalt  }
0x53: {  	_ =	shalt  }
0x54: {  	_ =	shalt  }
0x55: {  	_ =	shalt  }
0x56: {  	_ =	shalt  }
0x57: {  	_ =	shalt  }
0x58: {  	_ =	shalt  }
0x59: {  	_ =	shalt  }
0x5a: {  	_ =	shalt  }
0x5b: {  	_ =	shalt  }
0x5c: {  	_ =	shalt  }
0x5d: {  	_ =	shalt  }
0x5e: {  	_ =	shalt  }
0x5f: {  	_ =	shalt  }
0x60: {  	_ =	shalt  }
0x61: {  	_ =	shalt  }
0x62: {  	_ =	shalt  }
0x63: {  	_ =	shalt  }
0x64: {  	_ =	shalt  }
0x65: {  	_ =	shalt  }
0x66: {  	_ =	shalt  }
0x67: {  	_ =	shalt  }
0x68: {  	_ =	shalt  }
0x69: {  	_ =	shalt  }
0x6a: {  	_ =	shalt  }
0x6b: {  	_ =	shalt  }
0x6c: {  	_ =	shalt  }
0x6d: {  	_ =	shalt  }
0x6e: {  	_ =	shalt  }
0x6f: {  	_ =	shalt  }
0x70: {  	_ =	shalt  }
0x71: {  	_ =	shalt  }
0x72: {  	_ =	shalt  }
0x73: {  	_ =	shalt  }
0x74: {  	_ =	shalt  }
0x75: {  	_ =	shalt  }
0x76: {  	_ =	shalt  }
0x77: {  	_ =	shalt  }
0x78: {  	_ =	shalt  }
0x79: {  	_ =	shalt  }
0x7a: {  	_ =	shalt  }
0x7b: {  	_ =	shalt  }
0x7c: {  	_ =	shalt  }
0x7d: {  	_ =	shalt  }
0x7e: {  	_ =	shalt  }
0x7f: {  	_ =	shalt  }
0x80: {  	_ =	shalt  }
0x81: {  	_ =	shalt  }
0x82: {  	_ =	shalt  }
0x83: {  	_ =	shalt  }
0x84: {  	_ =	shalt  }
0x85: {  	_ =	shalt  }
0x86: {  	_ =	shalt  }
0x87: {  	_ =	shalt  }
.Lfunc_end0:
.L_simem_size_0:
called_computation.1_lowered:
.L_overlay_start_0:
0x88: {  	s2 =	sld [smem:$0x3FD9]  }
0x89: {  	s3 =	sld [smem:$0x3FFE];
	_ =	sdelay $0x1  }
0x8a: {  	s1 =	srdreg.scid  }
0x8b: {  	s0 =	sand.u32 $0x1, s1  }
0x8c: {  	s16 =	sshll.u32 s0, $0xA;
	s2 =	sadd.s32 s3, s2  }
0x8d: {  	s2 =	sadd.s32 s2, s16  }
0x8e: {  	[smem:$0x3FB0] =	sst s2  }
0x8f: {  	_ = 	snop  }
0x90: {  	(tm) =	ssettm $0x1  }
0x91: {  	s17 =	sld [smem:$0x3FFB];
	_ =	sdelay $0x3  }
0x92: {  	_ =	strace s17  }
0x93: {  	s2 =	sld [smem:$0x3FFC];
	_ =	sdelay $0x3  }
0x94: {  	_ =	strace s2  }
0x95: {  	s2 =	sld [smem:$0x3FFD];
	_ =	sdelay $0x3  }
0x96: {  	_ =	strace s2  }
0x97: {  	_ =	strace $0x8FFFFFFF  }
0x98: {  	s18 =	sld [smem:$0x3FDB];
	_ =	sdelay $0x1  }
0x99: {  	s19 =	simm.s32 $_scs_section_size  }
0x9a: {  	s4 =	simm.s32 $_size__tile_overlayer_lowered;
	s5 =	simm.s32 $_tile_overlayer_lowered  }
0x9b: {  	s22 =	simm.s32 $0x1BFF;
	s21 =	sshll.u32 s5, $0x1;
	s2 =	sadd.s32 s19, s18  }
0x9c: {  	s6 =	simm.s32 $0x0;
	s20 =	sshll.u32 s4, $0x1;
	s4 =	sadd.s32 s21, s2  }
0x9d: {  	[timem:s6], [sflag:s22] =	dma.local [hbm:s4], s20  }
0x9e: {  	_ =	swait.ge [sflag:s22], s20  }
0x9f: {  	s3 =	ssub.s32 $0x0, s20;
	[sflag:s22] =	ssyncset.done $0x0  }
0xa0: {  	[sflag:s22] =	ssyncadd.s32 s3;
	_ =	sdelay $0x1  }
0xa1: {  	s23 =	simm.s32 $0x1B8B  }
0xa2: {  	_ =	swait.ge [sflag:s23], $0x1  }
0xa3: {  	[sflag:s23] =	ssyncset.done $0x0  }
0xa4: {  	s25 =	simm.s32 $0x1B8E;
	s24 =	sld [smem:$0x3FFE];
	[sflag:s23] =	ssyncadd.s32 $0xFFFFFFFF  }
0xa5: {  	s26 =	simm.s32 $execute0_lowered;
	[smem:$0x3FD2] =	sst s25  }
0xa6: {  	s4 =	sshll.u32 s26, $0x1;
	_ =	strace $0x80000049;
	[dreg:$0x1] =	wrdreg $0xFFFFFFFF  }
0xa7: {  	s28 =	simm.s32 $_size_execute0_lowered;
	s2 =	sadd.s32 s2, s4;
	[dreg:$0x0] =	wrdreg $0x0  }
0xa8: {  	s4 =	sshll.u32 s28, $0x1;
	[dreg:$0x2] =	wrdreg s2  }
0xa9: {  	[dreg:$0x3] =	wrdreg s4  }
0xaa: {  	[dreg:$0x4] =	wrdreg $0xC0  }
0xab: {  	_ =	task [dreg:s6], $0x5FFFF  }
0xac: {  	[dreg:$0x1] =	wrdreg $0xFFFFFFFF  }
0xad: {  	[dreg:$0x0] =	wrdreg $0x60  }
0xae: {  	[dreg:$0x2] =	wrdreg s24  }
0xaf: {  	[dreg:$0x3] =	wrdreg $0x9  }
0xb0: {  	_ =	task.clear_ibuf [dreg:s6], $0x4FFFF;
	_ =	strace $0x90000049  }
0xb1: {  	s29 =	simm.s32 $0x9;
	_ =	strace $0x8000004B  }
0xb2: {  	_ =	swait.ge [sflag:s29], $0x1  }
0xb3: {  	[sflag:s29] =	ssyncadd.s32 $0xFFFFFFFF  }
0xb4: {  	_ =	strace $0x9000004B  }
0xb5: {  	_ =	sfence  }
0xb6: {  	s30 =	sld [smem:$0x0];
	_ =	sdelay $0x2  }
0xb7: {  	s31 =	sshll.u32 s1, $0xD;
	s1 =	sshrl.u32 s1, $0x2  }
0xb8: {  	s3 =	sand.u32 $0x4000, s31;
	s1 =	sadd.s32 s1, s30  }
0xb9: {  	s0 =	sor.u32 s3, s0;
	s1 =	sshll.u32 s1, $0x11  }
0xba: {  	s0 =	sor.u32 s1, s0  }
0xbb: {  	s0 =	sadd.s32 $0x8F2B, s0  }
0xbc: {  	[sflag:s0] =	ssyncadd.remote.s32 $0x1  }
0xbd: {  	_ =	sfence.sel $0xFFFF  }
0xbe: {  	[dreg:$0x0] =	wrdreg $0xFFFFFFFF;
	(pc) =	sbr.abs _section_cstart, $3  }
0xbf: {  	[dreg:$0x1] =	wrdreg $0xFFFFFFFF  }
0xc0: {  	_ =	task.clear_ibuf [dreg:s6], $0x2FFFF;
	_ =	strace $0x9FFFFFFF  }
0xc1: {  	(tm) =	ssettm $0x7FFFFFFF  }
tec
execute0_lowered:
.L_overlay_start_1:
0x0: {  	(tag) =	ssettag $0x1  }
0x1: {  	s4 =	rddreg [dreg:$0x0]  }
0x2: {  	s0 =	rddreg [dreg:$0x1];
	s2 =	simm.s32 $0x0;
	s3 =	srdreg.scid  }
0x3: {  	s1 =	stileid.u32;
	s10 =	simm.s32 $0x0;
	[smem:$0x7FF] =	sst s2  }
0x4: {  	s5 =	sand.u32 $0x1, s3;
	s6 =	sshll.u32 s1, $0xE;
	s3 =	sadd.s32 $0x214200, s4  }
0x5: {  	s8 =	sshll.u32 s1, $0x12;
	_ =	strace $0x8000004A;
	s7 =	sshll.u32 s5, $0xD  }
0x6: {  	s31 =	ssub.s32 $0x2, s5;
	s8 =	sadd.s32 s8, s4;
	s5 =	sshll.u32 s5, $0x11  }
0x7: {  	s6 =	sor.u32 s7, s6;
	s9 =	sshrl.u32 s31, $0x1;
	s5 =	sadd.s32 s5, s8  }
0x8: {  	s8 =	simm.s32 $0x200;
	s6 =	sshrl.u32 s6, $0x3;
	s7 =	ssub.s32 s31, s9  }
0x9: {  	s5 =	sadd.s32 $0x334200, s5;
	s9 =	simm.s32 $0x1;
	s6 =	sadd.s32 s6, s4  }
0xa: {  	s4 =	smax.u32 s7, $0x1;
	s7 =	simm.s32 $0x2;
	s6 =	sadd.s32 $0x14200, s6  }
.LBB2_1:
0xb: {  	s11 =	sadd.s32 $0x0, s6  }
0xc: {  	[tilespmem:s2], [sflag:$0x2] =	stream.linear.gather [hbm4b:s11+s2], $0x200, $0x38;
	[tilespmem:$0x10200] =	vst v63  }
0xd: {  	_ =	swait.ge [sflag:s7], $0x200  }
0xe: {  	[sflag:s7] =	ssyncset.done $0x0  }
0xf: {  	[sflag:s7] =	ssyncadd.s32 $0xFFFFFE00  }
0x10: {  	[tilespmem:s8], [sflag:$0x1] =	stream.indirect.gather [hbm4b:s3+s8], $0x80, s2, s8, $0xb8;
	[tilespmem:$0x10200] =	vst v63  }
0x11: {  	_ =	swait.ge [sflag:s9], $0x10000  }
0x12: {  	[sflag:s9] =	ssyncset.done $0x0  }
0x13: {  	[sflag:s9] =	ssyncadd.s32 $0xFFFF0000  }
0x14: {  	[hbm4b:s5+s2] =	stream.linear.scatter [tilespmem:s8], [sflag:$0x2], $0x10000, $0x38;
	[tilespmem:$0x10200] =	vst v63  }
0x15: {  	s12 =	simm.s32 $0x40;
	_ =	swait.ge [sflag:s7], $0x10000  }
0x16: {  	s13 =	simm.s32 $0x80;
	s11 =	sadd.s32 $0x2000, s5;
	[sflag:s7] =	ssyncset.done $0x0  }
.LBB2_2:
0x17: {  	s14 =	sadd.s32 s12, s6  }
0x18: {  	[sflag:s7] =	ssyncadd.s32 $0xFFFF0000;
	s12 =	smov.u32 s13;
	s15 =	sadd.s32 $0x40, s13  }
0x19: {  	[tilespmem:s2], [sflag:$0x2] =	stream.linear.gather [hbm4b:s14+s2], $0x200, $0x38;
	[tilespmem:$0x10200] =	vst v63  }
0x1a: {  	p0 =	sne.s32 s13, $0x3C0;
	_ =	swait.ge [sflag:s7], $0x200  }
0x1b: {  	[sflag:s7] =	ssyncset.done $0x0  }
0x1c: {  	[sflag:s7] =	ssyncadd.s32 $0xFFFFFE00  }
0x1d: {  	[tilespmem:s8], [sflag:$0x1] =	stream.indirect.gather [hbm4b:s3+s8], $0x80, s2, s8, $0xb8;
	[tilespmem:$0x10200] =	vst v63  }
0x1e: {  	_ =	swait.ge [sflag:s9], $0x10000  }
.Ltmp0:
0x1f: {  	[sflag:s9] =	ssyncset.done $0x0;
	(pc) =	sbr.rel @p0 .LBB2_2-.Ltmp0, $4  }
0x20: {  	[sflag:s9] =	ssyncadd.s32 $0xFFFF0000  }
0x21: {  	[hbm4b:s11+s2] =	stream.linear.scatter [tilespmem:s8], [sflag:$0x2], $0x10000, $0x38;
	[tilespmem:$0x10200] =	vst v63  }
0x22: {  	_ =	swait.ge [sflag:s7], $0x10000  }
0x23: {  	s13 =	smov.u32 s15;
	s11 =	sadd.s32 $0x2000, s11;
	[sflag:s7] =	ssyncset.done $0x0  }
0x24: {  	s12 =	sadd.s32 s12, s6;
	[sflag:s7] =	ssyncadd.s32 $0xFFFF0000  }
0x25: {  	[tilespmem:s2], [sflag:$0x2] =	stream.linear.gather [hbm4b:s12+s2], $0x200, $0x38;
	[tilespmem:$0x10200] =	vst v63  }
0x26: {  	_ =	swait.ge [sflag:s7], $0x200  }
0x27: {  	[sflag:s7] =	ssyncset.done $0x0  }
0x28: {  	[sflag:s7] =	ssyncadd.s32 $0xFFFFFE00  }
0x29: {  	[tilespmem:s8], [sflag:$0x1] =	stream.indirect.gather [hbm4b:s3+s8], $0x80, s2, s8, $0xb8;
	[tilespmem:$0x10200] =	vst v63  }
0x2a: {  	s10 =	sadd.s32 $0x1, s10;
	_ =	swait.ge [sflag:s9], $0x10000  }
0x2b: {  	p0 =	sne.s32 s10, s4;
	[sflag:s9] =	ssyncset.done $0x0  }
.Ltmp1:
0x2c: {  	[sflag:s9] =	ssyncadd.s32 $0xFFFF0000;
	(pc) =	sbr.rel @p0 .LBB2_1-.Ltmp1, $4  }
0x2d: {  	[hbm4b:s11+s2] =	stream.linear.scatter [tilespmem:s8], [sflag:$0x2], $0x10000, $0x38;
	[tilespmem:$0x10200] =	vst v63  }
0x2e: {  	_ =	swait.ge [sflag:s7], $0x10000  }
0x2f: {  	[sflag:s7] =	ssyncset.done $0x0  }
0x30: {  	[sflag:s7] =	ssyncadd.s32 $0xFFFF0000  }
0x31: {  	_ =	sfence.sel $0x180000  }
0x32: {  	[bflag:$0x0] =	sbarrier.arrive $0xFFFF  }
0x33: {  	p0 =	sne.s32 s1, $0x0;
	_ =	strace $0x9000004A  }
0x34: {  	s0 =	sadd.s32 @!p0 $0x100000, s0;
	[bflag:$0x2] =	sbarrier.arrive $0xFFFF  }
0x35: {  	[sflag:s0] =	ssyncadd.tile.s32 @!p0 $0x1;
	_ =	shalt  }
.Lfunc_end2:
_tile_overlayer_lowered:
.L_overlay_start_2:
0x36: {  	(tag) =	ssettag $0x2  }
0x37: {  	s0 =	rddreg [dreg:$0x0];
	s2 =	stileid.u32  }
0x38: {  	s1 =	rddreg [dreg:$0x1];
	p0 =	sne.s32 s2, $0x0  }
0x39: {  	s3 =	rddreg [dreg:$0x2];
	[bflag:$0x3] =	sbarrier.arrive $0xFFFF;
	s2 =	simm.s32 @!p0 $0x1C02  }
0x3a: {  	[timem:s3], [sflag:s2] =	dma.local @!p0 [hbm:s0], s1  }
0x3b: {  	s0 =	simm.s32 @!p0 $0x2  }
0x3c: {  	_ =	swait.ge @!p0 [sflag:s0], s1  }
0x3d: {  	s1 =	ssub.s32 @!p0 $0x0, s1;
	[sflag:s0] =	ssyncset.done @!p0 $0x0  }
0x3e: {  	[sflag:s0] =	ssyncadd.s32 @!p0 s1  }
0x3f: {  	[bflag:$0x3] =	sbarrier.arrive $0xFFFF  }
0x40: {  	_ =	shalt  }

// kernel: kernel.14.cloned.1.call-start
scs
__scs_entry_jumppad:
0x0: {  	(pc) =	sbr.rel $0x88, $3  }
0x1: {  	(tag) =	ssettag $0x0;
	lr =	simm.s32 $0x1  }
0x2: {  	[smem:$0x3F89] =	sst lr;
	_ =	strace $0xD0000000  }
0x3: {  	_ = 	snop  }
0x4: {  	_ = 	snop  }
0x5: {  	_ = 	snop  }
0x6: {  	_ = 	snop  }
0x7: {  	_ = 	snop  }
__scs_overlays_trampoline_lowered:
0x8: {  	[smem:$0x3F98] =	sst s0  }
0x9: {  	[smem:$0x3F99] =	sst s1  }
0xa: {  	[smem:$0x3F9A] =	sst s2  }
0xb: {  	[smem:$0x3F9B] =	sst s3  }
0xc: {  	[smem:$0x3F9C] =	sst s4  }
0xd: {  	[smem:$0x3F9D] =	sst s5  }
0xe: {  	[smem:$0x3F9E] =	sst s6  }
0xf: {  	[smem:$0x3F9F] =	sst s7  }
0x10: {  	[smem:$0x3FA0] =	sst s8  }
0x11: {  	[smem:$0x3FA1] =	sst s9;
	s0 =	simm.s32 @!p0 $0x0  }
0x12: {  	s1 =	sld [smem:$0x3F87];
	s0 =	simm.s32 @p0 $0x1  }
0x13: {  	[smem:$0x3FA2] =	sst s0;
	s0 =	simm.s32 @!p1 $0x0  }
0x14: {  	s2 =	sld [smem:$0x3F86];
	s0 =	simm.s32 @p1 $0x1  }
0x15: {  	[smem:$0x3FA3] =	sst s0;
	s0 =	simm.s32 @!p2 $0x0  }
0x16: {  	s3 =	sld [smem:$0x3FDB];
	s0 =	simm.s32 @p2 $0x1  }
0x17: {  	s4 =	simm.s32 $0x1BF5;
	[smem:$0x3FA5] =	sst s0  }
0x18: {  	s0 =	sld [smem:$0x3F88];
	_ =	swait.ge [sflag:s4], $0x0  }
0x19: {  	s7 =	sld [smem:$0x3F89]  }
0x1a: {  	s8 =	sadd.s32 $0xFFFFE003, lr  }
0x1b: {  	s9 =	sadd.s32 $0xFFFFFEF7, lr;
	s5 =	simm.s32 $0xFFFFFFFF;
	p2 =	slt.u32 s8, $0xFFFFF086  }
0x1c: {  	p1 =	slt.u32 s9, $0xF7A;
	s5 =	simm.s32 @!p2 $0x0  }
0x1d: {  	s5 =	simm.s32 @p1 $0x1;
	p0 =	seq.s32 s7, s2  }
0x1e: {  	s7 =	smul.u32 @!p0 $0xF7A, s2;
	p2 =	seq.s32 @!p0 s5, $0x0  }
0x1f: {  	s9 =	smul.u32 $0xF7A, s1;
	s8 =	simm.s32 @!p0 $0x1BF5;
	p2 =	por !p2, p0  }
0x20: {  	[sflag:s8] =	ssyncset.s32 @!p0 $0xFFFFF086;
	s6 =	sadd.s32 @!p0 s3, s7;
	s7 =	simm.s32 @!p0 $0x108  }
0x21: {  	s3 =	sadd.s32 s3, s9;
	s6 =	sadd.s32 @!p0 $0x88, s6;
	s7 =	simm.s32 @p2 $0x1082  }
0x22: {  	[simem:s7], [sflag:s8] =	dma.local @!p0 [hbm:s6], $0xF7A  }
0x23: {  	s9 =	sor.u32 $0xD0000000, s2;
	s6 =	simm.s32 $0x108;
	_ =	swait.ge @!p0 [sflag:s8], $0x0  }
0x24: {  	s3 =	sadd.s32 $0x88, s3;
	s6 =	simm.s32 @!p1 $0x1082;
	[sflag:s4] =	ssyncset.s32 $0xFFFFF086  }
0x25: {  	[simem:s6], [sflag:s4] =	dma.local [hbm:s3], $0xF7A  }
0x26: {  	[smem:$0x3F89] =	sst s1;
	(tag) =	ssettag s2;
	_ =	strace s9  }
0x27: {  	s1 =	sld [smem:$0x3F99]  }
0x28: {  	s2 =	sld [smem:$0x3F9A]  }
0x29: {  	s4 =	sld [smem:$0x3F9C]  }
0x2a: {  	p0 =	seq.s32 s5, $0x0;
	s5 =	sld [smem:$0x3F9D]  }
0x2b: {  	s6 =	sld [smem:$0x3F9E]  }
0x2c: {  	s7 =	sld [smem:$0x3F9F]  }
0x2d: {  	s3 =	simm.s32 $0x108;
	s8 =	sld [smem:$0x3FA0]  }
0x2e: {  	s3 =	simm.s32 @!p0 $0x1082;
	s9 =	sld [smem:$0x3FA1]  }
0x2f: {  	lr =	sadd.s32 s0, s3;
	s0 =	sld [smem:$0x3F98]  }
0x30: {  	s3 =	sld [smem:$0x3F9B]  }
0x31: {  	[smem:$0x3FA4] =	sst s10  }
0x32: {  	s10 =	sld [smem:$0x3FA2];
	_ =	sdelay $0x3  }
0x33: {  	p0 =	seq.s32 s10, $0x1;
	s10 =	sld [smem:$0x3FA4];
	_ =	sdelay $0x3  }
0x34: {  	[smem:$0x3FA4] =	sst s10  }
0x35: {  	s10 =	sld [smem:$0x3FA3];
	_ =	sdelay $0x3  }
0x36: {  	p1 =	seq.s32 s10, $0x1;
	s10 =	sld [smem:$0x3FA4];
	_ =	sdelay $0x3  }
0x37: {  	[smem:$0x3FA4] =	sst s10  }
0x38: {  	s10 =	sld [smem:$0x3FA5]  }
0x39: {  	_ = 	snop;
	(pc) =	sbr.ind lr, $3  }
0x3a: {  	_ = 	snop  }
0x3b: {  	_ = 	snop  }
0x3c: {  	p2 =	seq.s32 s10, $0x1;
	s10 =	sld [smem:$0x3FA4]  }
0x3d: {  	_ =	shalt  }
0x3e: {  	_ =	shalt  }
0x3f: {  	_ =	shalt  }
0x40: {  	_ =	shalt  }
0x41: {  	_ =	shalt  }
0x42: {  	_ =	shalt  }
0x43: {  	_ =	shalt  }
0x44: {  	_ =	shalt  }
0x45: {  	_ =	shalt  }
0x46: {  	_ =	shalt  }
0x47: {  	_ =	shalt  }
0x48: {  	_ =	shalt  }
0x49: {  	_ =	shalt  }
0x4a: {  	_ =	shalt  }
0x4b: {  	_ =	shalt  }
0x4c: {  	_ =	shalt  }
0x4d: {  	_ =	shalt  }
0x4e: {  	_ =	shalt  }
0x4f: {  	_ =	shalt  }
0x50: {  	_ =	shalt  }
0x51: {  	_ =	shalt  }
0x52: {  	_ =	shalt  }
0x53: {  	_ =	shalt  }
0x54: {  	_ =	shalt  }
0x55: {  	_ =	shalt  }
0x56: {  	_ =	shalt  }
0x57: {  	_ =	shalt  }
0x58: {  	_ =	shalt  }
0x59: {  	_ =	shalt  }
0x5a: {  	_ =	shalt  }
0x5b: {  	_ =	shalt  }
0x5c: {  	_ =	shalt  }
0x5d: {  	_ =	shalt  }
0x5e: {  	_ =	shalt  }
0x5f: {  	_ =	shalt  }
0x60: {  	_ =	shalt  }
0x61: {  	_ =	shalt  }
0x62: {  	_ =	shalt  }
0x63: {  	_ =	shalt  }
0x64: {  	_ =	shalt  }
0x65: {  	_ =	shalt  }
0x66: {  	_ =	shalt  }
0x67: {  	_ =	shalt  }
0x68: {  	_ =	shalt  }
0x69: {  	_ =	shalt  }
0x6a: {  	_ =	shalt  }
0x6b: {  	_ =	shalt  }
0x6c: {  	_ =	shalt  }
0x6d: {  	_ =	shalt  }
0x6e: {  	_ =	shalt  }
0x6f: {  	_ =	shalt  }
0x70: {  	_ =	shalt  }
0x71: {  	_ =	shalt  }
0x72: {  	_ =	shalt  }
0x73: {  	_ =	shalt  }
0x74: {  	_ =	shalt  }
0x75: {  	_ =	shalt  }
0x76: {  	_ =	shalt  }
0x77: {  	_ =	shalt  }
0x78: {  	_ =	shalt  }
0x79: {  	_ =	shalt  }
0x7a: {  	_ =	shalt  }
0x7b: {  	_ =	shalt  }
0x7c: {  	_ =	shalt  }
0x7d: {  	_ =	shalt  }
0x7e: {  	_ =	shalt  }
0x7f: {  	_ =	shalt  }
0x80: {  	_ =	shalt  }
0x81: {  	_ =	shalt  }
0x82: {  	_ =	shalt  }
0x83: {  	_ =	shalt  }
0x84: {  	_ =	shalt  }
0x85: {  	_ =	shalt  }
0x86: {  	_ =	shalt  }
0x87: {  	_ =	shalt  }
.Lfunc_end0:
.L_simem_size_0:
called_computation.2_lowered:
.L_overlay_start_0:
0x88: {  	s2 =	sld [smem:$0x3FD9]  }
0x89: {  	s3 =	sld [smem:$0x3FFE];
	_ =	sdelay $0x1  }
0x8a: {  	s1 =	srdreg.scid  }
0x8b: {  	s0 =	sand.u32 $0x1, s1  }
0x8c: {  	s16 =	sshll.u32 s0, $0xA;
	s2 =	sadd.s32 s3, s2  }
0x8d: {  	s2 =	sadd.s32 s2, s16  }
0x8e: {  	[smem:$0x3FB0] =	sst s2  }
0x8f: {  	_ = 	snop  }
0x90: {  	(tm) =	ssettm $0x1  }
0x91: {  	s17 =	sld [smem:$0x3FFB];
	_ =	sdelay $0x3  }
0x92: {  	_ =	strace s17  }
0x93: {  	s2 =	sld [smem:$0x3FFC];
	_ =	sdelay $0x3  }
0x94: {  	_ =	strace s2  }
0x95: {  	s2 =	sld [smem:$0x3FFD];
	_ =	sdelay $0x3  }
0x96: {  	_ =	strace s2  }
0x97: {  	_ =	strace $0x8FFFFFFF  }
0x98: {  	s18 =	sld [smem:$0x3FDB];
	_ =	sdelay $0x1  }
0x99: {  	s19 =	simm.s32 $_scs_section_size  }
0x9a: {  	s4 =	simm.s32 $_size__tile_overlayer_lowered;
	s5 =	simm.s32 $_tile_overlayer_lowered  }
0x9b: {  	s22 =	simm.s32 $0x1BFF;
	s21 =	sshll.u32 s5, $0x1;
	s2 =	sadd.s32 s19, s18  }
0x9c: {  	s6 =	simm.s32 $0x0;
	s20 =	sshll.u32 s4, $0x1;
	s4 =	sadd.s32 s21, s2  }
0x9d: {  	[timem:s6], [sflag:s22] =	dma.local [hbm:s4], s20  }
0x9e: {  	_ =	swait.ge [sflag:s22], s20  }
0x9f: {  	s3 =	ssub.s32 $0x0, s20;
	[sflag:s22] =	ssyncset.done $0x0  }
0xa0: {  	[sflag:s22] =	ssyncadd.s32 s3;
	_ =	sdelay $0x1  }
0xa1: {  	s23 =	simm.s32 $0x1B8B  }
0xa2: {  	_ =	swait.ge [sflag:s23], $0x1  }
0xa3: {  	[sflag:s23] =	ssyncset.done $0x0  }
0xa4: {  	s25 =	simm.s32 $0x1B8E;
	s24 =	sld [smem:$0x3FFE];
	[sflag:s23] =	ssyncadd.s32 $0xFFFFFFFF  }
0xa5: {  	s26 =	simm.s32 $execute0_lowered;
	[smem:$0x3FD2] =	sst s25  }
0xa6: {  	s4 =	sshll.u32 s26, $0x1;
	_ =	strace $0x8000004C;
	[dreg:$0x1] =	wrdreg $0xFFFFFFFF  }
0xa7: {  	s28 =	simm.s32 $_size_execute0_lowered;
	s2 =	sadd.s32 s2, s4;
	[dreg:$0x0] =	wrdreg $0x0  }
0xa8: {  	s4 =	sshll.u32 s28, $0x1;
	[dreg:$0x2] =	wrdreg s2  }
0xa9: {  	[dreg:$0x3] =	wrdreg s4  }
0xaa: {  	[dreg:$0x4] =	wrdreg $0xC0  }
0xab: {  	_ =	task [dreg:s6], $0x5FFFF  }
0xac: {  	[dreg:$0x1] =	wrdreg $0xFFFFFFFF  }
0xad: {  	[dreg:$0x0] =	wrdreg $0x60  }
0xae: {  	[dreg:$0x2] =	wrdreg s24  }
0xaf: {  	[dreg:$0x3] =	wrdreg $0x9  }
0xb0: {  	_ =	task.clear_ibuf [dreg:s6], $0x4FFFF;
	_ =	strace $0x9000004C  }
0xb1: {  	s29 =	simm.s32 $0x9;
	_ =	strace $0x8000004E  }
0xb2: {  	_ =	swait.ge [sflag:s29], $0x1  }
0xb3: {  	[sflag:s29] =	ssyncadd.s32 $0xFFFFFFFF  }
0xb4: {  	_ =	strace $0x9000004E  }
0xb5: {  	_ =	sfence  }
0xb6: {  	s30 =	sld [smem:$0x0];
	_ =	sdelay $0x2  }
0xb7: {  	s31 =	sshll.u32 s1, $0xD;
	s1 =	sshrl.u32 s1, $0x2  }
0xb8: {  	s3 =	sand.u32 $0x4000, s31;
	s1 =	sadd.s32 s1, s30  }
0xb9: {  	s0 =	sor.u32 s3, s0;
	s1 =	sshll.u32 s1, $0x11  }
0xba: {  	s0 =	sor.u32 s1, s0  }
0xbb: {  	s0 =	sadd.s32 $0x8F2B, s0  }
0xbc: {  	[sflag:s0] =	ssyncadd.remote.s32 $0x1  }
0xbd: {  	_ =	sfence.sel $0xFFFF  }
0xbe: {  	[dreg:$0x0] =	wrdreg $0xFFFFFFFF;
	(pc) =	sbr.abs _section_cstart, $3  }
0xbf: {  	[dreg:$0x1] =	wrdreg $0xFFFFFFFF  }
0xc0: {  	_ =	task.clear_ibuf [dreg:s6], $0x2FFFF;
	_ =	strace $0x9FFFFFFF  }
0xc1: {  	(tm) =	ssettm $0x7FFFFFFF  }
tec
execute0_lowered:
.L_overlay_start_1:
0x0: {  	(tag) =	ssettag $0x1  }
0x1: {  	s1 =	srdreg.scid  }
0x2: {  	s0 =	stileid.u32;
	s14 =	sand.u32 $0x1, s1  }
0x3: {  	s8 =	rddreg [dreg:$0x0];
	s3 =	sshll.u32 s0, $0xC;
	s4 =	sshll.u32 s14, $0xB  }
0x4: {  	s2 =	simm.s32 $0x0;
	s1 =	rddreg [dreg:$0x1];
	s13 =	sor.u32 s4, s3  }
0x5: {  	[smem:$0x7FF] =	sst s2;
	s15 =	sadd.s32 $0x3400, s8;
	s3 =	sshrl.u32 s13, $0x3  }
0x6: {  	_ =	strace $0x8000004D;
	s4 =	sadd.s32 s15, s3;
	s3 =	simm.s32 $0x2  }
0x7: {  	[tilespmem:s2], [sflag:$0x2] =	stream.linear.gather [hbm4b:s4+s2], $0x200, $0x38;
	[tilespmem:$0x10200] =	vst v63  }
0x8: {  	_ =	swait.ge [sflag:s3], $0x200  }
0x9: {  	s6 =	simm.s32 $0x200;
	[sflag:s3] =	ssyncset.done $0x0  }
0xa: {  	s7 =	simm.s32 $0x1;
	s5 =	sadd.s32 $0x5400, s8;
	[sflag:s3] =	ssyncadd.s32 $0xFFFFFE00  }
0xb: {  	[tilespmem:s6], [sflag:$0x1] =	stream.indirect.gather [hbm4b:s5+s6], $0x80, s2, s6, $0xb8;
	[tilespmem:$0x10200] =	vst v63  }
0xc: {  	_ =	swait.ge [sflag:s7], $0x10000  }
0xd: {  	s16 =	sadd.s32 $0x15400, s8;
	s29 =	sshll.u32 s13, $0x4;
	[sflag:s7] =	ssyncset.done $0x0  }
0xe: {  	s8 =	sadd.s32 s16, s29;
	[sflag:s7] =	ssyncadd.s32 $0xFFFF0000  }
0xf: {  	[hbm4b:s8+s2] =	stream.linear.scatter [tilespmem:s6], [sflag:$0x2], $0x10000, $0x38;
	[tilespmem:$0x10200] =	vst v63  }
0x10: {  	s10 =	sor.u32 $0x200, s13;
	_ =	swait.ge [sflag:s3], $0x10000  }
0x11: {  	s9 =	sshrl.u32 s10, $0x3;
	[sflag:s3] =	ssyncset.done $0x0  }
0x12: {  	s9 =	sadd.s32 s15, s9;
	[sflag:s3] =	ssyncadd.s32 $0xFFFF0000  }
0x13: {  	[tilespmem:s2], [sflag:$0x2] =	stream.linear.gather [hbm4b:s9+s2], $0x200, $0x38;
	[tilespmem:$0x10200] =	vst v63  }
0x14: {  	_ =	swait.ge [sflag:s3], $0x200  }
0x15: {  	[sflag:s3] =	ssyncset.done $0x0  }
0x16: {  	[sflag:s3] =	ssyncadd.s32 $0xFFFFFE00  }
0x17: {  	[tilespmem:s6], [sflag:$0x1] =	stream.indirect.gather [hbm4b:s5+s6], $0x80, s2, s6, $0xb8;
	[tilespmem:$0x10200] =	vst v63  }
0x18: {  	_ =	swait.ge [sflag:s7], $0x10000  }
0x19: {  	s10 =	sshll.u32 s10, $0x4;
	[sflag:s7] =	ssyncset.done $0x0  }
0x1a: {  	s10 =	sadd.s32 s16, s10;
	[sflag:s7] =	ssyncadd.s32 $0xFFFF0000  }
0x1b: {  	[hbm4b:s10+s2] =	stream.linear.scatter [tilespmem:s6], [sflag:$0x2], $0x10000, $0x38;
	[tilespmem:$0x10200] =	vst v63  }
0x1c: {  	s12 =	sor.u32 $0x400, s13;
	_ =	swait.ge [sflag:s3], $0x10000  }
0x1d: {  	s11 =	sshrl.u32 s12, $0x3;
	[sflag:s3] =	ssyncset.done $0x0  }
0x1e: {  	s11 =	sadd.s32 s15, s11;
	[sflag:s3] =	ssyncadd.s32 $0xFFFF0000  }
0x1f: {  	[tilespmem:s2], [sflag:$0x2] =	stream.linear.gather [hbm4b:s11+s2], $0x200, $0x38;
	[tilespmem:$0x10200] =	vst v63  }
0x20: {  	_ =	swait.ge [sflag:s3], $0x200  }
0x21: {  	[sflag:s3] =	ssyncset.done $0x0  }
0x22: {  	[sflag:s3] =	ssyncadd.s32 $0xFFFFFE00  }
0x23: {  	[tilespmem:s6], [sflag:$0x1] =	stream.indirect.gather [hbm4b:s5+s6], $0x80, s2, s6, $0xb8;
	[tilespmem:$0x10200] =	vst v63  }
0x24: {  	_ =	swait.ge [sflag:s7], $0x10000  }
0x25: {  	s12 =	sshll.u32 s12, $0x4;
	[sflag:s7] =	ssyncset.done $0x0  }
0x26: {  	s12 =	sadd.s32 s16, s12;
	[sflag:s7] =	ssyncadd.s32 $0xFFFF0000  }
0x27: {  	[hbm4b:s12+s2] =	stream.linear.scatter [tilespmem:s6], [sflag:$0x2], $0x10000, $0x38;
	[tilespmem:$0x10200] =	vst v63  }
0x28: {  	s17 =	sor.u32 $0x600, s13;
	_ =	swait.ge [sflag:s3], $0x10000  }
0x29: {  	s13 =	sshrl.u32 s17, $0x3;
	[sflag:s3] =	ssyncset.done $0x0  }
0x2a: {  	s14 =	ssub.s32 $0x2, s14;
	s13 =	sadd.s32 s15, s13;
	[sflag:s3] =	ssyncadd.s32 $0xFFFF0000  }
0x2b: {  	[tilespmem:s2], [sflag:$0x2] =	stream.linear.gather [hbm4b:s13+s2], $0x200, $0x38;
	[tilespmem:$0x10200] =	vst v63  }
0x2c: {  	s30 =	sshrl.u32 s14, $0x1;
	_ =	swait.ge [sflag:s3], $0x200  }
0x2d: {  	s15 =	ssub.s32 s14, s30;
	[sflag:s3] =	ssyncset.done $0x0  }
0x2e: {  	s15 =	smax.u32 s15, $0x1;
	[sflag:s3] =	ssyncadd.s32 $0xFFFFFE00  }
0x2f: {  	[tilespmem:s6], [sflag:$0x1] =	stream.indirect.gather [hbm4b:s5+s6], $0x80, s2, s6, $0xb8;
	[tilespmem:$0x10200] =	vst v63  }
0x30: {  	p0 =	sne.s32 s15, $0x1;
	_ =	swait.ge [sflag:s7], $0x10000  }
.Ltmp0:
0x31: {  	s31 =	sshll.u32 s17, $0x4;
	[sflag:s7] =	ssyncset.done $0x0;
	(pc) =	sbr.rel @!p0 .LBB2_2-.Ltmp0, $4  }
0x32: {  	s14 =	sadd.s32 s16, s31;
	[sflag:s7] =	ssyncadd.s32 $0xFFFF0000  }
0x33: {  	[hbm4b:s14+s2] =	stream.linear.scatter [tilespmem:s6], [sflag:$0x2], $0x10000, $0x38;
	[tilespmem:$0x10200] =	vst v63  }
0x34: {  	_ =	swait.ge [sflag:s3], $0x10000  }
0x35: {  	s15 =	sadd.s32 $0xFFFFFFFF, s15;
	[sflag:s3] =	ssyncset.done $0x0  }
.LBB2_1:
0x36: {  	p0 =	sne.s32 s15, $0x1;
	s15 =	sadd.s32 $0xFFFFFFFF, s15;
	[sflag:s3] =	ssyncadd.s32 $0xFFFF0000  }
0x37: {  	[tilespmem:s2], [sflag:$0x2] =	stream.linear.gather [hbm4b:s4+s2], $0x200, $0x38;
	[tilespmem:$0x10200] =	vst v63  }
0x38: {  	_ =	swait.ge [sflag:s3], $0x200  }
0x39: {  	[sflag:s3] =	ssyncset.done $0x0  }
0x3a: {  	[sflag:s3] =	ssyncadd.s32 $0xFFFFFE00  }
0x3b: {  	[tilespmem:s6], [sflag:$0x1] =	stream.indirect.gather [hbm4b:s5+s6], $0x80, s2, s6, $0xb8;
	[tilespmem:$0x10200] =	vst v63  }
0x3c: {  	_ =	swait.ge [sflag:s7], $0x10000  }
0x3d: {  	[sflag:s7] =	ssyncset.done $0x0  }
0x3e: {  	[sflag:s7] =	ssyncadd.s32 $0xFFFF0000  }
0x3f: {  	[hbm4b:s8+s2] =	stream.linear.scatter [tilespmem:s6], [sflag:$0x2], $0x10000, $0x38;
	[tilespmem:$0x10200] =	vst v63  }
0x40: {  	_ =	swait.ge [sflag:s3], $0x10000  }
0x41: {  	[sflag:s3] =	ssyncset.done $0x0  }
0x42: {  	[sflag:s3] =	ssyncadd.s32 $0xFFFF0000  }
0x43: {  	[tilespmem:s2], [sflag:$0x2] =	stream.linear.gather [hbm4b:s9+s2], $0x200, $0x38;
	[tilespmem:$0x10200] =	vst v63  }
0x44: {  	_ =	swait.ge [sflag:s3], $0x200  }
0x45: {  	[sflag:s3] =	ssyncset.done $0x0  }
0x46: {  	[sflag:s3] =	ssyncadd.s32 $0xFFFFFE00  }
0x47: {  	[tilespmem:s6], [sflag:$0x1] =	stream.indirect.gather [hbm4b:s5+s6], $0x80, s2, s6, $0xb8;
	[tilespmem:$0x10200] =	vst v63  }
0x48: {  	_ =	swait.ge [sflag:s7], $0x10000  }
0x49: {  	[sflag:s7] =	ssyncset.done $0x0  }
0x4a: {  	[sflag:s7] =	ssyncadd.s32 $0xFFFF0000  }
0x4b: {  	[hbm4b:s10+s2] =	stream.linear.scatter [tilespmem:s6], [sflag:$0x2], $0x10000, $0x38;
	[tilespmem:$0x10200] =	vst v63  }
0x4c: {  	_ =	swait.ge [sflag:s3], $0x10000  }
0x4d: {  	[sflag:s3] =	ssyncset.done $0x0  }
0x4e: {  	[sflag:s3] =	ssyncadd.s32 $0xFFFF0000  }
0x4f: {  	[tilespmem:s2], [sflag:$0x2] =	stream.linear.gather [hbm4b:s11+s2], $0x200, $0x38;
	[tilespmem:$0x10200] =	vst v63  }
0x50: {  	_ =	swait.ge [sflag:s3], $0x200  }
0x51: {  	[sflag:s3] =	ssyncset.done $0x0  }
0x52: {  	[sflag:s3] =	ssyncadd.s32 $0xFFFFFE00  }
0x53: {  	[tilespmem:s6], [sflag:$0x1] =	stream.indirect.gather [hbm4b:s5+s6], $0x80, s2, s6, $0xb8;
	[tilespmem:$0x10200] =	vst v63  }
0x54: {  	_ =	swait.ge [sflag:s7], $0x10000  }
0x55: {  	[sflag:s7] =	ssyncset.done $0x0  }
0x56: {  	[sflag:s7] =	ssyncadd.s32 $0xFFFF0000  }
0x57: {  	[hbm4b:s12+s2] =	stream.linear.scatter [tilespmem:s6], [sflag:$0x2], $0x10000, $0x38;
	[tilespmem:$0x10200] =	vst v63  }
0x58: {  	_ =	swait.ge [sflag:s3], $0x10000  }
0x59: {  	[sflag:s3] =	ssyncset.done $0x0  }
0x5a: {  	[sflag:s3] =	ssyncadd.s32 $0xFFFF0000  }
0x5b: {  	[tilespmem:s2], [sflag:$0x2] =	stream.linear.gather [hbm4b:s13+s2], $0x200, $0x38;
	[tilespmem:$0x10200] =	vst v63  }
0x5c: {  	_ =	swait.ge [sflag:s3], $0x200  }
0x5d: {  	[sflag:s3] =	ssyncset.done $0x0  }
0x5e: {  	[sflag:s3] =	ssyncadd.s32 $0xFFFFFE00  }
0x5f: {  	[tilespmem:s6], [sflag:$0x1] =	stream.indirect.gather [hbm4b:s5+s6], $0x80, s2, s6, $0xb8;
	[tilespmem:$0x10200] =	vst v63  }
0x60: {  	_ =	swait.ge [sflag:s7], $0x10000  }
.Ltmp1:
0x61: {  	[sflag:s7] =	ssyncset.done $0x0;
	(pc) =	sbr.rel @p0 .LBB2_1-.Ltmp1, $4  }
0x62: {  	[sflag:s7] =	ssyncadd.s32 $0xFFFF0000  }
0x63: {  	[hbm4b:s14+s2] =	stream.linear.scatter [tilespmem:s6], [sflag:$0x2], $0x10000, $0x38;
	[tilespmem:$0x10200] =	vst v63  }
0x64: {  	_ =	swait.ge [sflag:s3], $0x10000  }
0x65: {  	[sflag:s3] =	ssyncset.done $0x0  }
.LBB2_2:
0x66: {  	[sflag:s3] =	ssyncadd.s32 $0xFFFF0000  }
0x67: {  	_ =	sfence.sel $0x180000  }
0x68: {  	[bflag:$0x0] =	sbarrier.arrive $0xFFFF  }
0x69: {  	p0 =	sne.s32 s0, $0x0;
	_ =	strace $0x9000004D  }
0x6a: {  	s0 =	sadd.s32 @!p0 $0x100000, s1;
	[bflag:$0x2] =	sbarrier.arrive $0xFFFF  }
0x6b: {  	[sflag:s0] =	ssyncadd.tile.s32 @!p0 $0x1;
	_ =	shalt  }
.Lfunc_end2:
_tile_overlayer_lowered:
.L_overlay_start_2:
0x6c: {  	(tag) =	ssettag $0x2  }
0x6d: {  	s0 =	rddreg [dreg:$0x0];
	s2 =	stileid.u32  }
0x6e: {  	s1 =	rddreg [dreg:$0x1];
	p0 =	sne.s32 s2, $0x0  }
0x6f: {  	s3 =	rddreg [dreg:$0x2];
	[bflag:$0x3] =	sbarrier.arrive $0xFFFF;
	s2 =	simm.s32 @!p0 $0x1C02  }
0x70: {  	[timem:s3], [sflag:s2] =	dma.local @!p0 [hbm:s0], s1  }
0x71: {  	s0 =	simm.s32 @!p0 $0x2  }
0x72: {  	_ =	swait.ge @!p0 [sflag:s0], s1  }
0x73: {  	s1 =	ssub.s32 @!p0 $0x0, s1;
	[sflag:s0] =	ssyncset.done @!p0 $0x0  }
0x74: {  	[sflag:s0] =	ssyncadd.s32 @!p0 s1  }
0x75: {  	[bflag:$0x3] =	sbarrier.arrive $0xFFFF  }
0x76: {  	_ =	shalt  }

// kernel: sparse-core-data-format-call.cloned.1.call-start
scs
called_computation_lowered:
.L_overlay_start_0:
0x0: {  	s1 =	sld [smem:$0x3FD9]  }
0x1: {  	s2 =	sld [smem:$0x3FFE];
	_ =	sdelay $0x1  }
0x2: {  	s3 =	srdreg.scid  }
0x3: {  	s0 =	sand.u32 $0x1, s3  }
0x4: {  	s17 =	sshll.u32 s0, $0xA;
	s1 =	sadd.s32 s2, s1  }
0x5: {  	s1 =	sadd.s32 s1, s17  }
0x6: {  	[smem:$0x3FB0] =	sst s1  }
0x7: {  	_ = 	snop  }
0x8: {  	(tm) =	ssettm $0x1  }
0x9: {  	s18 =	sld [smem:$0x3FFB];
	_ =	sdelay $0x3  }
0xa: {  	_ =	strace s18  }
0xb: {  	s1 =	sld [smem:$0x3FFC];
	_ =	sdelay $0x3  }
0xc: {  	_ =	strace s1  }
0xd: {  	s1 =	sld [smem:$0x3FFD];
	_ =	sdelay $0x3  }
0xe: {  	_ =	strace s1  }
0xf: {  	_ =	strace $0x8FFFFFFF  }
0x10: {  	s19 =	sld [smem:$0x3FDB];
	_ =	sdelay $0x1  }
0x11: {  	s20 =	simm.s32 $_scs_section_size  }
0x12: {  	s4 =	simm.s32 $_size__tile_overlayer_lowered;
	s5 =	simm.s32 $_tile_overlayer_lowered  }
0x13: {  	s23 =	simm.s32 $0x1BFF;
	s22 =	sshll.u32 s5, $0x1;
	s1 =	sadd.s32 s20, s19  }
0x14: {  	s6 =	simm.s32 $0x0;
	s21 =	sshll.u32 s4, $0x1;
	s4 =	sadd.s32 s22, s1  }
0x15: {  	[timem:s6], [sflag:s23] =	dma.local [hbm:s4], s21  }
0x16: {  	_ =	swait.ge [sflag:s23], s21  }
0x17: {  	s2 =	ssub.s32 $0x0, s21;
	[sflag:s23] =	ssyncset.done $0x0  }
0x18: {  	[sflag:s23] =	ssyncadd.s32 s2;
	_ =	sdelay $0x1  }
0x19: {  	s24 =	simm.s32 $0x1B8B  }
0x1a: {  	_ =	swait.ge [sflag:s24], $0x1  }
0x1b: {  	[sflag:s24] =	ssyncset.done $0x0  }
0x1c: {  	s26 =	simm.s32 $0x1B8E;
	s25 =	sld [smem:$0x3FFE];
	[sflag:s24] =	ssyncadd.s32 $0xFFFFFFFF  }
0x1d: {  	s27 =	simm.s32 $execute0_lowered;
	[smem:$0x3FD2] =	sst s26  }
0x1e: {  	s4 =	sshll.u32 s27, $0x1;
	_ =	strace $0x80000046;
	[dreg:$0x1] =	wrdreg $0xFFFFFFFF  }
0x1f: {  	s28 =	simm.s32 $_size_execute0_lowered;
	s1 =	sadd.s32 s1, s4;
	[dreg:$0x0] =	wrdreg $0x0  }
0x20: {  	s4 =	sshll.u32 s28, $0x1;
	[dreg:$0x2] =	wrdreg s1  }
0x21: {  	[dreg:$0x3] =	wrdreg s4  }
0x22: {  	[dreg:$0x4] =	wrdreg $0xC0  }
0x23: {  	_ =	task [dreg:s6], $0x5FFFF  }
0x24: {  	[dreg:$0x1] =	wrdreg $0xFFFFFFFF  }
0x25: {  	[dreg:$0x0] =	wrdreg $0x60  }
0x26: {  	[dreg:$0x2] =	wrdreg s25  }
0x27: {  	[dreg:$0x3] =	wrdreg $0x9  }
0x28: {  	_ =	task.clear_ibuf [dreg:s6], $0x4FFFF;
	_ =	strace $0x90000046  }
0x29: {  	s29 =	simm.s32 $0x9;
	_ =	strace $0x80000048  }
0x2a: {  	_ =	swait.ge [sflag:s29], $0x1  }
0x2b: {  	[sflag:s29] =	ssyncadd.s32 $0xFFFFFFFF  }
0x2c: {  	_ =	strace $0x90000048  }
0x2d: {  	_ =	sfence  }
0x2e: {  	s30 =	sld [smem:$0x0];
	_ =	sdelay $0x2  }
0x2f: {  	s31 =	sshll.u32 s3, $0xD;
	s3 =	sshrl.u32 s3, $0x2  }
0x30: {  	s2 =	sand.u32 $0x4000, s31;
	s1 =	sadd.s32 s3, s30  }
0x31: {  	s0 =	sor.u32 s2, s0;
	s1 =	sshll.u32 s1, $0x11  }
0x32: {  	s0 =	sor.u32 s1, s0  }
0x33: {  	s0 =	sadd.s32 $0x8F2B, s0  }
0x34: {  	[sflag:s0] =	ssyncadd.remote.s32 $0x1  }
0x35: {  	_ =	sfence.sel $0xFFFF  }
0x36: {  	[dreg:$0x0] =	wrdreg $0xFFFFFFFF;
	(pc) =	sbr.abs _section_cstart, $3  }
0x37: {  	[dreg:$0x1] =	wrdreg $0xFFFFFFFF  }
0x38: {  	_ =	task.clear_ibuf [dreg:s6], $0x2FFFF;
	_ =	strace $0x9FFFFFFF  }
0x39: {  	(tm) =	ssettm $0x7FFFFFFF  }
tec
execute0_lowered:
.L_overlay_start_1:
0x0: {  	(tag) =	ssettag $0x1  }
0x1: {  	s0 =	stileid.u32;
	s1 =	srdreg.scid  }
0x2: {  	s4 =	rddreg [dreg:$0x0];
	s7 =	simm.s32 $0x1;
	s31 =	simm.s32 $0x2  }
0x3: {  	s16 =	simm.s32 $0x0;
	s2 =	sshll.u32 s0, $0x5;
	s1 =	sshll.u32 s1, $0x9  }
0x4: {  	s9 =	simm.s32 $0x2000;
	s14 =	simm.s32 $0x0;
	s1 =	sor.u32 s2, s1  }
0x5: {  	s15 =	simm.s32 $0x0;
	s10 =	simm.s32 $0x0;
	s2 =	sand.u32 $0x380, s1  }
0x6: {  	s13 =	simm.s32 $0x0;
	s3 =	sadd.s32 $0x14200, s4;
	s5 =	ssub.s32 $0x400, s2  }
0x7: {  	s4 =	sadd.s32 $0x114200, s4;
	s1 =	rddreg [dreg:$0x1];
	s6 =	sand.u32 $0x380, s5  }
.Ltmp0:
0x8: {  	_ =	strace $0x80000047;
	p0 =	sne.s32 s6, $0x0;
	(pc) =	sbr.rel .LBB1_1-.Ltmp0, $4  }
0x9: {  	s11 =	smov.u32 s2;
	s8 =	sshrl.u32 s5, $0xA;
	s7 =	simm.s32 @!p0 $0x0  }
0xa: {  	s5 =	sand.u32 $0x3, s0;
	s6 =	simm.s32 $0x1;
	s7 =	sadd.s32 s7, s8  }
0xb: {  	s12 =	smov.u32 s5;
	[sflag:s6] =	ssyncpa.u1 $0x0;
	s7 =	sshll.u32 s7, $0x4  }
0xc: {  	p0 =	por $0x0, $0x0;
	[sflag:s31] =	ssyncpa.u1 $0x0;
	s8 =	sor.u32 $0x1, s7  }
.LBB1_4:
0xd: {  	v5 =	vld [tilespmem:s20+$0xFFFFFFD0];
	[tilespmem:s19+$0x2040 ss:$0x81] =	vst.msk $0xffff, v1  }
0xe: {  	v58 =	vld [tilespmem:s20+$0xFFFFFFE0];
	[tilespmem:s19+$0x2850 ss:$0x81] =	vst.msk $0xffff, v2  }
0xf: {  	s21 =	sshra.s32 s21, $0x2;
	v59 =	vld [tilespmem:s20+$0xFFFFFFF0];
	[tilespmem:s19+$0x3060 ss:$0x81] =	vst.msk $0xffff, v3  }
0x10: {  	v60 =	vld [tilespmem:s20+$0x0];
	[tilespmem:s19+$0x0 ss:$0x81] =	vst.msk $0xffff, v0;
	s18 =	sadd.s32 s21, s18  }
0x11: {  	v61 =	vld [tilespmem:s20+$0x10];
	[tilespmem:s18+$0x3870 ss:$0x81] =	vst.msk $0xffff, v4  }
0x12: {  	v62 =	vld [tilespmem:s20+$0x20];
	s26 =	sshll.u32 s16, $0xA;
	s27 =	sshll.u32 s14, $0x3;
	[tilespmem:s18+$0x810 ss:$0x81] =	vst.msk $0xffff, v5  }
0x13: {  	v63 =	vld [tilespmem:s20+$0xFFFFFFC0];
	s29 =	sshll.u32 s16, $0x7;
	s30 =	sand.u32 $0x78, s14;
	s15 =	sshll.u32 s15, $0x12;
	[tilespmem:s18+$0x1020 ss:$0x81] =	vst.msk $0xffff, v58  }
0x14: {  	s19 =	sand.u32 $0x1FE000, s26;
	s28 =	sand.u32 $0x1FFC00, s27;
	s16 =	sand.u32 $0x380, s29;
	[tilespmem:s18+$0x1830 ss:$0x81] =	vst.msk $0xffff, v59  }
0x15: {  	s31 =	sand.u32 $0x7, s14;
	s19 =	sadd.s32 s28, s19;
	s16 =	sor.u32 s30, s16;
	[tilespmem:s18+$0x2040 ss:$0x81] =	vst.msk $0xffff, v60  }
0x16: {  	s15 =	sadd.s32 s4, s15;
	s19 =	sshrl.u32 s19, $0x3;
	s16 =	sshrl.u32 s16, $0x3;
	[tilespmem:s18+$0x2850 ss:$0x81] =	vst.msk $0xffff, v61  }
0x17: {  	s14 =	sshll.u32 s31, $0x12;
	s19 =	sand.u32 $0x3FF80, s19;
	s15 =	sadd.s32 s16, s15;
	[tilespmem:s18+$0x3060 ss:$0x81] =	vst.msk $0xffff, v62  }
0x18: {  	s14 =	sor.u32 $0x400, s14;
	[tilespmem:s18+$0x0 ss:$0x81] =	vst.msk $0xffff, v63;
	s15 =	sadd.s32 s19, s15  }
0x19: {  	[hbm4b:s15+s14] =	stream.strided.scatter [tilespmem:s17], [sflag:$0x2], $0x4000, s9, s14, $0x20;
	[tilespmem:$0x10100] =	vst v63  }
.LBB1_5:
0x1a: {  	s17 =	sadd.s32 $0x80, s10  }
0x1b: {  	s14 =	sadd.s32 $0x400, s11;
	s18 =	smov.u32 s11;
	p2 =	sgt.s32 s17, $0x7FF  }
0x1c: {  	s18 =	smov.u32 @p2 s14  }
0x1d: {  	s20 =	smov.u32 s12;
	s14 =	sadd.s32 $0x4, s12;
	p3 =	sgt.s32 s18, $0x3FF  }
0x1e: {  	s20 =	smov.u32 @p3 s14  }
0x1f: {  	s17 =	simm.s32 @p2 $0x0;
	p2 =	sgt.s32 s20, $0x3  }
0x20: {  	p1 =	slt.u32 s13, $0x2;
	s20 =	smov.u32 @p2 s5;
	p2 =	sne.s32 s13, s8  }
.Ltmp1:
0x21: {  	s19 =	simm.s32 @!p1 $0x2;
	(pc) =	sbr.rel @!p2 .LBB1_6-.Ltmp1, $4  }
0x22: {  	s16 =	smov.u32 s10;
	s15 =	smov.u32 s12;
	_ =	swait.ge @!p1 [sflag:s19], $0x4000  }
0x23: {  	p0 =	por !p0, !p0;
	[sflag:s19] =	ssyncset.done @!p1 $0x0;
	s10 =	smov.u32 s17  }
0x24: {  	s18 =	smov.u32 @p3 s2;
	s14 =	smov.u32 s11;
	[sflag:s19] =	ssyncadd.s32 @!p1 $0xFFFFC000  }
0x25: {  	s11 =	smov.u32 s18;
	s13 =	sadd.s32 $0x1, s13;
	s12 =	smov.u32 s20  }
.LBB1_1:
0x26: {  	p1 =	sge.u32 s13, s7;
	s31 =	sadd.s32 $0xFFFFFFFF, s13  }
0x27: {  	s17 =	sxor.u32 @!p1 $0xFFFFFFFF, s13;
	s18 =	sand.u32 @!p1 $0x78, s10;
	s19 =	sshll.u32 @!p1 s11, $0xB  }
0x28: {  	s20 =	sshll.u32 @!p1 s11, $0x7;
	s21 =	sshll.u32 @!p1 s10, $0x3;
	s17 =	sshll.u32 @!p1 s17, $0xE  }
0x29: {  	s19 =	sand.u32 @!p1 $0x1FC000, s19;
	s20 =	sand.u32 @!p1 $0x380, s20;
	s17 =	sand.u32 @!p1 $0x4000, s17  }
0x2a: {  	s19 =	sadd.s32 @!p1 s19, s21;
	s21 =	sand.u32 @!p1 $0x400, s21;
	s18 =	sor.u32 @!p1 s20, s18  }
0x2b: {  	s20 =	sshll.u32 @!p1 s12, $0x12;
	s18 =	sor.u32 @!p1 s21, s18;
	s19 =	sshrl.u32 @!p1 s19, $0x3  }
0x2c: {  	s20 =	sadd.s32 @!p1 s3, s20;
	s21 =	sand.u32 @!p1 $0x7, s10;
	s19 =	sand.u32 @!p1 $0x3FF00, s19  }
0x2d: {  	s18 =	sshrl.u32 @!p1 s18, $0x3;
	s19 =	sadd.s32 @!p1 s19, s20;
	s20 =	sshll.u32 @!p1 s21, $0x12  }
0x2e: {  	s18 =	sadd.s32 @!p1 s18, s19;
	s19 =	sor.u32 @!p1 $0x400, s20;
	s20 =	simm.s32 @!p1 $0x4000  }
0x2f: {  	[tilespmem:s17], [sflag:$0x1] =	stream.strided.gather @!p1 [hbm4b:s18+s19], $0x4000, s20, s19, $0x38;
	[tilespmem:$0x10100] =	vst v63  }
0x30: {  	p1 =	sge.u32 s31, s7  }
.Ltmp2:
0x31: {  	_ = 	snop;
	(pc) =	sbr.rel @p1 .LBB1_5-.Ltmp2, $1  }
0x32: {  	_ =	sdelay $0x3  }
0x33: {  	s17 =	simm.s32 $0x1  }
0x34: {  	_ =	swait.ge [sflag:s6], $0x4000;
	s17 =	simm.s32 @!p0 $0x0  }
0x35: {  	[sflag:s6] =	ssyncset.done $0x0;
	s18 =	sshll.u32 s17, $0xE  }
0x36: {  	[sflag:s6] =	ssyncadd.s32 $0xFFFFC000;
	s20 =	sor.u32 $0x40, s18  }
0x37: {  	s17 =	smul.u32 $0x10200, s17;
	v0 =	vld [tilespmem:s20+$0x30]  }
0x38: {  	v3 =	vld [tilespmem:s20+$0xFFFFFFD0]  }
0x39: {  	s17 =	sshrl.u32 s17, $0x2;
	v4 =	vld [tilespmem:s20+$0xFFFFFFE0]  }
0x3a: {  	v5 =	vld [tilespmem:s20+$0xFFFFFFF0];
	s18 =	sor.u32 $0x8000, s17  }
0x3b: {  	s31 =	sand.u32 $0x1, s13;
	v1 =	vld [tilespmem:s20+$0x0];
	s19 =	sadd.s32 $0x0, s18  }
0x3c: {  	v2 =	vld [tilespmem:s20+$0x10];
	s17 =	smul.u32 $0x10200, s31;
	[tilespmem:s19+$0x3870 ss:$0x81] =	vst.msk $0xffff, v0  }
0x3d: {  	[tilespmem:s19+$0x810 ss:$0x81] =	vst.msk $0xffff, v3;
	v3 =	vld [tilespmem:s20+$0x20]  }
0x3e: {  	s17 =	sshrl.u32 s17, $0x2;
	v0 =	vld [tilespmem:s20+$0xFFFFFFC0];
	[tilespmem:s19+$0x1020 ss:$0x81] =	vst.msk $0xffff, v4;
	s20 =	sadd.s32 $0x80, s20  }
0x3f: {  	s21 =	simm.s32 $0x4;
	s22 =	simm.s32 $0x8;
	s17 =	sor.u32 $0x8000, s17;
	[tilespmem:s19+$0x1830 ss:$0x81] =	vst.msk $0xffff, v5;
	v4 =	vld [tilespmem:s20+$0x30]  }
.LBB1_3:
0x40: {  	p1 =	sne.s32 s22, $0x1FC;
	v5 =	vld [tilespmem:s20+$0xFFFFFFD0];
	[tilespmem:s19+$0x2040 ss:$0x81] =	vst.msk $0xffff, v1  }
0x41: {  	v6 =	vld [tilespmem:s20+$0xFFFFFFE0];
	[tilespmem:s19+$0x2850 ss:$0x81] =	vst.msk $0xffff, v2  }
0x42: {  	s23 =	sshra.s32 s21, $0x2;
	s21 =	smov.u32 s22;
	v7 =	vld [tilespmem:s20+$0xFFFFFFF0];
	[tilespmem:s19+$0x3060 ss:$0x81] =	vst.msk $0xffff, v3  }
.Ltmp3:
0x43: {  	v1 =	vld [tilespmem:s20+$0x0];
	[tilespmem:s19+$0x0 ss:$0x81] =	vst.msk $0xffff, v0;
	s19 =	sadd.s32 s23, s18;
	(pc) =	sbr.rel @p1 .LBB1_3-.Ltmp3, $4  }
0x44: {  	v2 =	vld [tilespmem:s20+$0x10];
	[tilespmem:s19+$0x3870 ss:$0x81] =	vst.msk $0xffff, v4  }
0x45: {  	[tilespmem:s19+$0x810 ss:$0x81] =	vst.msk $0xffff, v5;
	v3 =	vld [tilespmem:s20+$0x20]  }
0x46: {  	v0 =	vld [tilespmem:s20+$0xFFFFFFC0];
	[tilespmem:s19+$0x1020 ss:$0x81] =	vst.msk $0xffff, v6;
	s20 =	sadd.s32 $0x80, s20  }
0x47: {  	s22 =	sadd.s32 $0x4, s22;
	v4 =	vld [tilespmem:s20+$0x30];
	[tilespmem:s19+$0x1830 ss:$0x81] =	vst.msk $0xffff, v7  }
.Ltmp4:
0x48: {  	_ = 	snop;
	(pc) =	sbr.rel .LBB1_4-.Ltmp4, $1  }
0x49: {  	_ =	sdelay $0x3  }
.LBB1_6:
0x4a: {  	_ =	sfence.sel $0x180000  }
0x4b: {  	s2 =	simm.s32 $0x1;
	[bflag:$0x0] =	sbarrier.arrive $0xFFFF  }
0x4c: {  	s31 =	simm.s32 $0x2;
	[sflag:s2] =	ssyncpa.u1 $0x1  }
0x4d: {  	[sflag:s31] =	ssyncpa.u1 $0x1  }
0x4e: {  	p0 =	sne.s32 s0, $0x0;
	_ =	strace $0x90000047  }
0x4f: {  	s0 =	sadd.s32 @!p0 $0x100000, s1;
	[bflag:$0x2] =	sbarrier.arrive $0xFFFF  }
0x50: {  	[sflag:s0] =	ssyncadd.tile.s32 @!p0 $0x1;
	_ =	shalt  }
.Lfunc_end1:
_tile_overlayer_lowered:
.L_overlay_start_2:
0x51: {  	(tag) =	ssettag $0x2  }
0x52: {  	s0 =	rddreg [dreg:$0x0];
	s2 =	stileid.u32  }
0x53: {  	s1 =	rddreg [dreg:$0x1];
	p0 =	sne.s32 s2, $0x0  }
0x54: {  	s3 =	rddreg [dreg:$0x2];
	[bflag:$0x3] =	sbarrier.arrive $0xFFFF;
	s2 =	simm.s32 @!p0 $0x1C01  }
0x55: {  	[timem:s3], [sflag:s2] =	dma.local @!p0 [hbm:s0], s1  }
0x56: {  	s0 =	simm.s32 @!p0 $0x1  }
0x57: {  	_ =	swait.ge @!p0 [sflag:s0], s1  }
0x58: {  	s1 =	ssub.s32 @!p0 $0x0, s1;
	[sflag:s0] =	ssyncset.done @!p0 $0x0  }
0x59: {  	[sflag:s0] =	ssyncadd.s32 @!p0 s1  }
0x5a: {  	[bflag:$0x3] =	sbarrier.arrive $0xFFFF  }
0x5b: {  	_ =	shalt  }

</sc_bundles>
